<compile_context>
chip_gen: v7x
topology: tpu7x:2x2x1
jax: 0.10.2.dev20260603
libtpu: 0.0.44.dev20260713+nightly
codegen_flags: <defaults>
</compile_context>

<pallas_src>
import functools

import jax
import jax.numpy as jnp
from jax import lax
from jax.experimental import pallas as pl
from jax.experimental.pallas import tpu as pltpu
from jax.experimental.pallas import tpu_sc as plsc



def _table_body(f_ref, n_ref, w_ref, out_ref):
    f = (f_ref[...] * n_ref[...]).astype(jnp.bfloat16)
    w = w_ref[pl.program_id(1)].astype(jnp.bfloat16)
    acc = lax.dot_general(f, w, (((1,), (1,)), ((), ())),
                          preferred_element_type=jnp.float32)
    acc = acc * (1.0 / 9.0)
    half = acc.shape[1] // 2
    out_ref[0] = acc[:, :half]
    out_ref[1] = acc[:, half:]


def _build_table(feature, norm, W):
    n, din = feature.shape
    num_div, dout, _ = W.shape
    bn = 2000
    grid = (n // bn, num_div)
    out = pl.pallas_call(
        _table_body,
        grid=grid,
        in_specs=[
            pl.BlockSpec((bn, din), lambda nb, d: (nb, 0)),
            pl.BlockSpec((bn, 1), lambda nb, d: (nb, 0)),
            pl.BlockSpec((num_div, dout, din), lambda nb, d: (0, 0, 0)),
        ],
        out_specs=pl.BlockSpec(
            (2, bn, dout // 2),
            lambda nb, d, n_blocks=n // bn: (0, d * n_blocks + nb, 0)),
        out_shape=jax.ShapeDtypeStruct((2, num_div * n, dout // 2),
                                       jnp.float32),
    )(feature, norm, W)
    return out.reshape(2 * num_div * n, dout // 2)



def _sc_scatter(table, eflat, div, n, num_div):
    e = eflat.shape[0] // 2
    half = table.shape[1]
    info = plsc.get_sparse_core_info()
    nc, ns = info.num_cores, info.num_subcores
    K = 80
    ept = e // ns
    nwin = ept // K
    ch = 80
    nchunks = n // ch

    mesh = plsc.VectorSubcoreMesh(core_axis_name="c", subcore_axis_name="s")

    NB = 4

    @functools.partial(
        pl.kernel,
        out_type=jax.ShapeDtypeStruct((nc * n, half), jnp.float32),
        mesh=mesh,
        scratch_types=[
            pltpu.VMEM_SHARED((n, half), jnp.float32),
            [pltpu.VMEM((K,), jnp.int32)] * NB,
            [pltpu.VMEM((K,), jnp.int32)] * NB,
            [pltpu.VMEM((K,), jnp.int32)] * NB,
            [pltpu.VMEM((K,), jnp.int32)] * NB,
            [pltpu.VMEM((K, half), jnp.float32)] * NB,
            pltpu.SemaphoreType.DMA,
            pltpu.SemaphoreType.DMA,
            pltpu.SemaphoreType.DMA,
        ],
    )
    def k(table_hbm, eflat_hbm, div_hbm, out_hbm,
          acc, src_v, div_v, dst_v, gidx_v, rows_v,
          isem, gsem, ssem):
        c = lax.axis_index("c")
        s = lax.axis_index("s")
        stage_v = rows_v[0]

        zero16 = jnp.zeros((16,), jnp.float32)

        def zrow(i, _):
            def zcol(j, _):
                stage_v[i, pl.ds(j * 16, 16)] = zero16
                return 0
            return lax.fori_loop(0, half // 16, zcol, 0)
        lax.fori_loop(0, ch, zrow, 0)
        nch = (nchunks - 1 - s) // ns + 1

        def zchunk(i, _):
            q = s + i * ns
            pltpu.async_copy(stage_v, acc.at[pl.ds(q * ch, ch)], ssem)
            return 0
        lax.fori_loop(0, nch, zchunk, 0)

        def zdrain(i, _):
            pltpu.make_async_copy(stage_v, acc.at[pl.ds(0, ch)], ssem).wait()
            return 0
        lax.fori_loop(0, nch, zdrain, 0)
        plsc.subcore_barrier()

        coff = c * (num_div * n)
        ebase = s * ept

        def load_idx(w, b):
            e0 = ebase + w * K
            pltpu.async_copy(eflat_hbm.at[pl.ds(e0, K)], src_v[b], isem)
            pltpu.async_copy(div_hbm.at[pl.ds(e0, K)], div_v[b], isem)
            pltpu.async_copy(eflat_hbm.at[pl.ds(e + e0, K)], dst_v[b], isem)

        def drain_idx(b):
            pltpu.make_async_copy(eflat_hbm.at[pl.ds(0, K)], src_v[b], isem).wait()
            pltpu.make_async_copy(div_hbm.at[pl.ds(0, K)], div_v[b], isem).wait()
            pltpu.make_async_copy(eflat_hbm.at[pl.ds(0, K)], dst_v[b], isem).wait()

        def compute_gidx(b):
            for j in range(K // 16):
                sl = pl.ds(j * 16, 16)
                gidx_v[b][sl] = div_v[b][sl] * n + src_v[b][sl] + coff

        def start_gather(b):
            pltpu.async_copy(table_hbm.at[gidx_v[b]], rows_v[b], gsem)

        def drain_gather(b):
            pltpu.make_async_copy(
                table_hbm.at[pl.ds(0, K)], rows_v[b], gsem).wait()

        def start_scatter(b):
            pltpu.async_copy(rows_v[b], acc.at[dst_v[b]], ssem, add=True)

        def drain_scatter():
            pltpu.make_async_copy(rows_v[0], acc.at[dst_v[0]], ssem).wait()

        def body(w, b, do_sdrain, pre_w, nxt_w):
            if do_sdrain:
                drain_scatter()
            if pre_w is not None:
                load_idx(pre_w, (b + 2) % NB)
            if nxt_w is not None:
                drain_idx((b + 1) % NB)
                compute_gidx((b + 1) % NB)
                start_gather((b + 1) % NB)
            drain_gather(b)
            start_scatter(b)

        load_idx(0, 0)
        load_idx(1, 1)
        drain_idx(0)
        compute_gidx(0)
        start_gather(0)
        for w in range(2):
            body(w, w % NB, False, w + 2, w + 1)

        def group(g, _):
            for j in range(NB):
                w = 2 + g * NB + j
                b = (2 + j) % NB
                drain_scatter()
                load_idx(w + 2, (b + 2) % NB)
                drain_idx((b + 1) % NB)
                compute_gidx((b + 1) % NB)
                start_gather((b + 1) % NB)
                drain_gather(b)
                start_scatter(b)
            return 0
        lax.fori_loop(0, (nwin - 9) // NB, group, 0)

        for w in range(nwin - 7, nwin):
            b = w % NB
            pre = w + 2 if w + 2 <= nwin - 1 else None
            nxt = w + 1 if w + 1 <= nwin - 1 else None
            body(w, b, True, pre, nxt)
        for _ in range(2):
            drain_scatter()
        plsc.subcore_barrier()

        def wchunk(i, _):
            r0 = (s + i * ns) * ch
            pltpu.sync_copy(acc.at[pl.ds(r0, ch)], stage_v)
            pltpu.sync_copy(stage_v, out_hbm.at[pl.ds(c * n + r0, ch)])
            return 0
        lax.fori_loop(0, nch, wchunk, 0)

    return k(table, eflat, div)



def _final_body(p_ref, n_ref, out_ref):
    nb = n_ref[...]
    half = p_ref.shape[2]
    out_ref[:, :half] = jnp.maximum(p_ref[0] * nb, 0.0)
    out_ref[:, half:] = jnp.maximum(p_ref[1] * nb, 0.0)


def _finalize(parts, norm):
    _, n, half = parts.shape
    bn = 1000
    return pl.pallas_call(
        _final_body,
        grid=(n // bn,),
        in_specs=[
            pl.BlockSpec((2, bn, half), lambda nb: (0, nb, 0)),
            pl.BlockSpec((bn, 1), lambda nb: (nb, 0)),
        ],
        out_specs=pl.BlockSpec((bn, 2 * half), lambda nb: (nb, 0)),
        out_shape=jax.ShapeDtypeStruct((n, 2 * half), jnp.float32),
    )(parts, norm)


def kernel(feature, edge_index, subgraph_idx, norm, W):
    n = feature.shape[0]
    num_div = W.shape[0]
    table = _build_table(feature, norm, W)
    acc = _sc_scatter(table, edge_index.reshape(-1), subgraph_idx,
                      n, num_div)
    parts = acc.reshape(2, n, table.shape[1])
    return _finalize(parts, norm)

# --- scband reference (transcript-rebuilt; emitter-appended) ---
"""Pipeline reference for scband-geom-gcnsingle-channel-7164005450399 (READ-ONLY COPY).

The authoritative reference and input builder live on the scoring server;
editing this copy changes nothing except your own understanding.
"""

import jax, jax.numpy as jnp
import numpy as np

N = 10000
E = 160000
DIN = 256
DOUT = 256
NUM_DIV = 9


def setup_inputs(seed: int = 0) -> dict:
    key = jax.random.key(seed)
    k1, k2, k3, k4, k5 = jax.random.split(key, 5)
    feature = jax.random.normal(k1, (N, DIN), dtype=jnp.float32)
    edge_index = jax.random.randint(k2, (2, E), 0, N, dtype=jnp.int32)
    subgraph_idx = jax.random.randint(k3, (E,), 0, NUM_DIV, dtype=jnp.int32)
    norm = jax.random.uniform(k4, (N, 1), dtype=jnp.float32, minval=0.1, maxval=1.0)
    # per-division linear weights, xavier_uniform init, stored as [out, in] like nn.Linear
    limit = float(np.sqrt(6.0 / (DIN + DOUT)))
    W = jax.random.uniform(k5, (NUM_DIV, DOUT, DIN), dtype=jnp.float32, minval=-limit, maxval=limit)
    return {"feature": feature, "edge_index": edge_index, "subgraph_idx": subgraph_idx, "norm": norm, "W": W}


def reference(feature, edge_index, subgraph_idx, norm, W):
    # dropout is identity in eval mode
    n = feature.shape[0]
    num_div = W.shape[0]
    dout = W.shape[1]
    src = edge_index[0]
    dst = edge_index[1]
    results = []
    for i in range(num_div):
        # Linear_i(h) * norm on all nodes (nodes outside the edge subgraph
        # contribute nothing since their edges are masked out)
        Wh = jnp.dot(feature, W[i].T) * norm
        mask = (subgraph_idx == i)
        msg = jnp.where(mask[:, None], Wh[src], jnp.zeros((), dtype=feature.dtype))
        # copy_u + sum reduce: scatter-add messages into destination nodes
        h_i = jnp.zeros((n, dout), dtype=feature.dtype).at[dst].add(msg)
        results.append(h_i)
    # merge == 'mean'
    h_new = jnp.mean(jnp.stack(results, axis=-1), axis=-1)
    h_new = h_new * norm
    return jax.nn.relu(h_new)

if __name__ == "__main__":
    import jax
    _d = setup_inputs()
    print(jax.jit(kernel)(*tuple(_d.values())))

</pallas_src>

<mosaic_0001>
#map = affine_map<(d0, d1) -> (0, 0)>
#map1 = affine_map<(d0, d1) -> (0)>
module attributes {stable_mosaic.version = 14 : i64} {
  func.func @k(%arg0: i32, %arg1: i32, %arg2: memref<180000x128xf32, #tpu.memory_space<hbm>>, %arg3: memref<320000xi32, #tpu.memory_space<hbm>>, %arg4: memref<160000xi32, #tpu.memory_space<hbm>>, %arg5: memref<20000x128xf32, #tpu.memory_space<hbm>>, %arg6: memref<10000x128xf32, #tpu.memory_space<vmem_shared>>, %arg7: memref<80xi32, #tpu.memory_space<vmem>>, %arg8: memref<80xi32, #tpu.memory_space<vmem>>, %arg9: memref<80xi32, #tpu.memory_space<vmem>>, %arg10: memref<80xi32, #tpu.memory_space<vmem>>, %arg11: memref<80xi32, #tpu.memory_space<vmem>>, %arg12: memref<80xi32, #tpu.memory_space<vmem>>, %arg13: memref<80xi32, #tpu.memory_space<vmem>>, %arg14: memref<80xi32, #tpu.memory_space<vmem>>, %arg15: memref<80xi32, #tpu.memory_space<vmem>>, %arg16: memref<80xi32, #tpu.memory_space<vmem>>, %arg17: memref<80xi32, #tpu.memory_space<vmem>>, %arg18: memref<80xi32, #tpu.memory_space<vmem>>, %arg19: memref<80xi32, #tpu.memory_space<vmem>>, %arg20: memref<80xi32, #tpu.memory_space<vmem>>, %arg21: memref<80xi32, #tpu.memory_space<vmem>>, %arg22: memref<80xi32, #tpu.memory_space<vmem>>, %arg23: memref<80x128xf32, #tpu.memory_space<vmem>>, %arg24: memref<80x128xf32, #tpu.memory_space<vmem>>, %arg25: memref<80x128xf32, #tpu.memory_space<vmem>>, %arg26: memref<80x128xf32, #tpu.memory_space<vmem>>, %arg27: memref<!tpu.dma_semaphore, #tpu.memory_space<semaphore_mem>>, %arg28: memref<!tpu.dma_semaphore, #tpu.memory_space<semaphore_mem>>, %arg29: memref<!tpu.dma_semaphore, #tpu.memory_space<semaphore_mem>>) attributes {dimension_semantics = [#tpu.dimension_semantics<core_parallel>, #tpu.dimension_semantics<subcore_parallel>], iteration_bounds = array<i64: 2, 16>, scalar_prefetch = 0 : i64, scratch_operands = 24 : i64, tpu.core_type = #tpu.core_type<sc_vector_subcore>, window_params = [{transform_indices = #map}, {transform_indices = #map1}, {transform_indices = #map1}, {transform_indices = #map}]} {
    %broadcast_in_dim3A = arith.constant 0.000000e+00 : f32
    %broadcast_in_dim3A_0 = vector.broadcast %broadcast_in_dim3A : f32 to vector<16xf32>
    %scan3A = arith.constant 0 : i32
    %scan3A_1 = arith.constant 0 : i32
    %scan3A_2 = arith.constant 80 : i32
    %scan3A_3 = arith.addi %scan3A_1, %scan3A_2 : i32
    %scan3A_4 = arith.constant 1 : i32
    %scan3A_5 = scf.for %scan3A_1121 = %scan3A_1 to %scan3A_3 step %scan3A_4 iter_args(%scan3A_1122 = %scan3A) -> (i32)  : i32 {
      %scan3A_1123 = arith.constant 0 : i32
      %scan3A_1124 = arith.constant 0 : i32
      %scan3A_1125 = arith.constant 8 : i32
      %scan3A_1126 = arith.addi %scan3A_1124, %scan3A_1125 : i32
      %scan3A_1127 = arith.constant 1 : i32
      %scan3A_1128 = scf.for %scan3A_1130 = %scan3A_1124 to %scan3A_1126 step %scan3A_1127 iter_args(%scan3A_1131 = %scan3A_1123) -> (i32)  : i32 {
        %mul3A_1132 = arith.constant 16 : i32
        %mul3A_1133 = arith.muli %scan3A_1130, %mul3A_1132 : i32
        %swap3A_1134 = arith.index_cast %scan3A_1121 : i32 to index
        %swap3A_1135 = arith.index_cast %mul3A_1133 : i32 to index
        %swap3A_1136 = tpu.vector_load %arg23[%swap3A_1134, %swap3A_1135] {strides = array<i32>} : memref<80x128xf32, #tpu.memory_space<vmem>>, vector<1x16xf32>,
        %swap3A_1137 = vector.shape_cast %swap3A_1136 : vector<1x16xf32> to vector<16xf32>
        %swap3A_1138 = vector.shape_cast %broadcast_in_dim3A_0 : vector<16xf32> to vector<1x16xf32>
        tpu.vector_store %arg23[%swap3A_1134, %swap3A_1135], %swap3A_1138 {strides = array<i32>} : memref<80x128xf32, #tpu.memory_space<vmem>>, vector<1x16xf32>,
        %scan3A_1139 = arith.constant 0 : i32
        scf.yield %scan3A_1139 : i32
      }
      %scan3A_1129 = arith.constant 8 : i32
      scf.yield %scan3A_1128 : i32
    }
    %scan3A_6 = arith.constant 80 : i32
    %sub3A = arith.constant 124 : i32
    %sub3A_7 = arith.subi %sub3A, %arg1 : i32
    %jit3A = arith.constant 16 : i32
    %div3A = arith.divsi %sub3A_7, %jit3A : i32
    %sign3A = arith.constant 0 : i32
    %sign3A_8 = arith.cmpi sgt, %sub3A_7, %sign3A : i32
    %sign3A_9 = arith.extui %sign3A_8 : i1 to i32
    %sign3A_10 = arith.constant 0 : i32
    %sign3A_11 = arith.cmpi slt, %sub3A_7, %sign3A_10 : i32
    %sign3A_12 = arith.extui %sign3A_11 : i1 to i32
    %sign3A_13 = arith.subi %sign3A_9, %sign3A_12 : i32
    %sign3A_14 = arith.constant 0 : i32
    %sign3A_15 = arith.cmpi sgt, %jit3A, %sign3A_14 : i32
    %sign3A_16 = arith.extui %sign3A_15 : i1 to i32
    %sign3A_17 = arith.constant 0 : i32
    %sign3A_18 = arith.cmpi slt, %jit3A, %sign3A_17 : i32
    %sign3A_19 = arith.extui %sign3A_18 : i1 to i32
    %sign3A_20 = arith.subi %sign3A_16, %sign3A_19 : i32
    %ne3A = arith.cmpi ne, %sign3A_13, %sign3A_20 : i32
    %rem3A = arith.remsi %sub3A_7, %jit3A : i32
    %ne3A_21 = arith.constant 0 : i32
    %ne3A_22 = arith.cmpi ne, %rem3A, %ne3A_21 : i32
    %and3A = arith.andi %ne3A, %ne3A_22 : i1
    %sub3A_23 = arith.constant 1 : i32
    %sub3A_24 = arith.subi %div3A, %sub3A_23 : i32
    %select_n3A = arith.select %and3A, %sub3A_24, %div3A : i32
    %add3A = arith.constant 1 : i32
    %add3A_25 = arith.addi %select_n3A, %add3A : i32
    %while3A = arith.constant 0 : i32
    %while3A_26 = arith.constant 0 : i32
    %while3A_27 = arith.subi %add3A_25, %while3A : i32
    %while3A_28 = arith.addi %while3A, %while3A_27 : i32
    %while3A_29 = arith.constant 1 : i32
    %while3A_30 = arith.divsi %while3A_27, %while3A_29 : i32
    %while3A_31 = arith.muli %while3A_30, %while3A_29 : i32
    %while3A_32 = arith.addi %while3A, %while3A_31 : i32
    %while3A_33 = arith.constant 1 : i32
    %while3A_34 = scf.for %while3A_1121 = %while3A to %while3A_32 step %while3A_33 iter_args(%while3A_1122 = %while3A_26) -> (i32)  : i32 {
      %mul3A_1123 = arith.constant 16 : i32
      %mul3A_1124 = arith.muli %while3A_1121, %mul3A_1123 : i32
      %add3A_1125 = arith.addi %arg1, %mul3A_1124 : i32
      %mul3A_1126 = arith.constant 80 : i32
      %mul3A_1127 = arith.muli %add3A_1125, %mul3A_1126 : i32
      %dma_start3A_1128 = arith.constant 0 : i32
      %dma_start3A_1129 = tpu.memref_slice %arg6[%mul3A_1127, %dma_start3A_1128] : memref<10000x128xf32, #tpu.memory_space<vmem_shared>> -> memref<80x128xf32, #tpu.memory_space<vmem_shared>>
      %dma_start3A_1130 = arith.constant 0 : i32
      %dma_start3A_1131 = tpu.memref_slice %arg6[%mul3A_1127, %dma_start3A_1130] : memref<10000x128xf32, #tpu.memory_space<vmem_shared>> -> memref<80x128xf32, #tpu.memory_space<vmem_shared>>
      tpu.enqueue_dma source(%arg23 : memref<80x128xf32, #tpu.memory_space<vmem>>) target(%dma_start3A_1131 : memref<80x128xf32, #tpu.memory_space<vmem_shared>>) target_semaphore(%arg29 : memref<!tpu.dma_semaphore, #tpu.memory_space<semaphore_mem>>)
      %while3A_1132 = arith.constant 0 : i32
      scf.yield %while3A_1132 : i32
    }
    %while3A_35 = arith.constant 1 : i32
    %while3A_36 = scf.for %while3A_1121 = %while3A_32 to %while3A_28 step %while3A_35 iter_args(%while3A_1122 = %while3A_34) -> (i32)  : i32 {
      %mul3A_1123 = arith.constant 16 : i32
      %mul3A_1124 = arith.muli %while3A_1121, %mul3A_1123 : i32
      %add3A_1125 = arith.addi %arg1, %mul3A_1124 : i32
      %mul3A_1126 = arith.constant 80 : i32
      %mul3A_1127 = arith.muli %add3A_1125, %mul3A_1126 : i32
      %dma_start3A_1128 = arith.constant 0 : i32
      %dma_start3A_1129 = tpu.memref_slice %arg6[%mul3A_1127, %dma_start3A_1128] : memref<10000x128xf32, #tpu.memory_space<vmem_shared>> -> memref<80x128xf32, #tpu.memory_space<vmem_shared>>
      %dma_start3A_1130 = arith.constant 0 : i32
      %dma_start3A_1131 = tpu.memref_slice %arg6[%mul3A_1127, %dma_start3A_1130] : memref<10000x128xf32, #tpu.memory_space<vmem_shared>> -> memref<80x128xf32, #tpu.memory_space<vmem_shared>>
      tpu.enqueue_dma source(%arg23 : memref<80x128xf32, #tpu.memory_space<vmem>>) target(%dma_start3A_1131 : memref<80x128xf32, #tpu.memory_space<vmem_shared>>) target_semaphore(%arg29 : memref<!tpu.dma_semaphore, #tpu.memory_space<semaphore_mem>>)
      %while3A_1132 = arith.constant 0 : i32
      scf.yield %while3A_1132 : i32
    }
    %while3A_37 = arith.constant 0 : i32
    %while3A_38 = arith.constant 0 : i32
    %while3A_39 = arith.subi %add3A_25, %while3A_37 : i32
    %while3A_40 = arith.addi %while3A_37, %while3A_39 : i32
    %while3A_41 = arith.constant 1 : i32
    %while3A_42 = arith.divsi %while3A_39, %while3A_41 : i32
    %while3A_43 = arith.muli %while3A_42, %while3A_41 : i32
    %while3A_44 = arith.addi %while3A_37, %while3A_43 : i32
    %while3A_45 = arith.constant 1 : i32
    %while3A_46 = scf.for %while3A_1121 = %while3A_37 to %while3A_44 step %while3A_45 iter_args(%while3A_1122 = %while3A_38) -> (i32)  : i32 {
      %dma_wait3A_1123 = arith.constant 0 : i32
      %dma_wait3A_1124 = arith.constant 0 : i32
      %dma_wait3A_1125 = tpu.memref_slice %arg6[%dma_wait3A_1123, %dma_wait3A_1124] : memref<10000x128xf32, #tpu.memory_space<vmem_shared>> -> memref<80x128xf32, #tpu.memory_space<vmem_shared>>
      %dma_wait3A_1126 = arith.constant 0 : i32
      %dma_wait3A_1127 = arith.constant 0 : i32
      %dma_wait3A_1128 = tpu.memref_slice %arg6[%dma_wait3A_1126, %dma_wait3A_1127] : memref<10000x128xf32, #tpu.memory_space<vmem_shared>> -> memref<80x128xf32, #tpu.memory_space<vmem_shared>>
      tpu.wait_dma2 semaphore(%arg29 : memref<!tpu.dma_semaphore, #tpu.memory_space<semaphore_mem>>) src(%arg23 : memref<80x128xf32, #tpu.memory_space<vmem>>) dst(%dma_wait3A_1128 : memref<80x128xf32, #tpu.memory_space<vmem_shared>>)
      %while3A_1129 = arith.constant 0 : i32
      scf.yield %while3A_1129 : i32
    }
    %while3A_47 = arith.constant 1 : i32
    %while3A_48 = scf.for %while3A_1121 = %while3A_44 to %while3A_40 step %while3A_47 iter_args(%while3A_1122 = %while3A_46) -> (i32)  : i32 {
      %dma_wait3A_1123 = arith.constant 0 : i32
      %dma_wait3A_1124 = arith.constant 0 : i32
      %dma_wait3A_1125 = tpu.memref_slice %arg6[%dma_wait3A_1123, %dma_wait3A_1124] : memref<10000x128xf32, #tpu.memory_space<vmem_shared>> -> memref<80x128xf32, #tpu.memory_space<vmem_shared>>
      %dma_wait3A_1126 = arith.constant 0 : i32
      %dma_wait3A_1127 = arith.constant 0 : i32
      %dma_wait3A_1128 = tpu.memref_slice %arg6[%dma_wait3A_1126, %dma_wait3A_1127] : memref<10000x128xf32, #tpu.memory_space<vmem_shared>> -> memref<80x128xf32, #tpu.memory_space<vmem_shared>>
      tpu.wait_dma2 semaphore(%arg29 : memref<!tpu.dma_semaphore, #tpu.memory_space<semaphore_mem>>) src(%arg23 : memref<80x128xf32, #tpu.memory_space<vmem>>) dst(%dma_wait3A_1128 : memref<80x128xf32, #tpu.memory_space<vmem_shared>>)
      %while3A_1129 = arith.constant 0 : i32
      scf.yield %while3A_1129 : i32
    }
    %barrier3A = arith.constant 0 : index
    tpu.barrier barrier_id(%barrier3A)
    %mul3A = arith.constant 90000 : i32
    %mul3A_49 = arith.muli %arg0, %mul3A : i32
    %mul3A_50 = arith.constant 10000 : i32
    %mul3A_51 = arith.muli %arg1, %mul3A_50 : i32
    %add3A_52 = arith.constant 0 : i32
    %add3A_53 = arith.addi %mul3A_51, %add3A_52 : i32
    %dma_start3A = tpu.memref_slice %arg3[%add3A_53] : memref<320000xi32, #tpu.memory_space<hbm>> -> memref<80xi32, #tpu.memory_space<hbm>>
    %dma_start3A_54 = tpu.memref_slice %arg3[%add3A_53] : memref<320000xi32, #tpu.memory_space<hbm>> -> memref<80xi32, #tpu.memory_space<hbm>>
    tpu.enqueue_dma source(%dma_start3A_54 : memref<80xi32, #tpu.memory_space<hbm>>) target(%arg7 : memref<80xi32, #tpu.memory_space<vmem>>) target_semaphore(%arg27 : memref<!tpu.dma_semaphore, #tpu.memory_space<semaphore_mem>>)
    %dma_start3A_55 = tpu.memref_slice %arg4[%add3A_53] : memref<160000xi32, #tpu.memory_space<hbm>> -> memref<80xi32, #tpu.memory_space<hbm>>
    %dma_start3A_56 = tpu.memref_slice %arg4[%add3A_53] : memref<160000xi32, #tpu.memory_space<hbm>> -> memref<80xi32, #tpu.memory_space<hbm>>
    tpu.enqueue_dma source(%dma_start3A_56 : memref<80xi32, #tpu.memory_space<hbm>>) target(%arg11 : memref<80xi32, #tpu.memory_space<vmem>>) target_semaphore(%arg27 : memref<!tpu.dma_semaphore, #tpu.memory_space<semaphore_mem>>)
    %add3A_57 = arith.constant 160000 : i32
    %add3A_58 = arith.addi %add3A_57, %add3A_53 : i32
    %dma_start3A_59 = tpu.memref_slice %arg3[%add3A_58] : memref<320000xi32, #tpu.memory_space<hbm>> -> memref<80xi32, #tpu.memory_space<hbm>>
    %dma_start3A_60 = tpu.memref_slice %arg3[%add3A_58] : memref<320000xi32, #tpu.memory_space<hbm>> -> memref<80xi32, #tpu.memory_space<hbm>>
    tpu.enqueue_dma source(%dma_start3A_60 : memref<80xi32, #tpu.memory_space<hbm>>) target(%arg15 : memref<80xi32, #tpu.memory_space<vmem>>) target_semaphore(%arg27 : memref<!tpu.dma_semaphore, #tpu.memory_space<semaphore_mem>>)
    %add3A_61 = arith.constant 80 : i32
    %add3A_62 = arith.addi %mul3A_51, %add3A_61 : i32
    %dma_start3A_63 = tpu.memref_slice %arg3[%add3A_62] : memref<320000xi32, #tpu.memory_space<hbm>> -> memref<80xi32, #tpu.memory_space<hbm>>
    %dma_start3A_64 = tpu.memref_slice %arg3[%add3A_62] : memref<320000xi32, #tpu.memory_space<hbm>> -> memref<80xi32, #tpu.memory_space<hbm>>
    tpu.enqueue_dma source(%dma_start3A_64 : memref<80xi32, #tpu.memory_space<hbm>>) target(%arg8 : memref<80xi32, #tpu.memory_space<vmem>>) target_semaphore(%arg27 : memref<!tpu.dma_semaphore, #tpu.memory_space<semaphore_mem>>)
    %dma_start3A_65 = tpu.memref_slice %arg4[%add3A_62] : memref<160000xi32, #tpu.memory_space<hbm>> -> memref<80xi32, #tpu.memory_space<hbm>>
    %dma_start3A_66 = tpu.memref_slice %arg4[%add3A_62] : memref<160000xi32, #tpu.memory_space<hbm>> -> memref<80xi32, #tpu.memory_space<hbm>>
    tpu.enqueue_dma source(%dma_start3A_66 : memref<80xi32, #tpu.memory_space<hbm>>) target(%arg12 : memref<80xi32, #tpu.memory_space<vmem>>) target_semaphore(%arg27 : memref<!tpu.dma_semaphore, #tpu.memory_space<semaphore_mem>>)
    %add3A_67 = arith.constant 160000 : i32
    %add3A_68 = arith.addi %add3A_67, %add3A_62 : i32
    %dma_start3A_69 = tpu.memref_slice %arg3[%add3A_68] : memref<320000xi32, #tpu.memory_space<hbm>> -> memref<80xi32, #tpu.memory_space<hbm>>
    %dma_start3A_70 = tpu.memref_slice %arg3[%add3A_68] : memref<320000xi32, #tpu.memory_space<hbm>> -> memref<80xi32, #tpu.memory_space<hbm>>
    tpu.enqueue_dma source(%dma_start3A_70 : memref<80xi32, #tpu.memory_space<hbm>>) target(%arg16 : memref<80xi32, #tpu.memory_space<vmem>>) target_semaphore(%arg27 : memref<!tpu.dma_semaphore, #tpu.memory_space<semaphore_mem>>)
    %dma_wait3A = arith.constant 0 : i32
    %dma_wait3A_71 = tpu.memref_slice %arg3[%dma_wait3A] : memref<320000xi32, #tpu.memory_space<hbm>> -> memref<80xi32, #tpu.memory_space<hbm>>
    %dma_wait3A_72 = arith.constant 0 : i32
    %dma_wait3A_73 = tpu.memref_slice %arg3[%dma_wait3A_72] : memref<320000xi32, #tpu.memory_space<hbm>> -> memref<80xi32, #tpu.memory_space<hbm>>
    tpu.wait_dma2 semaphore(%arg27 : memref<!tpu.dma_semaphore, #tpu.memory_space<semaphore_mem>>) src(%dma_wait3A_73 : memref<80xi32, #tpu.memory_space<hbm>>) dst(%arg7 : memref<80xi32, #tpu.memory_space<vmem>>)
    %dma_wait3A_74 = arith.constant 0 : i32
    %dma_wait3A_75 = tpu.memref_slice %arg4[%dma_wait3A_74] : memref<160000xi32, #tpu.memory_space<hbm>> -> memref<80xi32, #tpu.memory_space<hbm>>
    %dma_wait3A_76 = arith.constant 0 : i32
    %dma_wait3A_77 = tpu.memref_slice %arg4[%dma_wait3A_76] : memref<160000xi32, #tpu.memory_space<hbm>> -> memref<80xi32, #tpu.memory_space<hbm>>
    tpu.wait_dma2 semaphore(%arg27 : memref<!tpu.dma_semaphore, #tpu.memory_space<semaphore_mem>>) src(%dma_wait3A_77 : memref<80xi32, #tpu.memory_space<hbm>>) dst(%arg11 : memref<80xi32, #tpu.memory_space<vmem>>)
    %dma_wait3A_78 = arith.constant 0 : i32
    %dma_wait3A_79 = tpu.memref_slice %arg3[%dma_wait3A_78] : memref<320000xi32, #tpu.memory_space<hbm>> -> memref<80xi32, #tpu.memory_space<hbm>>
    %dma_wait3A_80 = arith.constant 0 : i32
    %dma_wait3A_81 = tpu.memref_slice %arg3[%dma_wait3A_80] : memref<320000xi32, #tpu.memory_space<hbm>> -> memref<80xi32, #tpu.memory_space<hbm>>
    tpu.wait_dma2 semaphore(%arg27 : memref<!tpu.dma_semaphore, #tpu.memory_space<semaphore_mem>>) src(%dma_wait3A_81 : memref<80xi32, #tpu.memory_space<hbm>>) dst(%arg15 : memref<80xi32, #tpu.memory_space<vmem>>)
    %get3A = arith.constant 0 : index
    %get3A_82 = tpu.vector_load %arg11[%get3A] {strides = array<i32>} : memref<80xi32, #tpu.memory_space<vmem>>, vector<16xi32>,
    %get3A_83 = vector.shape_cast %get3A_82 : vector<16xi32> to vector<16xi32>
    %mul3A_84 = arith.constant 10000 : i32
    %mul3A_85 = vector.broadcast %mul3A_84 : i32 to vector<16xi32>
    %mul3A_86 = arith.muli %get3A_83, %mul3A_85 : vector<16xi32>
    %get3A_87 = arith.constant 0 : index
    %get3A_88 = tpu.vector_load %arg7[%get3A_87] {strides = array<i32>} : memref<80xi32, #tpu.memory_space<vmem>>, vector<16xi32>,
    %get3A_89 = vector.shape_cast %get3A_88 : vector<16xi32> to vector<16xi32>
    %add3A_90 = arith.addi %mul3A_86, %get3A_89 : vector<16xi32>
    %add3A_91 = vector.broadcast %mul3A_49 : i32 to vector<16xi32>
    %add3A_92 = arith.addi %add3A_90, %add3A_91 : vector<16xi32>
    %swap3A = arith.constant 0 : index
    %swap3A_93 = tpu.vector_load %arg19[%swap3A] {strides = array<i32>} : memref<80xi32, #tpu.memory_space<vmem>>, vector<16xi32>,
    %swap3A_94 = vector.shape_cast %swap3A_93 : vector<16xi32> to vector<16xi32>
    %swap3A_95 = vector.shape_cast %add3A_92 : vector<16xi32> to vector<16xi32>
    tpu.vector_store %arg19[%swap3A], %swap3A_95 {strides = array<i32>} : memref<80xi32, #tpu.memory_space<vmem>>, vector<16xi32>,
    %get3A_96 = arith.constant 16 : index
    %get3A_97 = tpu.vector_load %arg11[%get3A_96] {strides = array<i32>} : memref<80xi32, #tpu.memory_space<vmem>>, vector<16xi32>,
    %get3A_98 = vector.shape_cast %get3A_97 : vector<16xi32> to vector<16xi32>
    %mul3A_99 = arith.constant 10000 : i32
    %mul3A_100 = vector.broadcast %mul3A_99 : i32 to vector<16xi32>
    %mul3A_101 = arith.muli %get3A_98, %mul3A_100 : vector<16xi32>
    %get3A_102 = arith.constant 16 : index
    %get3A_103 = tpu.vector_load %arg7[%get3A_102] {strides = array<i32>} : memref<80xi32, #tpu.memory_space<vmem>>, vector<16xi32>,
    %get3A_104 = vector.shape_cast %get3A_103 : vector<16xi32> to vector<16xi32>
    %add3A_105 = arith.addi %mul3A_101, %get3A_104 : vector<16xi32>
    %add3A_106 = vector.broadcast %mul3A_49 : i32 to vector<16xi32>
    %add3A_107 = arith.addi %add3A_105, %add3A_106 : vector<16xi32>
    %swap3A_108 = arith.constant 16 : index
    %swap3A_109 = tpu.vector_load %arg19[%swap3A_108] {strides = array<i32>} : memref<80xi32, #tpu.memory_space<vmem>>, vector<16xi32>,
    %swap3A_110 = vector.shape_cast %swap3A_109 : vector<16xi32> to vector<16xi32>
    %swap3A_111 = vector.shape_cast %add3A_107 : vector<16xi32> to vector<16xi32>
    tpu.vector_store %arg19[%swap3A_108], %swap3A_111 {strides = array<i32>} : memref<80xi32, #tpu.memory_space<vmem>>, vector<16xi32>,
    %get3A_112 = arith.constant 32 : index
    %get3A_113 = tpu.vector_load %arg11[%get3A_112] {strides = array<i32>} : memref<80xi32, #tpu.memory_space<vmem>>, vector<16xi32>,
    %get3A_114 = vector.shape_cast %get3A_113 : vector<16xi32> to vector<16xi32>
    %mul3A_115 = arith.constant 10000 : i32
    %mul3A_116 = vector.broadcast %mul3A_115 : i32 to vector<16xi32>
    %mul3A_117 = arith.muli %get3A_114, %mul3A_116 : vector<16xi32>
    %get3A_118 = arith.constant 32 : index
    %get3A_119 = tpu.vector_load %arg7[%get3A_118] {strides = array<i32>} : memref<80xi32, #tpu.memory_space<vmem>>, vector<16xi32>,
    %get3A_120 = vector.shape_cast %get3A_119 : vector<16xi32> to vector<16xi32>
    %add3A_121 = arith.addi %mul3A_117, %get3A_120 : vector<16xi32>
    %add3A_122 = vector.broadcast %mul3A_49 : i32 to vector<16xi32>
    %add3A_123 = arith.addi %add3A_121, %add3A_122 : vector<16xi32>
    %swap3A_124 = arith.constant 32 : index
    %swap3A_125 = tpu.vector_load %arg19[%swap3A_124] {strides = array<i32>} : memref<80xi32, #tpu.memory_space<vmem>>, vector<16xi32>,
    %swap3A_126 = vector.shape_cast %swap3A_125 : vector<16xi32> to vector<16xi32>
    %swap3A_127 = vector.shape_cast %add3A_123 : vector<16xi32> to vector<16xi32>
    tpu.vector_store %arg19[%swap3A_124], %swap3A_127 {strides = array<i32>} : memref<80xi32, #tpu.memory_space<vmem>>, vector<16xi32>,
    %get3A_128 = arith.constant 48 : index
    %get3A_129 = tpu.vector_load %arg11[%get3A_128] {strides = array<i32>} : memref<80xi32, #tpu.memory_space<vmem>>, vector<16xi32>,
    %get3A_130 = vector.shape_cast %get3A_129 : vector<16xi32> to vector<16xi32>
    %mul3A_131 = arith.constant 10000 : i32
    %mul3A_132 = vector.broadcast %mul3A_131 : i32 to vector<16xi32>
    %mul3A_133 = arith.muli %get3A_130, %mul3A_132 : vector<16xi32>
    %get3A_134 = arith.constant 48 : index
    %get3A_135 = tpu.vector_load %arg7[%get3A_134] {strides = array<i32>} : memref<80xi32, #tpu.memory_space<vmem>>, vector<16xi32>,
    %get3A_136 = vector.shape_cast %get3A_135 : vector<16xi32> to vector<16xi32>
    %add3A_137 = arith.addi %mul3A_133, %get3A_136 : vector<16xi32>
    %add3A_138 = vector.broadcast %mul3A_49 : i32 to vector<16xi32>
    %add3A_139 = arith.addi %add3A_137, %add3A_138 : vector<16xi32>
    %swap3A_140 = arith.constant 48 : index
    %swap3A_141 = tpu.vector_load %arg19[%swap3A_140] {strides = array<i32>} : memref<80xi32, #tpu.memory_space<vmem>>, vector<16xi32>,
    %swap3A_142 = vector.shape_cast %swap3A_141 : vector<16xi32> to vector<16xi32>
    %swap3A_143 = vector.shape_cast %add3A_139 : vector<16xi32> to vector<16xi32>
    tpu.vector_store %arg19[%swap3A_140], %swap3A_143 {strides = array<i32>} : memref<80xi32, #tpu.memory_space<vmem>>, vector<16xi32>,
    %get3A_144 = arith.constant 64 : index
    %get3A_145 = tpu.vector_load %arg11[%get3A_144] {strides = array<i32>} : memref<80xi32, #tpu.memory_space<vmem>>, vector<16xi32>,
    %get3A_146 = vector.shape_cast %get3A_145 : vector<16xi32> to vector<16xi32>
    %mul3A_147 = arith.constant 10000 : i32
    %mul3A_148 = vector.broadcast %mul3A_147 : i32 to vector<16xi32>
    %mul3A_149 = arith.muli %get3A_146, %mul3A_148 : vector<16xi32>
    %get3A_150 = arith.constant 64 : index
    %get3A_151 = tpu.vector_load %arg7[%get3A_150] {strides = array<i32>} : memref<80xi32, #tpu.memory_space<vmem>>, vector<16xi32>,
    %get3A_152 = vector.shape_cast %get3A_151 : vector<16xi32> to vector<16xi32>
    %add3A_153 = arith.addi %mul3A_149, %get3A_152 : vector<16xi32>
    %add3A_154 = vector.broadcast %mul3A_49 : i32 to vector<16xi32>
    %add3A_155 = arith.addi %add3A_153, %add3A_154 : vector<16xi32>
    %swap3A_156 = arith.constant 64 : index
    %swap3A_157 = tpu.vector_load %arg19[%swap3A_156] {strides = array<i32>} : memref<80xi32, #tpu.memory_space<vmem>>, vector<16xi32>,
    %swap3A_158 = vector.shape_cast %swap3A_157 : vector<16xi32> to vector<16xi32>
    %swap3A_159 = vector.shape_cast %add3A_155 : vector<16xi32> to vector<16xi32>
    tpu.vector_store %arg19[%swap3A_156], %swap3A_159 {strides = array<i32>} : memref<80xi32, #tpu.memory_space<vmem>>, vector<16xi32>,
    %dma_start3A_160 = arith.constant 0 : i32
    %dma_start3A_161 = arith.constant 0 : i32
    %dma_start3A_162 = tpu.memref_slice %arg2[%dma_start3A_160, %dma_start3A_161] : memref<180000x128xf32, #tpu.memory_space<hbm>> -> memref<180000x128xf32, #tpu.memory_space<hbm>>
    tpu.enqueue_indirect_dma source(%dma_start3A_162 : memref<180000x128xf32, #tpu.memory_space<hbm>>) target(%arg23 : memref<80x128xf32, #tpu.memory_space<vmem>>) offsets(%arg19 : memref<80xi32, #tpu.memory_space<vmem>>) semaphore(%arg28 : memref<!tpu.dma_semaphore, #tpu.memory_space<semaphore_mem>>)
    %add3A_163 = arith.constant 160 : i32
    %add3A_164 = arith.addi %mul3A_51, %add3A_163 : i32
    %dma_start3A_165 = tpu.memref_slice %arg3[%add3A_164] : memref<320000xi32, #tpu.memory_space<hbm>> -> memref<80xi32, #tpu.memory_space<hbm>>
    %dma_start3A_166 = tpu.memref_slice %arg3[%add3A_164] : memref<320000xi32, #tpu.memory_space<hbm>> -> memref<80xi32, #tpu.memory_space<hbm>>
    tpu.enqueue_dma source(%dma_start3A_166 : memref<80xi32, #tpu.memory_space<hbm>>) target(%arg9 : memref<80xi32, #tpu.memory_space<vmem>>) target_semaphore(%arg27 : memref<!tpu.dma_semaphore, #tpu.memory_space<semaphore_mem>>)
    %dma_start3A_167 = tpu.memref_slice %arg4[%add3A_164] : memref<160000xi32, #tpu.memory_space<hbm>> -> memref<80xi32, #tpu.memory_space<hbm>>
    %dma_start3A_168 = tpu.memref_slice %arg4[%add3A_164] : memref<160000xi32, #tpu.memory_space<hbm>> -> memref<80xi32, #tpu.memory_space<hbm>>
    tpu.enqueue_dma source(%dma_start3A_168 : memref<80xi32, #tpu.memory_space<hbm>>) target(%arg13 : memref<80xi32, #tpu.memory_space<vmem>>) target_semaphore(%arg27 : memref<!tpu.dma_semaphore, #tpu.memory_space<semaphore_mem>>)
    %add3A_169 = arith.constant 160000 : i32
    %add3A_170 = arith.addi %add3A_169, %add3A_164 : i32
    %dma_start3A_171 = tpu.memref_slice %arg3[%add3A_170] : memref<320000xi32, #tpu.memory_space<hbm>> -> memref<80xi32, #tpu.memory_space<hbm>>
    %dma_start3A_172 = tpu.memref_slice %arg3[%add3A_170] : memref<320000xi32, #tpu.memory_space<hbm>> -> memref<80xi32, #tpu.memory_space<hbm>>
    tpu.enqueue_dma source(%dma_start3A_172 : memref<80xi32, #tpu.memory_space<hbm>>) target(%arg17 : memref<80xi32, #tpu.memory_space<vmem>>) target_semaphore(%arg27 : memref<!tpu.dma_semaphore, #tpu.memory_space<semaphore_mem>>)
    %dma_wait3A_173 = arith.constant 0 : i32
    %dma_wait3A_174 = tpu.memref_slice %arg3[%dma_wait3A_173] : memref<320000xi32, #tpu.memory_space<hbm>> -> memref<80xi32, #tpu.memory_space<hbm>>
    %dma_wait3A_175 = arith.constant 0 : i32
    %dma_wait3A_176 = tpu.memref_slice %arg3[%dma_wait3A_175] : memref<320000xi32, #tpu.memory_space<hbm>> -> memref<80xi32, #tpu.memory_space<hbm>>
    tpu.wait_dma2 semaphore(%arg27 : memref<!tpu.dma_semaphore, #tpu.memory_space<semaphore_mem>>) src(%dma_wait3A_176 : memref<80xi32, #tpu.memory_space<hbm>>) dst(%arg8 : memref<80xi32, #tpu.memory_space<vmem>>)
    %dma_wait3A_177 = arith.constant 0 : i32
    %dma_wait3A_178 = tpu.memref_slice %arg4[%dma_wait3A_177] : memref<160000xi32, #tpu.memory_space<hbm>> -> memref<80xi32, #tpu.memory_space<hbm>>
    %dma_wait3A_179 = arith.constant 0 : i32
    %dma_wait3A_180 = tpu.memref_slice %arg4[%dma_wait3A_179] : memref<160000xi32, #tpu.memory_space<hbm>> -> memref<80xi32, #tpu.memory_space<hbm>>
    tpu.wait_dma2 semaphore(%arg27 : memref<!tpu.dma_semaphore, #tpu.memory_space<semaphore_mem>>) src(%dma_wait3A_180 : memref<80xi32, #tpu.memory_space<hbm>>) dst(%arg12 : memref<80xi32, #tpu.memory_space<vmem>>)
    %dma_wait3A_181 = arith.constant 0 : i32
    %dma_wait3A_182 = tpu.memref_slice %arg3[%dma_wait3A_181] : memref<320000xi32, #tpu.memory_space<hbm>> -> memref<80xi32, #tpu.memory_space<hbm>>
    %dma_wait3A_183 = arith.constant 0 : i32
    %dma_wait3A_184 = tpu.memref_slice %arg3[%dma_wait3A_183] : memref<320000xi32, #tpu.memory_space<hbm>> -> memref<80xi32, #tpu.memory_space<hbm>>
    tpu.wait_dma2 semaphore(%arg27 : memref<!tpu.dma_semaphore, #tpu.memory_space<semaphore_mem>>) src(%dma_wait3A_184 : memref<80xi32, #tpu.memory_space<hbm>>) dst(%arg16 : memref<80xi32, #tpu.memory_space<vmem>>)
    %get3A_185 = arith.constant 0 : index
    %get3A_186 = tpu.vector_load %arg12[%get3A_185] {strides = array<i32>} : memref<80xi32, #tpu.memory_space<vmem>>, vector<16xi32>,
    %get3A_187 = vector.shape_cast %get3A_186 : vector<16xi32> to vector<16xi32>
    %mul3A_188 = arith.constant 10000 : i32
    %mul3A_189 = vector.broadcast %mul3A_188 : i32 to vector<16xi32>
    %mul3A_190 = arith.muli %get3A_187, %mul3A_189 : vector<16xi32>
    %get3A_191 = arith.constant 0 : index
    %get3A_192 = tpu.vector_load %arg8[%get3A_191] {strides = array<i32>} : memref<80xi32, #tpu.memory_space<vmem>>, vector<16xi32>,
    %get3A_193 = vector.shape_cast %get3A_192 : vector<16xi32> to vector<16xi32>
    %add3A_194 = arith.addi %mul3A_190, %get3A_193 : vector<16xi32>
    %add3A_195 = vector.broadcast %mul3A_49 : i32 to vector<16xi32>
    %add3A_196 = arith.addi %add3A_194, %add3A_195 : vector<16xi32>
    %swap3A_197 = arith.constant 0 : index
    %swap3A_198 = tpu.vector_load %arg20[%swap3A_197] {strides = array<i32>} : memref<80xi32, #tpu.memory_space<vmem>>, vector<16xi32>,
    %swap3A_199 = vector.shape_cast %swap3A_198 : vector<16xi32> to vector<16xi32>
    %swap3A_200 = vector.shape_cast %add3A_196 : vector<16xi32> to vector<16xi32>
    tpu.vector_store %arg20[%swap3A_197], %swap3A_200 {strides = array<i32>} : memref<80xi32, #tpu.memory_space<vmem>>, vector<16xi32>,
    %get3A_201 = arith.constant 16 : index
    %get3A_202 = tpu.vector_load %arg12[%get3A_201] {strides = array<i32>} : memref<80xi32, #tpu.memory_space<vmem>>, vector<16xi32>,
    %get3A_203 = vector.shape_cast %get3A_202 : vector<16xi32> to vector<16xi32>
    %mul3A_204 = arith.constant 10000 : i32
    %mul3A_205 = vector.broadcast %mul3A_204 : i32 to vector<16xi32>
    %mul3A_206 = arith.muli %get3A_203, %mul3A_205 : vector<16xi32>
    %get3A_207 = arith.constant 16 : index
    %get3A_208 = tpu.vector_load %arg8[%get3A_207] {strides = array<i32>} : memref<80xi32, #tpu.memory_space<vmem>>, vector<16xi32>,
    %get3A_209 = vector.shape_cast %get3A_208 : vector<16xi32> to vector<16xi32>
    %add3A_210 = arith.addi %mul3A_206, %get3A_209 : vector<16xi32>
    %add3A_211 = vector.broadcast %mul3A_49 : i32 to vector<16xi32>
    %add3A_212 = arith.addi %add3A_210, %add3A_211 : vector<16xi32>
    %swap3A_213 = arith.constant 16 : index
    %swap3A_214 = tpu.vector_load %arg20[%swap3A_213] {strides = array<i32>} : memref<80xi32, #tpu.memory_space<vmem>>, vector<16xi32>,
    %swap3A_215 = vector.shape_cast %swap3A_214 : vector<16xi32> to vector<16xi32>
    %swap3A_216 = vector.shape_cast %add3A_212 : vector<16xi32> to vector<16xi32>
    tpu.vector_store %arg20[%swap3A_213], %swap3A_216 {strides = array<i32>} : memref<80xi32, #tpu.memory_space<vmem>>, vector<16xi32>,
    %get3A_217 = arith.constant 32 : index
    %get3A_218 = tpu.vector_load %arg12[%get3A_217] {strides = array<i32>} : memref<80xi32, #tpu.memory_space<vmem>>, vector<16xi32>,
    %get3A_219 = vector.shape_cast %get3A_218 : vector<16xi32> to vector<16xi32>
    %mul3A_220 = arith.constant 10000 : i32
    %mul3A_221 = vector.broadcast %mul3A_220 : i32 to vector<16xi32>
    %mul3A_222 = arith.muli %get3A_219, %mul3A_221 : vector<16xi32>
    %get3A_223 = arith.constant 32 : index
    %get3A_224 = tpu.vector_load %arg8[%get3A_223] {strides = array<i32>} : memref<80xi32, #tpu.memory_space<vmem>>, vector<16xi32>,
    %get3A_225 = vector.shape_cast %get3A_224 : vector<16xi32> to vector<16xi32>
    %add3A_226 = arith.addi %mul3A_222, %get3A_225 : vector<16xi32>
    %add3A_227 = vector.broadcast %mul3A_49 : i32 to vector<16xi32>
    %add3A_228 = arith.addi %add3A_226, %add3A_227 : vector<16xi32>
    %swap3A_229 = arith.constant 32 : index
    %swap3A_230 = tpu.vector_load %arg20[%swap3A_229] {strides = array<i32>} : memref<80xi32, #tpu.memory_space<vmem>>, vector<16xi32>,
    %swap3A_231 = vector.shape_cast %swap3A_230 : vector<16xi32> to vector<16xi32>
    %swap3A_232 = vector.shape_cast %add3A_228 : vector<16xi32> to vector<16xi32>
    tpu.vector_store %arg20[%swap3A_229], %swap3A_232 {strides = array<i32>} : memref<80xi32, #tpu.memory_space<vmem>>, vector<16xi32>,
    %get3A_233 = arith.constant 48 : index
    %get3A_234 = tpu.vector_load %arg12[%get3A_233] {strides = array<i32>} : memref<80xi32, #tpu.memory_space<vmem>>, vector<16xi32>,
    %get3A_235 = vector.shape_cast %get3A_234 : vector<16xi32> to vector<16xi32>
    %mul3A_236 = arith.constant 10000 : i32
    %mul3A_237 = vector.broadcast %mul3A_236 : i32 to vector<16xi32>
    %mul3A_238 = arith.muli %get3A_235, %mul3A_237 : vector<16xi32>
    %get3A_239 = arith.constant 48 : index
    %get3A_240 = tpu.vector_load %arg8[%get3A_239] {strides = array<i32>} : memref<80xi32, #tpu.memory_space<vmem>>, vector<16xi32>,
    %get3A_241 = vector.shape_cast %get3A_240 : vector<16xi32> to vector<16xi32>
    %add3A_242 = arith.addi %mul3A_238, %get3A_241 : vector<16xi32>
    %add3A_243 = vector.broadcast %mul3A_49 : i32 to vector<16xi32>
    %add3A_244 = arith.addi %add3A_242, %add3A_243 : vector<16xi32>
    %swap3A_245 = arith.constant 48 : index
    %swap3A_246 = tpu.vector_load %arg20[%swap3A_245] {strides = array<i32>} : memref<80xi32, #tpu.memory_space<vmem>>, vector<16xi32>,
    %swap3A_247 = vector.shape_cast %swap3A_246 : vector<16xi32> to vector<16xi32>
    %swap3A_248 = vector.shape_cast %add3A_244 : vector<16xi32> to vector<16xi32>
    tpu.vector_store %arg20[%swap3A_245], %swap3A_248 {strides = array<i32>} : memref<80xi32, #tpu.memory_space<vmem>>, vector<16xi32>,
    %get3A_249 = arith.constant 64 : index
    %get3A_250 = tpu.vector_load %arg12[%get3A_249] {strides = array<i32>} : memref<80xi32, #tpu.memory_space<vmem>>, vector<16xi32>,
    %get3A_251 = vector.shape_cast %get3A_250 : vector<16xi32> to vector<16xi32>
    %mul3A_252 = arith.constant 10000 : i32
    %mul3A_253 = vector.broadcast %mul3A_252 : i32 to vector<16xi32>
    %mul3A_254 = arith.muli %get3A_251, %mul3A_253 : vector<16xi32>
    %get3A_255 = arith.constant 64 : index
    %get3A_256 = tpu.vector_load %arg8[%get3A_255] {strides = array<i32>} : memref<80xi32, #tpu.memory_space<vmem>>, vector<16xi32>,
    %get3A_257 = vector.shape_cast %get3A_256 : vector<16xi32> to vector<16xi32>
    %add3A_258 = arith.addi %mul3A_254, %get3A_257 : vector<16xi32>
    %add3A_259 = vector.broadcast %mul3A_49 : i32 to vector<16xi32>
    %add3A_260 = arith.addi %add3A_258, %add3A_259 : vector<16xi32>
    %swap3A_261 = arith.constant 64 : index
    %swap3A_262 = tpu.vector_load %arg20[%swap3A_261] {strides = array<i32>} : memref<80xi32, #tpu.memory_space<vmem>>, vector<16xi32>,
    %swap3A_263 = vector.shape_cast %swap3A_262 : vector<16xi32> to vector<16xi32>
    %swap3A_264 = vector.shape_cast %add3A_260 : vector<16xi32> to vector<16xi32>
    tpu.vector_store %arg20[%swap3A_261], %swap3A_264 {strides = array<i32>} : memref<80xi32, #tpu.memory_space<vmem>>, vector<16xi32>,
    %dma_start3A_265 = arith.constant 0 : i32
    %dma_start3A_266 = arith.constant 0 : i32
    %dma_start3A_267 = tpu.memref_slice %arg2[%dma_start3A_265, %dma_start3A_266] : memref<180000x128xf32, #tpu.memory_space<hbm>> -> memref<180000x128xf32, #tpu.memory_space<hbm>>
    tpu.enqueue_indirect_dma source(%dma_start3A_267 : memref<180000x128xf32, #tpu.memory_space<hbm>>) target(%arg24 : memref<80x128xf32, #tpu.memory_space<vmem>>) offsets(%arg20 : memref<80xi32, #tpu.memory_space<vmem>>) semaphore(%arg28 : memref<!tpu.dma_semaphore, #tpu.memory_space<semaphore_mem>>)
    %dma_wait3A_268 = arith.constant 0 : i32
    %dma_wait3A_269 = arith.constant 0 : i32
    %dma_wait3A_270 = tpu.memref_slice %arg2[%dma_wait3A_268, %dma_wait3A_269] : memref<180000x128xf32, #tpu.memory_space<hbm>> -> memref<80x128xf32, #tpu.memory_space<hbm>>
    %dma_wait3A_271 = arith.constant 0 : i32
    %dma_wait3A_272 = arith.constant 0 : i32
    %dma_wait3A_273 = tpu.memref_slice %arg2[%dma_wait3A_271, %dma_wait3A_272] : memref<180000x128xf32, #tpu.memory_space<hbm>> -> memref<80x128xf32, #tpu.memory_space<hbm>>
    tpu.wait_dma2 semaphore(%arg28 : memref<!tpu.dma_semaphore, #tpu.memory_space<semaphore_mem>>) src(%dma_wait3A_273 : memref<80x128xf32, #tpu.memory_space<hbm>>) dst(%arg23 : memref<80x128xf32, #tpu.memory_space<vmem>>)
    %dma_start3A_274 = arith.constant 0 : i32
    %dma_start3A_275 = arith.constant 0 : i32
    %dma_start3A_276 = tpu.memref_slice %arg6[%dma_start3A_274, %dma_start3A_275] : memref<10000x128xf32, #tpu.memory_space<vmem_shared>> -> memref<10000x128xf32, #tpu.memory_space<vmem_shared>>
    tpu.enqueue_indirect_dma source(%arg23 : memref<80x128xf32, #tpu.memory_space<vmem>>) target(%dma_start3A_276 : memref<10000x128xf32, #tpu.memory_space<vmem_shared>>) offsets(%arg15 : memref<80xi32, #tpu.memory_space<vmem>>) semaphore(%arg29 : memref<!tpu.dma_semaphore, #tpu.memory_space<semaphore_mem>>) {add = true}
    %add3A_277 = arith.constant 240 : i32
    %add3A_278 = arith.addi %mul3A_51, %add3A_277 : i32
    %dma_start3A_279 = tpu.memref_slice %arg3[%add3A_278] : memref<320000xi32, #tpu.memory_space<hbm>> -> memref<80xi32, #tpu.memory_space<hbm>>
    %dma_start3A_280 = tpu.memref_slice %arg3[%add3A_278] : memref<320000xi32, #tpu.memory_space<hbm>> -> memref<80xi32, #tpu.memory_space<hbm>>
    tpu.enqueue_dma source(%dma_start3A_280 : memref<80xi32, #tpu.memory_space<hbm>>) target(%arg10 : memref<80xi32, #tpu.memory_space<vmem>>) target_semaphore(%arg27 : memref<!tpu.dma_semaphore, #tpu.memory_space<semaphore_mem>>)
    %dma_start3A_281 = tpu.memref_slice %arg4[%add3A_278] : memref<160000xi32, #tpu.memory_space<hbm>> -> memref<80xi32, #tpu.memory_space<hbm>>
    %dma_start3A_282 = tpu.memref_slice %arg4[%add3A_278] : memref<160000xi32, #tpu.memory_space<hbm>> -> memref<80xi32, #tpu.memory_space<hbm>>
    tpu.enqueue_dma source(%dma_start3A_282 : memref<80xi32, #tpu.memory_space<hbm>>) target(%arg14 : memref<80xi32, #tpu.memory_space<vmem>>) target_semaphore(%arg27 : memref<!tpu.dma_semaphore, #tpu.memory_space<semaphore_mem>>)
    %add3A_283 = arith.constant 160000 : i32
    %add3A_284 = arith.addi %add3A_283, %add3A_278 : i32
    %dma_start3A_285 = tpu.memref_slice %arg3[%add3A_284] : memref<320000xi32, #tpu.memory_space<hbm>> -> memref<80xi32, #tpu.memory_space<hbm>>
    %dma_start3A_286 = tpu.memref_slice %arg3[%add3A_284] : memref<320000xi32, #tpu.memory_space<hbm>> -> memref<80xi32, #tpu.memory_space<hbm>>
    tpu.enqueue_dma source(%dma_start3A_286 : memref<80xi32, #tpu.memory_space<hbm>>) target(%arg18 : memref<80xi32, #tpu.memory_space<vmem>>) target_semaphore(%arg27 : memref<!tpu.dma_semaphore, #tpu.memory_space<semaphore_mem>>)
    %dma_wait3A_287 = arith.constant 0 : i32
    %dma_wait3A_288 = tpu.memref_slice %arg3[%dma_wait3A_287] : memref<320000xi32, #tpu.memory_space<hbm>> -> memref<80xi32, #tpu.memory_space<hbm>>
    %dma_wait3A_289 = arith.constant 0 : i32
    %dma_wait3A_290 = tpu.memref_slice %arg3[%dma_wait3A_289] : memref<320000xi32, #tpu.memory_space<hbm>> -> memref<80xi32, #tpu.memory_space<hbm>>
    tpu.wait_dma2 semaphore(%arg27 : memref<!tpu.dma_semaphore, #tpu.memory_space<semaphore_mem>>) src(%dma_wait3A_290 : memref<80xi32, #tpu.memory_space<hbm>>) dst(%arg9 : memref<80xi32, #tpu.memory_space<vmem>>)
    %dma_wait3A_291 = arith.constant 0 : i32
    %dma_wait3A_292 = tpu.memref_slice %arg4[%dma_wait3A_291] : memref<160000xi32, #tpu.memory_space<hbm>> -> memref<80xi32, #tpu.memory_space<hbm>>
    %dma_wait3A_293 = arith.constant 0 : i32
    %dma_wait3A_294 = tpu.memref_slice %arg4[%dma_wait3A_293] : memref<160000xi32, #tpu.memory_space<hbm>> -> memref<80xi32, #tpu.memory_space<hbm>>
    tpu.wait_dma2 semaphore(%arg27 : memref<!tpu.dma_semaphore, #tpu.memory_space<semaphore_mem>>) src(%dma_wait3A_294 : memref<80xi32, #tpu.memory_space<hbm>>) dst(%arg13 : memref<80xi32, #tpu.memory_space<vmem>>)
    %dma_wait3A_295 = arith.constant 0 : i32
    %dma_wait3A_296 = tpu.memref_slice %arg3[%dma_wait3A_295] : memref<320000xi32, #tpu.memory_space<hbm>> -> memref<80xi32, #tpu.memory_space<hbm>>
    %dma_wait3A_297 = arith.constant 0 : i32
    %dma_wait3A_298 = tpu.memref_slice %arg3[%dma_wait3A_297] : memref<320000xi32, #tpu.memory_space<hbm>> -> memref<80xi32, #tpu.memory_space<hbm>>
    tpu.wait_dma2 semaphore(%arg27 : memref<!tpu.dma_semaphore, #tpu.memory_space<semaphore_mem>>) src(%dma_wait3A_298 : memref<80xi32, #tpu.memory_space<hbm>>) dst(%arg17 : memref<80xi32, #tpu.memory_space<vmem>>)
    %get3A_299 = arith.constant 0 : index
    %get3A_300 = tpu.vector_load %arg13[%get3A_299] {strides = array<i32>} : memref<80xi32, #tpu.memory_space<vmem>>, vector<16xi32>,
    %get3A_301 = vector.shape_cast %get3A_300 : vector<16xi32> to vector<16xi32>
    %mul3A_302 = arith.constant 10000 : i32
    %mul3A_303 = vector.broadcast %mul3A_302 : i32 to vector<16xi32>
    %mul3A_304 = arith.muli %get3A_301, %mul3A_303 : vector<16xi32>
    %get3A_305 = arith.constant 0 : index
    %get3A_306 = tpu.vector_load %arg9[%get3A_305] {strides = array<i32>} : memref<80xi32, #tpu.memory_space<vmem>>, vector<16xi32>,
    %get3A_307 = vector.shape_cast %get3A_306 : vector<16xi32> to vector<16xi32>
    %add3A_308 = arith.addi %mul3A_304, %get3A_307 : vector<16xi32>
    %add3A_309 = vector.broadcast %mul3A_49 : i32 to vector<16xi32>
    %add3A_310 = arith.addi %add3A_308, %add3A_309 : vector<16xi32>
    %swap3A_311 = arith.constant 0 : index
    %swap3A_312 = tpu.vector_load %arg21[%swap3A_311] {strides = array<i32>} : memref<80xi32, #tpu.memory_space<vmem>>, vector<16xi32>,
    %swap3A_313 = vector.shape_cast %swap3A_312 : vector<16xi32> to vector<16xi32>
    %swap3A_314 = vector.shape_cast %add3A_310 : vector<16xi32> to vector<16xi32>
    tpu.vector_store %arg21[%swap3A_311], %swap3A_314 {strides = array<i32>} : memref<80xi32, #tpu.memory_space<vmem>>, vector<16xi32>,
    %get3A_315 = arith.constant 16 : index
    %get3A_316 = tpu.vector_load %arg13[%get3A_315] {strides = array<i32>} : memref<80xi32, #tpu.memory_space<vmem>>, vector<16xi32>,
    %get3A_317 = vector.shape_cast %get3A_316 : vector<16xi32> to vector<16xi32>
    %mul3A_318 = arith.constant 10000 : i32
    %mul3A_319 = vector.broadcast %mul3A_318 : i32 to vector<16xi32>
    %mul3A_320 = arith.muli %get3A_317, %mul3A_319 : vector<16xi32>
    %get3A_321 = arith.constant 16 : index
    %get3A_322 = tpu.vector_load %arg9[%get3A_321] {strides = array<i32>} : memref<80xi32, #tpu.memory_space<vmem>>, vector<16xi32>,
    %get3A_323 = vector.shape_cast %get3A_322 : vector<16xi32> to vector<16xi32>
    %add3A_324 = arith.addi %mul3A_320, %get3A_323 : vector<16xi32>
    %add3A_325 = vector.broadcast %mul3A_49 : i32 to vector<16xi32>
    %add3A_326 = arith.addi %add3A_324, %add3A_325 : vector<16xi32>
    %swap3A_327 = arith.constant 16 : index
    %swap3A_328 = tpu.vector_load %arg21[%swap3A_327] {strides = array<i32>} : memref<80xi32, #tpu.memory_space<vmem>>, vector<16xi32>,
    %swap3A_329 = vector.shape_cast %swap3A_328 : vector<16xi32> to vector<16xi32>
    %swap3A_330 = vector.shape_cast %add3A_326 : vector<16xi32> to vector<16xi32>
    tpu.vector_store %arg21[%swap3A_327], %swap3A_330 {strides = array<i32>} : memref<80xi32, #tpu.memory_space<vmem>>, vector<16xi32>,
    %get3A_331 = arith.constant 32 : index
    %get3A_332 = tpu.vector_load %arg13[%get3A_331] {strides = array<i32>} : memref<80xi32, #tpu.memory_space<vmem>>, vector<16xi32>,
    %get3A_333 = vector.shape_cast %get3A_332 : vector<16xi32> to vector<16xi32>
    %mul3A_334 = arith.constant 10000 : i32
    %mul3A_335 = vector.broadcast %mul3A_334 : i32 to vector<16xi32>
    %mul3A_336 = arith.muli %get3A_333, %mul3A_335 : vector<16xi32>
    %get3A_337 = arith.constant 32 : index
    %get3A_338 = tpu.vector_load %arg9[%get3A_337] {strides = array<i32>} : memref<80xi32, #tpu.memory_space<vmem>>, vector<16xi32>,
    %get3A_339 = vector.shape_cast %get3A_338 : vector<16xi32> to vector<16xi32>
    %add3A_340 = arith.addi %mul3A_336, %get3A_339 : vector<16xi32>
    %add3A_341 = vector.broadcast %mul3A_49 : i32 to vector<16xi32>
    %add3A_342 = arith.addi %add3A_340, %add3A_341 : vector<16xi32>
    %swap3A_343 = arith.constant 32 : index
    %swap3A_344 = tpu.vector_load %arg21[%swap3A_343] {strides = array<i32>} : memref<80xi32, #tpu.memory_space<vmem>>, vector<16xi32>,
    %swap3A_345 = vector.shape_cast %swap3A_344 : vector<16xi32> to vector<16xi32>
    %swap3A_346 = vector.shape_cast %add3A_342 : vector<16xi32> to vector<16xi32>
    tpu.vector_store %arg21[%swap3A_343], %swap3A_346 {strides = array<i32>} : memref<80xi32, #tpu.memory_space<vmem>>, vector<16xi32>,
    %get3A_347 = arith.constant 48 : index
    %get3A_348 = tpu.vector_load %arg13[%get3A_347] {strides = array<i32>} : memref<80xi32, #tpu.memory_space<vmem>>, vector<16xi32>,
    %get3A_349 = vector.shape_cast %get3A_348 : vector<16xi32> to vector<16xi32>
    %mul3A_350 = arith.constant 10000 : i32
    %mul3A_351 = vector.broadcast %mul3A_350 : i32 to vector<16xi32>
    %mul3A_352 = arith.muli %get3A_349, %mul3A_351 : vector<16xi32>
    %get3A_353 = arith.constant 48 : index
    %get3A_354 = tpu.vector_load %arg9[%get3A_353] {strides = array<i32>} : memref<80xi32, #tpu.memory_space<vmem>>, vector<16xi32>,
    %get3A_355 = vector.shape_cast %get3A_354 : vector<16xi32> to vector<16xi32>
    %add3A_356 = arith.addi %mul3A_352, %get3A_355 : vector<16xi32>
    %add3A_357 = vector.broadcast %mul3A_49 : i32 to vector<16xi32>
    %add3A_358 = arith.addi %add3A_356, %add3A_357 : vector<16xi32>
    %swap3A_359 = arith.constant 48 : index
    %swap3A_360 = tpu.vector_load %arg21[%swap3A_359] {strides = array<i32>} : memref<80xi32, #tpu.memory_space<vmem>>, vector<16xi32>,
    %swap3A_361 = vector.shape_cast %swap3A_360 : vector<16xi32> to vector<16xi32>
    %swap3A_362 = vector.shape_cast %add3A_358 : vector<16xi32> to vector<16xi32>
    tpu.vector_store %arg21[%swap3A_359], %swap3A_362 {strides = array<i32>} : memref<80xi32, #tpu.memory_space<vmem>>, vector<16xi32>,
    %get3A_363 = arith.constant 64 : index
    %get3A_364 = tpu.vector_load %arg13[%get3A_363] {strides = array<i32>} : memref<80xi32, #tpu.memory_space<vmem>>, vector<16xi32>,
    %get3A_365 = vector.shape_cast %get3A_364 : vector<16xi32> to vector<16xi32>
    %mul3A_366 = arith.constant 10000 : i32
    %mul3A_367 = vector.broadcast %mul3A_366 : i32 to vector<16xi32>
    %mul3A_368 = arith.muli %get3A_365, %mul3A_367 : vector<16xi32>
    %get3A_369 = arith.constant 64 : index
    %get3A_370 = tpu.vector_load %arg9[%get3A_369] {strides = array<i32>} : memref<80xi32, #tpu.memory_space<vmem>>, vector<16xi32>,
    %get3A_371 = vector.shape_cast %get3A_370 : vector<16xi32> to vector<16xi32>
    %add3A_372 = arith.addi %mul3A_368, %get3A_371 : vector<16xi32>
    %add3A_373 = vector.broadcast %mul3A_49 : i32 to vector<16xi32>
    %add3A_374 = arith.addi %add3A_372, %add3A_373 : vector<16xi32>
    %swap3A_375 = arith.constant 64 : index
    %swap3A_376 = tpu.vector_load %arg21[%swap3A_375] {strides = array<i32>} : memref<80xi32, #tpu.memory_space<vmem>>, vector<16xi32>,
    %swap3A_377 = vector.shape_cast %swap3A_376 : vector<16xi32> to vector<16xi32>
    %swap3A_378 = vector.shape_cast %add3A_374 : vector<16xi32> to vector<16xi32>
    tpu.vector_store %arg21[%swap3A_375], %swap3A_378 {strides = array<i32>} : memref<80xi32, #tpu.memory_space<vmem>>, vector<16xi32>,
    %dma_start3A_379 = arith.constant 0 : i32
    %dma_start3A_380 = arith.constant 0 : i32
    %dma_start3A_381 = tpu.memref_slice %arg2[%dma_start3A_379, %dma_start3A_380] : memref<180000x128xf32, #tpu.memory_space<hbm>> -> memref<180000x128xf32, #tpu.memory_space<hbm>>
    tpu.enqueue_indirect_dma source(%dma_start3A_381 : memref<180000x128xf32, #tpu.memory_space<hbm>>) target(%arg25 : memref<80x128xf32, #tpu.memory_space<vmem>>) offsets(%arg21 : memref<80xi32, #tpu.memory_space<vmem>>) semaphore(%arg28 : memref<!tpu.dma_semaphore, #tpu.memory_space<semaphore_mem>>)
    %dma_wait3A_382 = arith.constant 0 : i32
    %dma_wait3A_383 = arith.constant 0 : i32
    %dma_wait3A_384 = tpu.memref_slice %arg2[%dma_wait3A_382, %dma_wait3A_383] : memref<180000x128xf32, #tpu.memory_space<hbm>> -> memref<80x128xf32, #tpu.memory_space<hbm>>
    %dma_wait3A_385 = arith.constant 0 : i32
    %dma_wait3A_386 = arith.constant 0 : i32
    %dma_wait3A_387 = tpu.memref_slice %arg2[%dma_wait3A_385, %dma_wait3A_386] : memref<180000x128xf32, #tpu.memory_space<hbm>> -> memref<80x128xf32, #tpu.memory_space<hbm>>
    tpu.wait_dma2 semaphore(%arg28 : memref<!tpu.dma_semaphore, #tpu.memory_space<semaphore_mem>>) src(%dma_wait3A_387 : memref<80x128xf32, #tpu.memory_space<hbm>>) dst(%arg24 : memref<80x128xf32, #tpu.memory_space<vmem>>)
    %dma_start3A_388 = arith.constant 0 : i32
    %dma_start3A_389 = arith.constant 0 : i32
    %dma_start3A_390 = tpu.memref_slice %arg6[%dma_start3A_388, %dma_start3A_389] : memref<10000x128xf32, #tpu.memory_space<vmem_shared>> -> memref<10000x128xf32, #tpu.memory_space<vmem_shared>>
    tpu.enqueue_indirect_dma source(%arg24 : memref<80x128xf32, #tpu.memory_space<vmem>>) target(%dma_start3A_390 : memref<10000x128xf32, #tpu.memory_space<vmem_shared>>) offsets(%arg16 : memref<80xi32, #tpu.memory_space<vmem>>) semaphore(%arg29 : memref<!tpu.dma_semaphore, #tpu.memory_space<semaphore_mem>>) {add = true}
    %scan3A_391 = arith.constant 0 : i32
    %scan3A_392 = arith.constant 0 : i32
    %scan3A_393 = arith.constant 29 : i32
    %scan3A_394 = arith.addi %scan3A_392, %scan3A_393 : i32
    %scan3A_395 = arith.constant 1 : i32
    %scan3A_396 = scf.for %scan3A_1121 = %scan3A_392 to %scan3A_394 step %scan3A_395 iter_args(%scan3A_1122 = %scan3A_391) -> (i32)  : i32 {
      %mul3A_1123 = arith.constant 4 : i32
      %mul3A_1124 = arith.muli %scan3A_1121, %mul3A_1123 : i32
      %add3A_1125 = arith.constant 2 : i32
      %add3A_1126 = arith.addi %add3A_1125, %mul3A_1124 : i32
      %add3A_1127 = arith.constant 0 : i32
      %add3A_1128 = arith.addi %add3A_1126, %add3A_1127 : i32
      %dma_wait3A_1129 = arith.constant 0 : i32
      %dma_wait3A_1130 = arith.constant 0 : i32
      %dma_wait3A_1131 = tpu.memref_slice %arg6[%dma_wait3A_1129, %dma_wait3A_1130] : memref<10000x128xf32, #tpu.memory_space<vmem_shared>> -> memref<10000x128xf32, #tpu.memory_space<vmem_shared>>
      tpu.wait_indirect_dma semaphore(%arg29 : memref<!tpu.dma_semaphore, #tpu.memory_space<semaphore_mem>>) src(%arg23 : memref<80x128xf32, #tpu.memory_space<vmem>>) dst(%dma_wait3A_1131 : memref<10000x128xf32, #tpu.memory_space<vmem_shared>>)
      %add3A_1132 = arith.constant 2 : i32
      %add3A_1133 = arith.addi %add3A_1128, %add3A_1132 : i32
      %mul3A_1134 = arith.constant 80 : i32
      %mul3A_1135 = arith.muli %add3A_1133, %mul3A_1134 : i32
      %add3A_1136 = arith.addi %mul3A_51, %mul3A_1135 : i32
      %dma_start3A_1137 = tpu.memref_slice %arg3[%add3A_1136] : memref<320000xi32, #tpu.memory_space<hbm>> -> memref<80xi32, #tpu.memory_space<hbm>>
      %dma_start3A_1138 = tpu.memref_slice %arg3[%add3A_1136] : memref<320000xi32, #tpu.memory_space<hbm>> -> memref<80xi32, #tpu.memory_space<hbm>>
      tpu.enqueue_dma source(%dma_start3A_1138 : memref<80xi32, #tpu.memory_space<hbm>>) target(%arg7 : memref<80xi32, #tpu.memory_space<vmem>>) target_semaphore(%arg27 : memref<!tpu.dma_semaphore, #tpu.memory_space<semaphore_mem>>)
      %dma_start3A_1139 = tpu.memref_slice %arg4[%add3A_1136] : memref<160000xi32, #tpu.memory_space<hbm>> -> memref<80xi32, #tpu.memory_space<hbm>>
      %dma_start3A_1140 = tpu.memref_slice %arg4[%add3A_1136] : memref<160000xi32, #tpu.memory_space<hbm>> -> memref<80xi32, #tpu.memory_space<hbm>>
      tpu.enqueue_dma source(%dma_start3A_1140 : memref<80xi32, #tpu.memory_space<hbm>>) target(%arg11 : memref<80xi32, #tpu.memory_space<vmem>>) target_semaphore(%arg27 : memref<!tpu.dma_semaphore, #tpu.memory_space<semaphore_mem>>)
      %add3A_1141 = arith.constant 160000 : i32
      %add3A_1142 = arith.addi %add3A_1141, %add3A_1136 : i32
      %dma_start3A_1143 = tpu.memref_slice %arg3[%add3A_1142] : memref<320000xi32, #tpu.memory_space<hbm>> -> memref<80xi32, #tpu.memory_space<hbm>>
      %dma_start3A_1144 = tpu.memref_slice %arg3[%add3A_1142] : memref<320000xi32, #tpu.memory_space<hbm>> -> memref<80xi32, #tpu.memory_space<hbm>>
      tpu.enqueue_dma source(%dma_start3A_1144 : memref<80xi32, #tpu.memory_space<hbm>>) target(%arg15 : memref<80xi32, #tpu.memory_space<vmem>>) target_semaphore(%arg27 : memref<!tpu.dma_semaphore, #tpu.memory_space<semaphore_mem>>)
      %dma_wait3A_1145 = arith.constant 0 : i32
      %dma_wait3A_1146 = tpu.memref_slice %arg3[%dma_wait3A_1145] : memref<320000xi32, #tpu.memory_space<hbm>> -> memref<80xi32, #tpu.memory_space<hbm>>
      %dma_wait3A_1147 = arith.constant 0 : i32
      %dma_wait3A_1148 = tpu.memref_slice %arg3[%dma_wait3A_1147] : memref<320000xi32, #tpu.memory_space<hbm>> -> memref<80xi32, #tpu.memory_space<hbm>>
      tpu.wait_dma2 semaphore(%arg27 : memref<!tpu.dma_semaphore, #tpu.memory_space<semaphore_mem>>) src(%dma_wait3A_1148 : memref<80xi32, #tpu.memory_space<hbm>>) dst(%arg10 : memref<80xi32, #tpu.memory_space<vmem>>)
      %dma_wait3A_1149 = arith.constant 0 : i32
      %dma_wait3A_1150 = tpu.memref_slice %arg4[%dma_wait3A_1149] : memref<160000xi32, #tpu.memory_space<hbm>> -> memref<80xi32, #tpu.memory_space<hbm>>
      %dma_wait3A_1151 = arith.constant 0 : i32
      %dma_wait3A_1152 = tpu.memref_slice %arg4[%dma_wait3A_1151] : memref<160000xi32, #tpu.memory_space<hbm>> -> memref<80xi32, #tpu.memory_space<hbm>>
      tpu.wait_dma2 semaphore(%arg27 : memref<!tpu.dma_semaphore, #tpu.memory_space<semaphore_mem>>) src(%dma_wait3A_1152 : memref<80xi32, #tpu.memory_space<hbm>>) dst(%arg14 : memref<80xi32, #tpu.memory_space<vmem>>)
      %dma_wait3A_1153 = arith.constant 0 : i32
      %dma_wait3A_1154 = tpu.memref_slice %arg3[%dma_wait3A_1153] : memref<320000xi32, #tpu.memory_space<hbm>> -> memref<80xi32, #tpu.memory_space<hbm>>
      %dma_wait3A_1155 = arith.constant 0 : i32
      %dma_wait3A_1156 = tpu.memref_slice %arg3[%dma_wait3A_1155] : memref<320000xi32, #tpu.memory_space<hbm>> -> memref<80xi32, #tpu.memory_space<hbm>>
      tpu.wait_dma2 semaphore(%arg27 : memref<!tpu.dma_semaphore, #tpu.memory_space<semaphore_mem>>) src(%dma_wait3A_1156 : memref<80xi32, #tpu.memory_space<hbm>>) dst(%arg18 : memref<80xi32, #tpu.memory_space<vmem>>)
      %get3A_1157 = arith.constant 0 : index
      %get3A_1158 = tpu.vector_load %arg14[%get3A_1157] {strides = array<i32>} : memref<80xi32, #tpu.memory_space<vmem>>, vector<16xi32>,
      %get3A_1159 = vector.shape_cast %get3A_1158 : vector<16xi32> to vector<16xi32>
      %mul3A_1160 = arith.constant 10000 : i32
      %mul3A_1161 = vector.broadcast %mul3A_1160 : i32 to vector<16xi32>
      %mul3A_1162 = arith.muli %get3A_1159, %mul3A_1161 : vector<16xi32>
      %get3A_1163 = arith.constant 0 : index
      %get3A_1164 = tpu.vector_load %arg10[%get3A_1163] {strides = array<i32>} : memref<80xi32, #tpu.memory_space<vmem>>, vector<16xi32>,
      %get3A_1165 = vector.shape_cast %get3A_1164 : vector<16xi32> to vector<16xi32>
      %add3A_1166 = arith.addi %mul3A_1162, %get3A_1165 : vector<16xi32>
      %add3A_1167 = vector.broadcast %mul3A_49 : i32 to vector<16xi32>
      %add3A_1168 = arith.addi %add3A_1166, %add3A_1167 : vector<16xi32>
      %swap3A_1169 = arith.constant 0 : index
      %swap3A_1170 = tpu.vector_load %arg22[%swap3A_1169] {strides = array<i32>} : memref<80xi32, #tpu.memory_space<vmem>>, vector<16xi32>,
      %swap3A_1171 = vector.shape_cast %swap3A_1170 : vector<16xi32> to vector<16xi32>
      %swap3A_1172 = vector.shape_cast %add3A_1168 : vector<16xi32> to vector<16xi32>
      tpu.vector_store %arg22[%swap3A_1169], %swap3A_1172 {strides = array<i32>} : memref<80xi32, #tpu.memory_space<vmem>>, vector<16xi32>,
      %get3A_1173 = arith.constant 16 : index
      %get3A_1174 = tpu.vector_load %arg14[%get3A_1173] {strides = array<i32>} : memref<80xi32, #tpu.memory_space<vmem>>, vector<16xi32>,
      %get3A_1175 = vector.shape_cast %get3A_1174 : vector<16xi32> to vector<16xi32>
      %mul3A_1176 = arith.constant 10000 : i32
      %mul3A_1177 = vector.broadcast %mul3A_1176 : i32 to vector<16xi32>
      %mul3A_1178 = arith.muli %get3A_1175, %mul3A_1177 : vector<16xi32>
      %get3A_1179 = arith.constant 16 : index
      %get3A_1180 = tpu.vector_load %arg10[%get3A_1179] {strides = array<i32>} : memref<80xi32, #tpu.memory_space<vmem>>, vector<16xi32>,
      %get3A_1181 = vector.shape_cast %get3A_1180 : vector<16xi32> to vector<16xi32>
      %add3A_1182 = arith.addi %mul3A_1178, %get3A_1181 : vector<16xi32>
      %add3A_1183 = vector.broadcast %mul3A_49 : i32 to vector<16xi32>
      %add3A_1184 = arith.addi %add3A_1182, %add3A_1183 : vector<16xi32>
      %swap3A_1185 = arith.constant 16 : index
      %swap3A_1186 = tpu.vector_load %arg22[%swap3A_1185] {strides = array<i32>} : memref<80xi32, #tpu.memory_space<vmem>>, vector<16xi32>,
      %swap3A_1187 = vector.shape_cast %swap3A_1186 : vector<16xi32> to vector<16xi32>
      %swap3A_1188 = vector.shape_cast %add3A_1184 : vector<16xi32> to vector<16xi32>
      tpu.vector_store %arg22[%swap3A_1185], %swap3A_1188 {strides = array<i32>} : memref<80xi32, #tpu.memory_space<vmem>>, vector<16xi32>,
      %get3A_1189 = arith.constant 32 : index
      %get3A_1190 = tpu.vector_load %arg14[%get3A_1189] {strides = array<i32>} : memref<80xi32, #tpu.memory_space<vmem>>, vector<16xi32>,
      %get3A_1191 = vector.shape_cast %get3A_1190 : vector<16xi32> to vector<16xi32>
      %mul3A_1192 = arith.constant 10000 : i32
      %mul3A_1193 = vector.broadcast %mul3A_1192 : i32 to vector<16xi32>
      %mul3A_1194 = arith.muli %get3A_1191, %mul3A_1193 : vector<16xi32>
      %get3A_1195 = arith.constant 32 : index
      %get3A_1196 = tpu.vector_load %arg10[%get3A_1195] {strides = array<i32>} : memref<80xi32, #tpu.memory_space<vmem>>, vector<16xi32>,
      %get3A_1197 = vector.shape_cast %get3A_1196 : vector<16xi32> to vector<16xi32>
      %add3A_1198 = arith.addi %mul3A_1194, %get3A_1197 : vector<16xi32>
      %add3A_1199 = vector.broadcast %mul3A_49 : i32 to vector<16xi32>
      %add3A_1200 = arith.addi %add3A_1198, %add3A_1199 : vector<16xi32>
      %swap3A_1201 = arith.constant 32 : index
      %swap3A_1202 = tpu.vector_load %arg22[%swap3A_1201] {strides = array<i32>} : memref<80xi32, #tpu.memory_space<vmem>>, vector<16xi32>,
      %swap3A_1203 = vector.shape_cast %swap3A_1202 : vector<16xi32> to vector<16xi32>
      %swap3A_1204 = vector.shape_cast %add3A_1200 : vector<16xi32> to vector<16xi32>
      tpu.vector_store %arg22[%swap3A_1201], %swap3A_1204 {strides = array<i32>} : memref<80xi32, #tpu.memory_space<vmem>>, vector<16xi32>,
      %get3A_1205 = arith.constant 48 : index
      %get3A_1206 = tpu.vector_load %arg14[%get3A_1205] {strides = array<i32>} : memref<80xi32, #tpu.memory_space<vmem>>, vector<16xi32>,
      %get3A_1207 = vector.shape_cast %get3A_1206 : vector<16xi32> to vector<16xi32>
      %mul3A_1208 = arith.constant 10000 : i32
      %mul3A_1209 = vector.broadcast %mul3A_1208 : i32 to vector<16xi32>
      %mul3A_1210 = arith.muli %get3A_1207, %mul3A_1209 : vector<16xi32>
      %get3A_1211 = arith.constant 48 : index
      %get3A_1212 = tpu.vector_load %arg10[%get3A_1211] {strides = array<i32>} : memref<80xi32, #tpu.memory_space<vmem>>, vector<16xi32>,
      %get3A_1213 = vector.shape_cast %get3A_1212 : vector<16xi32> to vector<16xi32>
      %add3A_1214 = arith.addi %mul3A_1210, %get3A_1213 : vector<16xi32>
      %add3A_1215 = vector.broadcast %mul3A_49 : i32 to vector<16xi32>
      %add3A_1216 = arith.addi %add3A_1214, %add3A_1215 : vector<16xi32>
      %swap3A_1217 = arith.constant 48 : index
      %swap3A_1218 = tpu.vector_load %arg22[%swap3A_1217] {strides = array<i32>} : memref<80xi32, #tpu.memory_space<vmem>>, vector<16xi32>,
      %swap3A_1219 = vector.shape_cast %swap3A_1218 : vector<16xi32> to vector<16xi32>
      %swap3A_1220 = vector.shape_cast %add3A_1216 : vector<16xi32> to vector<16xi32>
      tpu.vector_store %arg22[%swap3A_1217], %swap3A_1220 {strides = array<i32>} : memref<80xi32, #tpu.memory_space<vmem>>, vector<16xi32>,
      %get3A_1221 = arith.constant 64 : index
      %get3A_1222 = tpu.vector_load %arg14[%get3A_1221] {strides = array<i32>} : memref<80xi32, #tpu.memory_space<vmem>>, vector<16xi32>,
      %get3A_1223 = vector.shape_cast %get3A_1222 : vector<16xi32> to vector<16xi32>
      %mul3A_1224 = arith.constant 10000 : i32
      %mul3A_1225 = vector.broadcast %mul3A_1224 : i32 to vector<16xi32>
      %mul3A_1226 = arith.muli %get3A_1223, %mul3A_1225 : vector<16xi32>
      %get3A_1227 = arith.constant 64 : index
      %get3A_1228 = tpu.vector_load %arg10[%get3A_1227] {strides = array<i32>} : memref<80xi32, #tpu.memory_space<vmem>>, vector<16xi32>,
      %get3A_1229 = vector.shape_cast %get3A_1228 : vector<16xi32> to vector<16xi32>
      %add3A_1230 = arith.addi %mul3A_1226, %get3A_1229 : vector<16xi32>
      %add3A_1231 = vector.broadcast %mul3A_49 : i32 to vector<16xi32>
      %add3A_1232 = arith.addi %add3A_1230, %add3A_1231 : vector<16xi32>
      %swap3A_1233 = arith.constant 64 : index
      %swap3A_1234 = tpu.vector_load %arg22[%swap3A_1233] {strides = array<i32>} : memref<80xi32, #tpu.memory_space<vmem>>, vector<16xi32>,
      %swap3A_1235 = vector.shape_cast %swap3A_1234 : vector<16xi32> to vector<16xi32>
      %swap3A_1236 = vector.shape_cast %add3A_1232 : vector<16xi32> to vector<16xi32>
      tpu.vector_store %arg22[%swap3A_1233], %swap3A_1236 {strides = array<i32>} : memref<80xi32, #tpu.memory_space<vmem>>, vector<16xi32>,
      %dma_start3A_1237 = arith.constant 0 : i32
      %dma_start3A_1238 = arith.constant 0 : i32
      %dma_start3A_1239 = tpu.memref_slice %arg2[%dma_start3A_1237, %dma_start3A_1238] : memref<180000x128xf32, #tpu.memory_space<hbm>> -> memref<180000x128xf32, #tpu.memory_space<hbm>>
      tpu.enqueue_indirect_dma source(%dma_start3A_1239 : memref<180000x128xf32, #tpu.memory_space<hbm>>) target(%arg26 : memref<80x128xf32, #tpu.memory_space<vmem>>) offsets(%arg22 : memref<80xi32, #tpu.memory_space<vmem>>) semaphore(%arg28 : memref<!tpu.dma_semaphore, #tpu.memory_space<semaphore_mem>>)
      %dma_wait3A_1240 = arith.constant 0 : i32
      %dma_wait3A_1241 = arith.constant 0 : i32
      %dma_wait3A_1242 = tpu.memref_slice %arg2[%dma_wait3A_1240, %dma_wait3A_1241] : memref<180000x128xf32, #tpu.memory_space<hbm>> -> memref<80x128xf32, #tpu.memory_space<hbm>>
      %dma_wait3A_1243 = arith.constant 0 : i32
      %dma_wait3A_1244 = arith.constant 0 : i32
      %dma_wait3A_1245 = tpu.memref_slice %arg2[%dma_wait3A_1243, %dma_wait3A_1244] : memref<180000x128xf32, #tpu.memory_space<hbm>> -> memref<80x128xf32, #tpu.memory_space<hbm>>
      tpu.wait_dma2 semaphore(%arg28 : memref<!tpu.dma_semaphore, #tpu.memory_space<semaphore_mem>>) src(%dma_wait3A_1245 : memref<80x128xf32, #tpu.memory_space<hbm>>) dst(%arg25 : memref<80x128xf32, #tpu.memory_space<vmem>>)
      %dma_start3A_1246 = arith.constant 0 : i32
      %dma_start3A_1247 = arith.constant 0 : i32
      %dma_start3A_1248 = tpu.memref_slice %arg6[%dma_start3A_1246, %dma_start3A_1247] : memref<10000x128xf32, #tpu.memory_space<vmem_shared>> -> memref<10000x128xf32, #tpu.memory_space<vmem_shared>>
      tpu.enqueue_indirect_dma source(%arg25 : memref<80x128xf32, #tpu.memory_space<vmem>>) target(%dma_start3A_1248 : memref<10000x128xf32, #tpu.memory_space<vmem_shared>>) offsets(%arg17 : memref<80xi32, #tpu.memory_space<vmem>>) semaphore(%arg29 : memref<!tpu.dma_semaphore, #tpu.memory_space<semaphore_mem>>) {add = true}
      %mul3A_1249 = arith.constant 4 : i32
      %mul3A_1250 = arith.muli %scan3A_1121, %mul3A_1249 : i32
      %add3A_1251 = arith.constant 2 : i32
      %add3A_1252 = arith.addi %add3A_1251, %mul3A_1250 : i32
      %add3A_1253 = arith.constant 1 : i32
      %add3A_1254 = arith.addi %add3A_1252, %add3A_1253 : i32
      %dma_wait3A_1255 = arith.constant 0 : i32
      %dma_wait3A_1256 = arith.constant 0 : i32
      %dma_wait3A_1257 = tpu.memref_slice %arg6[%dma_wait3A_1255, %dma_wait3A_1256] : memref<10000x128xf32, #tpu.memory_space<vmem_shared>> -> memref<10000x128xf32, #tpu.memory_space<vmem_shared>>
      tpu.wait_indirect_dma semaphore(%arg29 : memref<!tpu.dma_semaphore, #tpu.memory_space<semaphore_mem>>) src(%arg23 : memref<80x128xf32, #tpu.memory_space<vmem>>) dst(%dma_wait3A_1257 : memref<10000x128xf32, #tpu.memory_space<vmem_shared>>)
      %add3A_1258 = arith.constant 2 : i32
      %add3A_1259 = arith.addi %add3A_1254, %add3A_1258 : i32
      %mul3A_1260 = arith.constant 80 : i32
      %mul3A_1261 = arith.muli %add3A_1259, %mul3A_1260 : i32
      %add3A_1262 = arith.addi %mul3A_51, %mul3A_1261 : i32
      %dma_start3A_1263 = tpu.memref_slice %arg3[%add3A_1262] : memref<320000xi32, #tpu.memory_space<hbm>> -> memref<80xi32, #tpu.memory_space<hbm>>
      %dma_start3A_1264 = tpu.memref_slice %arg3[%add3A_1262] : memref<320000xi32, #tpu.memory_space<hbm>> -> memref<80xi32, #tpu.memory_space<hbm>>
      tpu.enqueue_dma source(%dma_start3A_1264 : memref<80xi32, #tpu.memory_space<hbm>>) target(%arg8 : memref<80xi32, #tpu.memory_space<vmem>>) target_semaphore(%arg27 : memref<!tpu.dma_semaphore, #tpu.memory_space<semaphore_mem>>)
      %dma_start3A_1265 = tpu.memref_slice %arg4[%add3A_1262] : memref<160000xi32, #tpu.memory_space<hbm>> -> memref<80xi32, #tpu.memory_space<hbm>>
      %dma_start3A_1266 = tpu.memref_slice %arg4[%add3A_1262] : memref<160000xi32, #tpu.memory_space<hbm>> -> memref<80xi32, #tpu.memory_space<hbm>>
      tpu.enqueue_dma source(%dma_start3A_1266 : memref<80xi32, #tpu.memory_space<hbm>>) target(%arg12 : memref<80xi32, #tpu.memory_space<vmem>>) target_semaphore(%arg27 : memref<!tpu.dma_semaphore, #tpu.memory_space<semaphore_mem>>)
      %add3A_1267 = arith.constant 160000 : i32
      %add3A_1268 = arith.addi %add3A_1267, %add3A_1262 : i32
      %dma_start3A_1269 = tpu.memref_slice %arg3[%add3A_1268] : memref<320000xi32, #tpu.memory_space<hbm>> -> memref<80xi32, #tpu.memory_space<hbm>>
      %dma_start3A_1270 = tpu.memref_slice %arg3[%add3A_1268] : memref<320000xi32, #tpu.memory_space<hbm>> -> memref<80xi32, #tpu.memory_space<hbm>>
      tpu.enqueue_dma source(%dma_start3A_1270 : memref<80xi32, #tpu.memory_space<hbm>>) target(%arg16 : memref<80xi32, #tpu.memory_space<vmem>>) target_semaphore(%arg27 : memref<!tpu.dma_semaphore, #tpu.memory_space<semaphore_mem>>)
      %dma_wait3A_1271 = arith.constant 0 : i32
      %dma_wait3A_1272 = tpu.memref_slice %arg3[%dma_wait3A_1271] : memref<320000xi32, #tpu.memory_space<hbm>> -> memref<80xi32, #tpu.memory_space<hbm>>
      %dma_wait3A_1273 = arith.constant 0 : i32
      %dma_wait3A_1274 = tpu.memref_slice %arg3[%dma_wait3A_1273] : memref<320000xi32, #tpu.memory_space<hbm>> -> memref<80xi32, #tpu.memory_space<hbm>>
      tpu.wait_dma2 semaphore(%arg27 : memref<!tpu.dma_semaphore, #tpu.memory_space<semaphore_mem>>) src(%dma_wait3A_1274 : memref<80xi32, #tpu.memory_space<hbm>>) dst(%arg7 : memref<80xi32, #tpu.memory_space<vmem>>)
      %dma_wait3A_1275 = arith.constant 0 : i32
      %dma_wait3A_1276 = tpu.memref_slice %arg4[%dma_wait3A_1275] : memref<160000xi32, #tpu.memory_space<hbm>> -> memref<80xi32, #tpu.memory_space<hbm>>
      %dma_wait3A_1277 = arith.constant 0 : i32
      %dma_wait3A_1278 = tpu.memref_slice %arg4[%dma_wait3A_1277] : memref<160000xi32, #tpu.memory_space<hbm>> -> memref<80xi32, #tpu.memory_space<hbm>>
      tpu.wait_dma2 semaphore(%arg27 : memref<!tpu.dma_semaphore, #tpu.memory_space<semaphore_mem>>) src(%dma_wait3A_1278 : memref<80xi32, #tpu.memory_space<hbm>>) dst(%arg11 : memref<80xi32, #tpu.memory_space<vmem>>)
      %dma_wait3A_1279 = arith.constant 0 : i32
      %dma_wait3A_1280 = tpu.memref_slice %arg3[%dma_wait3A_1279] : memref<320000xi32, #tpu.memory_space<hbm>> -> memref<80xi32, #tpu.memory_space<hbm>>
      %dma_wait3A_1281 = arith.constant 0 : i32
      %dma_wait3A_1282 = tpu.memref_slice %arg3[%dma_wait3A_1281] : memref<320000xi32, #tpu.memory_space<hbm>> -> memref<80xi32, #tpu.memory_space<hbm>>
      tpu.wait_dma2 semaphore(%arg27 : memref<!tpu.dma_semaphore, #tpu.memory_space<semaphore_mem>>) src(%dma_wait3A_1282 : memref<80xi32, #tpu.memory_space<hbm>>) dst(%arg15 : memref<80xi32, #tpu.memory_space<vmem>>)
      %get3A_1283 = arith.constant 0 : index
      %get3A_1284 = tpu.vector_load %arg11[%get3A_1283] {strides = array<i32>} : memref<80xi32, #tpu.memory_space<vmem>>, vector<16xi32>,
      %get3A_1285 = vector.shape_cast %get3A_1284 : vector<16xi32> to vector<16xi32>
      %mul3A_1286 = arith.constant 10000 : i32
      %mul3A_1287 = vector.broadcast %mul3A_1286 : i32 to vector<16xi32>
      %mul3A_1288 = arith.muli %get3A_1285, %mul3A_1287 : vector<16xi32>
      %get3A_1289 = arith.constant 0 : index
      %get3A_1290 = tpu.vector_load %arg7[%get3A_1289] {strides = array<i32>} : memref<80xi32, #tpu.memory_space<vmem>>, vector<16xi32>,
      %get3A_1291 = vector.shape_cast %get3A_1290 : vector<16xi32> to vector<16xi32>
      %add3A_1292 = arith.addi %mul3A_1288, %get3A_1291 : vector<16xi32>
      %add3A_1293 = vector.broadcast %mul3A_49 : i32 to vector<16xi32>
      %add3A_1294 = arith.addi %add3A_1292, %add3A_1293 : vector<16xi32>
      %swap3A_1295 = arith.constant 0 : index
      %swap3A_1296 = tpu.vector_load %arg19[%swap3A_1295] {strides = array<i32>} : memref<80xi32, #tpu.memory_space<vmem>>, vector<16xi32>,
      %swap3A_1297 = vector.shape_cast %swap3A_1296 : vector<16xi32> to vector<16xi32>
      %swap3A_1298 = vector.shape_cast %add3A_1294 : vector<16xi32> to vector<16xi32>
      tpu.vector_store %arg19[%swap3A_1295], %swap3A_1298 {strides = array<i32>} : memref<80xi32, #tpu.memory_space<vmem>>, vector<16xi32>,
      %get3A_1299 = arith.constant 16 : index
      %get3A_1300 = tpu.vector_load %arg11[%get3A_1299] {strides = array<i32>} : memref<80xi32, #tpu.memory_space<vmem>>, vector<16xi32>,
      %get3A_1301 = vector.shape_cast %get3A_1300 : vector<16xi32> to vector<16xi32>
      %mul3A_1302 = arith.constant 10000 : i32
      %mul3A_1303 = vector.broadcast %mul3A_1302 : i32 to vector<16xi32>
      %mul3A_1304 = arith.muli %get3A_1301, %mul3A_1303 : vector<16xi32>
      %get3A_1305 = arith.constant 16 : index
      %get3A_1306 = tpu.vector_load %arg7[%get3A_1305] {strides = array<i32>} : memref<80xi32, #tpu.memory_space<vmem>>, vector<16xi32>,
      %get3A_1307 = vector.shape_cast %get3A_1306 : vector<16xi32> to vector<16xi32>
      %add3A_1308 = arith.addi %mul3A_1304, %get3A_1307 : vector<16xi32>
      %add3A_1309 = vector.broadcast %mul3A_49 : i32 to vector<16xi32>
      %add3A_1310 = arith.addi %add3A_1308, %add3A_1309 : vector<16xi32>
      %swap3A_1311 = arith.constant 16 : index
      %swap3A_1312 = tpu.vector_load %arg19[%swap3A_1311] {strides = array<i32>} : memref<80xi32, #tpu.memory_space<vmem>>, vector<16xi32>,
      %swap3A_1313 = vector.shape_cast %swap3A_1312 : vector<16xi32> to vector<16xi32>
      %swap3A_1314 = vector.shape_cast %add3A_1310 : vector<16xi32> to vector<16xi32>
      tpu.vector_store %arg19[%swap3A_1311], %swap3A_1314 {strides = array<i32>} : memref<80xi32, #tpu.memory_space<vmem>>, vector<16xi32>,
      %get3A_1315 = arith.constant 32 : index
      %get3A_1316 = tpu.vector_load %arg11[%get3A_1315] {strides = array<i32>} : memref<80xi32, #tpu.memory_space<vmem>>, vector<16xi32>,
      %get3A_1317 = vector.shape_cast %get3A_1316 : vector<16xi32> to vector<16xi32>
      %mul3A_1318 = arith.constant 10000 : i32
      %mul3A_1319 = vector.broadcast %mul3A_1318 : i32 to vector<16xi32>
      %mul3A_1320 = arith.muli %get3A_1317, %mul3A_1319 : vector<16xi32>
      %get3A_1321 = arith.constant 32 : index
      %get3A_1322 = tpu.vector_load %arg7[%get3A_1321] {strides = array<i32>} : memref<80xi32, #tpu.memory_space<vmem>>, vector<16xi32>,
      %get3A_1323 = vector.shape_cast %get3A_1322 : vector<16xi32> to vector<16xi32>
      %add3A_1324 = arith.addi %mul3A_1320, %get3A_1323 : vector<16xi32>
      %add3A_1325 = vector.broadcast %mul3A_49 : i32 to vector<16xi32>
      %add3A_1326 = arith.addi %add3A_1324, %add3A_1325 : vector<16xi32>
      %swap3A_1327 = arith.constant 32 : index
      %swap3A_1328 = tpu.vector_load %arg19[%swap3A_1327] {strides = array<i32>} : memref<80xi32, #tpu.memory_space<vmem>>, vector<16xi32>,
      %swap3A_1329 = vector.shape_cast %swap3A_1328 : vector<16xi32> to vector<16xi32>
      %swap3A_1330 = vector.shape_cast %add3A_1326 : vector<16xi32> to vector<16xi32>
      tpu.vector_store %arg19[%swap3A_1327], %swap3A_1330 {strides = array<i32>} : memref<80xi32, #tpu.memory_space<vmem>>, vector<16xi32>,
      %get3A_1331 = arith.constant 48 : index
      %get3A_1332 = tpu.vector_load %arg11[%get3A_1331] {strides = array<i32>} : memref<80xi32, #tpu.memory_space<vmem>>, vector<16xi32>,
      %get3A_1333 = vector.shape_cast %get3A_1332 : vector<16xi32> to vector<16xi32>
      %mul3A_1334 = arith.constant 10000 : i32
      %mul3A_1335 = vector.broadcast %mul3A_1334 : i32 to vector<16xi32>
      %mul3A_1336 = arith.muli %get3A_1333, %mul3A_1335 : vector<16xi32>
      %get3A_1337 = arith.constant 48 : index
      %get3A_1338 = tpu.vector_load %arg7[%get3A_1337] {strides = array<i32>} : memref<80xi32, #tpu.memory_space<vmem>>, vector<16xi32>,
      %get3A_1339 = vector.shape_cast %get3A_1338 : vector<16xi32> to vector<16xi32>
      %add3A_1340 = arith.addi %mul3A_1336, %get3A_1339 : vector<16xi32>
      %add3A_1341 = vector.broadcast %mul3A_49 : i32 to vector<16xi32>
      %add3A_1342 = arith.addi %add3A_1340, %add3A_1341 : vector<16xi32>
      %swap3A_1343 = arith.constant 48 : index
      %swap3A_1344 = tpu.vector_load %arg19[%swap3A_1343] {strides = array<i32>} : memref<80xi32, #tpu.memory_space<vmem>>, vector<16xi32>,
      %swap3A_1345 = vector.shape_cast %swap3A_1344 : vector<16xi32> to vector<16xi32>
      %swap3A_1346 = vector.shape_cast %add3A_1342 : vector<16xi32> to vector<16xi32>
      tpu.vector_store %arg19[%swap3A_1343], %swap3A_1346 {strides = array<i32>} : memref<80xi32, #tpu.memory_space<vmem>>, vector<16xi32>,
      %get3A_1347 = arith.constant 64 : index
      %get3A_1348 = tpu.vector_load %arg11[%get3A_1347] {strides = array<i32>} : memref<80xi32, #tpu.memory_space<vmem>>, vector<16xi32>,
      %get3A_1349 = vector.shape_cast %get3A_1348 : vector<16xi32> to vector<16xi32>
      %mul3A_1350 = arith.constant 10000 : i32
      %mul3A_1351 = vector.broadcast %mul3A_1350 : i32 to vector<16xi32>
      %mul3A_1352 = arith.muli %get3A_1349, %mul3A_1351 : vector<16xi32>
      %get3A_1353 = arith.constant 64 : index
      %get3A_1354 = tpu.vector_load %arg7[%get3A_1353] {strides = array<i32>} : memref<80xi32, #tpu.memory_space<vmem>>, vector<16xi32>,
      %get3A_1355 = vector.shape_cast %get3A_1354 : vector<16xi32> to vector<16xi32>
      %add3A_1356 = arith.addi %mul3A_1352, %get3A_1355 : vector<16xi32>
      %add3A_1357 = vector.broadcast %mul3A_49 : i32 to vector<16xi32>
      %add3A_1358 = arith.addi %add3A_1356, %add3A_1357 : vector<16xi32>
      %swap3A_1359 = arith.constant 64 : index
      %swap3A_1360 = tpu.vector_load %arg19[%swap3A_1359] {strides = array<i32>} : memref<80xi32, #tpu.memory_space<vmem>>, vector<16xi32>,
      %swap3A_1361 = vector.shape_cast %swap3A_1360 : vector<16xi32> to vector<16xi32>
      %swap3A_1362 = vector.shape_cast %add3A_1358 : vector<16xi32> to vector<16xi32>
      tpu.vector_store %arg19[%swap3A_1359], %swap3A_1362 {strides = array<i32>} : memref<80xi32, #tpu.memory_space<vmem>>, vector<16xi32>,
      %dma_start3A_1363 = arith.constant 0 : i32
      %dma_start3A_1364 = arith.constant 0 : i32
      %dma_start3A_1365 = tpu.memref_slice %arg2[%dma_start3A_1363, %dma_start3A_1364] : memref<180000x128xf32, #tpu.memory_space<hbm>> -> memref<180000x128xf32, #tpu.memory_space<hbm>>
      tpu.enqueue_indirect_dma source(%dma_start3A_1365 : memref<180000x128xf32, #tpu.memory_space<hbm>>) target(%arg23 : memref<80x128xf32, #tpu.memory_space<vmem>>) offsets(%arg19 : memref<80xi32, #tpu.memory_space<vmem>>) semaphore(%arg28 : memref<!tpu.dma_semaphore, #tpu.memory_space<semaphore_mem>>)
      %dma_wait3A_1366 = arith.constant 0 : i32
      %dma_wait3A_1367 = arith.constant 0 : i32
      %dma_wait3A_1368 = tpu.memref_slice %arg2[%dma_wait3A_1366, %dma_wait3A_1367] : memref<180000x128xf32, #tpu.memory_space<hbm>> -> memref<80x128xf32, #tpu.memory_space<hbm>>
      %dma_wait3A_1369 = arith.constant 0 : i32
      %dma_wait3A_1370 = arith.constant 0 : i32
      %dma_wait3A_1371 = tpu.memref_slice %arg2[%dma_wait3A_1369, %dma_wait3A_1370] : memref<180000x128xf32, #tpu.memory_space<hbm>> -> memref<80x128xf32, #tpu.memory_space<hbm>>
      tpu.wait_dma2 semaphore(%arg28 : memref<!tpu.dma_semaphore, #tpu.memory_space<semaphore_mem>>) src(%dma_wait3A_1371 : memref<80x128xf32, #tpu.memory_space<hbm>>) dst(%arg26 : memref<80x128xf32, #tpu.memory_space<vmem>>)
      %dma_start3A_1372 = arith.constant 0 : i32
      %dma_start3A_1373 = arith.constant 0 : i32
      %dma_start3A_1374 = tpu.memref_slice %arg6[%dma_start3A_1372, %dma_start3A_1373] : memref<10000x128xf32, #tpu.memory_space<vmem_shared>> -> memref<10000x128xf32, #tpu.memory_space<vmem_shared>>
      tpu.enqueue_indirect_dma source(%arg26 : memref<80x128xf32, #tpu.memory_space<vmem>>) target(%dma_start3A_1374 : memref<10000x128xf32, #tpu.memory_space<vmem_shared>>) offsets(%arg18 : memref<80xi32, #tpu.memory_space<vmem>>) semaphore(%arg29 : memref<!tpu.dma_semaphore, #tpu.memory_space<semaphore_mem>>) {add = true}
      %mul3A_1375 = arith.constant 4 : i32
      %mul3A_1376 = arith.muli %scan3A_1121, %mul3A_1375 : i32
      %add3A_1377 = arith.constant 2 : i32
      %add3A_1378 = arith.addi %add3A_1377, %mul3A_1376 : i32
      %add3A_1379 = arith.constant 2 : i32
      %add3A_1380 = arith.addi %add3A_1378, %add3A_1379 : i32
      %dma_wait3A_1381 = arith.constant 0 : i32
      %dma_wait3A_1382 = arith.constant 0 : i32
      %dma_wait3A_1383 = tpu.memref_slice %arg6[%dma_wait3A_1381, %dma_wait3A_1382] : memref<10000x128xf32, #tpu.memory_space<vmem_shared>> -> memref<10000x128xf32, #tpu.memory_space<vmem_shared>>
      tpu.wait_indirect_dma semaphore(%arg29 : memref<!tpu.dma_semaphore, #tpu.memory_space<semaphore_mem>>) src(%arg23 : memref<80x128xf32, #tpu.memory_space<vmem>>) dst(%dma_wait3A_1383 : memref<10000x128xf32, #tpu.memory_space<vmem_shared>>)
      %add3A_1384 = arith.constant 2 : i32
      %add3A_1385 = arith.addi %add3A_1380, %add3A_1384 : i32
      %mul3A_1386 = arith.constant 80 : i32
      %mul3A_1387 = arith.muli %add3A_1385, %mul3A_1386 : i32
      %add3A_1388 = arith.addi %mul3A_51, %mul3A_1387 : i32
      %dma_start3A_1389 = tpu.memref_slice %arg3[%add3A_1388] : memref<320000xi32, #tpu.memory_space<hbm>> -> memref<80xi32, #tpu.memory_space<hbm>>
      %dma_start3A_1390 = tpu.memref_slice %arg3[%add3A_1388] : memref<320000xi32, #tpu.memory_space<hbm>> -> memref<80xi32, #tpu.memory_space<hbm>>
      tpu.enqueue_dma source(%dma_start3A_1390 : memref<80xi32, #tpu.memory_space<hbm>>) target(%arg9 : memref<80xi32, #tpu.memory_space<vmem>>) target_semaphore(%arg27 : memref<!tpu.dma_semaphore, #tpu.memory_space<semaphore_mem>>)
      %dma_start3A_1391 = tpu.memref_slice %arg4[%add3A_1388] : memref<160000xi32, #tpu.memory_space<hbm>> -> memref<80xi32, #tpu.memory_space<hbm>>
      %dma_start3A_1392 = tpu.memref_slice %arg4[%add3A_1388] : memref<160000xi32, #tpu.memory_space<hbm>> -> memref<80xi32, #tpu.memory_space<hbm>>
      tpu.enqueue_dma source(%dma_start3A_1392 : memref<80xi32, #tpu.memory_space<hbm>>) target(%arg13 : memref<80xi32, #tpu.memory_space<vmem>>) target_semaphore(%arg27 : memref<!tpu.dma_semaphore, #tpu.memory_space<semaphore_mem>>)
      %add3A_1393 = arith.constant 160000 : i32
      %add3A_1394 = arith.addi %add3A_1393, %add3A_1388 : i32
      %dma_start3A_1395 = tpu.memref_slice %arg3[%add3A_1394] : memref<320000xi32, #tpu.memory_space<hbm>> -> memref<80xi32, #tpu.memory_space<hbm>>
      %dma_start3A_1396 = tpu.memref_slice %arg3[%add3A_1394] : memref<320000xi32, #tpu.memory_space<hbm>> -> memref<80xi32, #tpu.memory_space<hbm>>
      tpu.enqueue_dma source(%dma_start3A_1396 : memref<80xi32, #tpu.memory_space<hbm>>) target(%arg17 : memref<80xi32, #tpu.memory_space<vmem>>) target_semaphore(%arg27 : memref<!tpu.dma_semaphore, #tpu.memory_space<semaphore_mem>>)
      %dma_wait3A_1397 = arith.constant 0 : i32
      %dma_wait3A_1398 = tpu.memref_slice %arg3[%dma_wait3A_1397] : memref<320000xi32, #tpu.memory_space<hbm>> -> memref<80xi32, #tpu.memory_space<hbm>>
      %dma_wait3A_1399 = arith.constant 0 : i32
      %dma_wait3A_1400 = tpu.memref_slice %arg3[%dma_wait3A_1399] : memref<320000xi32, #tpu.memory_space<hbm>> -> memref<80xi32, #tpu.memory_space<hbm>>
      tpu.wait_dma2 semaphore(%arg27 : memref<!tpu.dma_semaphore, #tpu.memory_space<semaphore_mem>>) src(%dma_wait3A_1400 : memref<80xi32, #tpu.memory_space<hbm>>) dst(%arg8 : memref<80xi32, #tpu.memory_space<vmem>>)
      %dma_wait3A_1401 = arith.constant 0 : i32
      %dma_wait3A_1402 = tpu.memref_slice %arg4[%dma_wait3A_1401] : memref<160000xi32, #tpu.memory_space<hbm>> -> memref<80xi32, #tpu.memory_space<hbm>>
      %dma_wait3A_1403 = arith.constant 0 : i32
      %dma_wait3A_1404 = tpu.memref_slice %arg4[%dma_wait3A_1403] : memref<160000xi32, #tpu.memory_space<hbm>> -> memref<80xi32, #tpu.memory_space<hbm>>
      tpu.wait_dma2 semaphore(%arg27 : memref<!tpu.dma_semaphore, #tpu.memory_space<semaphore_mem>>) src(%dma_wait3A_1404 : memref<80xi32, #tpu.memory_space<hbm>>) dst(%arg12 : memref<80xi32, #tpu.memory_space<vmem>>)
      %dma_wait3A_1405 = arith.constant 0 : i32
      %dma_wait3A_1406 = tpu.memref_slice %arg3[%dma_wait3A_1405] : memref<320000xi32, #tpu.memory_space<hbm>> -> memref<80xi32, #tpu.memory_space<hbm>>
      %dma_wait3A_1407 = arith.constant 0 : i32
      %dma_wait3A_1408 = tpu.memref_slice %arg3[%dma_wait3A_1407] : memref<320000xi32, #tpu.memory_space<hbm>> -> memref<80xi32, #tpu.memory_space<hbm>>
      tpu.wait_dma2 semaphore(%arg27 : memref<!tpu.dma_semaphore, #tpu.memory_space<semaphore_mem>>) src(%dma_wait3A_1408 : memref<80xi32, #tpu.memory_space<hbm>>) dst(%arg16 : memref<80xi32, #tpu.memory_space<vmem>>)
      %get3A_1409 = arith.constant 0 : index
      %get3A_1410 = tpu.vector_load %arg12[%get3A_1409] {strides = array<i32>} : memref<80xi32, #tpu.memory_space<vmem>>, vector<16xi32>,
      %get3A_1411 = vector.shape_cast %get3A_1410 : vector<16xi32> to vector<16xi32>
      %mul3A_1412 = arith.constant 10000 : i32
      %mul3A_1413 = vector.broadcast %mul3A_1412 : i32 to vector<16xi32>
      %mul3A_1414 = arith.muli %get3A_1411, %mul3A_1413 : vector<16xi32>
      %get3A_1415 = arith.constant 0 : index
      %get3A_1416 = tpu.vector_load %arg8[%get3A_1415] {strides = array<i32>} : memref<80xi32, #tpu.memory_space<vmem>>, vector<16xi32>,
      %get3A_1417 = vector.shape_cast %get3A_1416 : vector<16xi32> to vector<16xi32>
      %add3A_1418 = arith.addi %mul3A_1414, %get3A_1417 : vector<16xi32>
      %add3A_1419 = vector.broadcast %mul3A_49 : i32 to vector<16xi32>
      %add3A_1420 = arith.addi %add3A_1418, %add3A_1419 : vector<16xi32>
      %swap3A_1421 = arith.constant 0 : index
      %swap3A_1422 = tpu.vector_load %arg20[%swap3A_1421] {strides = array<i32>} : memref<80xi32, #tpu.memory_space<vmem>>, vector<16xi32>,
      %swap3A_1423 = vector.shape_cast %swap3A_1422 : vector<16xi32> to vector<16xi32>
      %swap3A_1424 = vector.shape_cast %add3A_1420 : vector<16xi32> to vector<16xi32>
      tpu.vector_store %arg20[%swap3A_1421], %swap3A_1424 {strides = array<i32>} : memref<80xi32, #tpu.memory_space<vmem>>, vector<16xi32>,
      %get3A_1425 = arith.constant 16 : index
      %get3A_1426 = tpu.vector_load %arg12[%get3A_1425] {strides = array<i32>} : memref<80xi32, #tpu.memory_space<vmem>>, vector<16xi32>,
      %get3A_1427 = vector.shape_cast %get3A_1426 : vector<16xi32> to vector<16xi32>
      %mul3A_1428 = arith.constant 10000 : i32
      %mul3A_1429 = vector.broadcast %mul3A_1428 : i32 to vector<16xi32>
      %mul3A_1430 = arith.muli %get3A_1427, %mul3A_1429 : vector<16xi32>
      %get3A_1431 = arith.constant 16 : index
      %get3A_1432 = tpu.vector_load %arg8[%get3A_1431] {strides = array<i32>} : memref<80xi32, #tpu.memory_space<vmem>>, vector<16xi32>,
      %get3A_1433 = vector.shape_cast %get3A_1432 : vector<16xi32> to vector<16xi32>
      %add3A_1434 = arith.addi %mul3A_1430, %get3A_1433 : vector<16xi32>
      %add3A_1435 = vector.broadcast %mul3A_49 : i32 to vector<16xi32>
      %add3A_1436 = arith.addi %add3A_1434, %add3A_1435 : vector<16xi32>
      %swap3A_1437 = arith.constant 16 : index
      %swap3A_1438 = tpu.vector_load %arg20[%swap3A_1437] {strides = array<i32>} : memref<80xi32, #tpu.memory_space<vmem>>, vector<16xi32>,
      %swap3A_1439 = vector.shape_cast %swap3A_1438 : vector<16xi32> to vector<16xi32>
      %swap3A_1440 = vector.shape_cast %add3A_1436 : vector<16xi32> to vector<16xi32>
      tpu.vector_store %arg20[%swap3A_1437], %swap3A_1440 {strides = array<i32>} : memref<80xi32, #tpu.memory_space<vmem>>, vector<16xi32>,
      %get3A_1441 = arith.constant 32 : index
      %get3A_1442 = tpu.vector_load %arg12[%get3A_1441] {strides = array<i32>} : memref<80xi32, #tpu.memory_space<vmem>>, vector<16xi32>,
      %get3A_1443 = vector.shape_cast %get3A_1442 : vector<16xi32> to vector<16xi32>
      %mul3A_1444 = arith.constant 10000 : i32
      %mul3A_1445 = vector.broadcast %mul3A_1444 : i32 to vector<16xi32>
      %mul3A_1446 = arith.muli %get3A_1443, %mul3A_1445 : vector<16xi32>
      %get3A_1447 = arith.constant 32 : index
      %get3A_1448 = tpu.vector_load %arg8[%get3A_1447] {strides = array<i32>} : memref<80xi32, #tpu.memory_space<vmem>>, vector<16xi32>,
      %get3A_1449 = vector.shape_cast %get3A_1448 : vector<16xi32> to vector<16xi32>
      %add3A_1450 = arith.addi %mul3A_1446, %get3A_1449 : vector<16xi32>
      %add3A_1451 = vector.broadcast %mul3A_49 : i32 to vector<16xi32>
      %add3A_1452 = arith.addi %add3A_1450, %add3A_1451 : vector<16xi32>
      %swap3A_1453 = arith.constant 32 : index
      %swap3A_1454 = tpu.vector_load %arg20[%swap3A_1453] {strides = array<i32>} : memref<80xi32, #tpu.memory_space<vmem>>, vector<16xi32>,
      %swap3A_1455 = vector.shape_cast %swap3A_1454 : vector<16xi32> to vector<16xi32>
      %swap3A_1456 = vector.shape_cast %add3A_1452 : vector<16xi32> to vector<16xi32>
      tpu.vector_store %arg20[%swap3A_1453], %swap3A_1456 {strides = array<i32>} : memref<80xi32, #tpu.memory_space<vmem>>, vector<16xi32>,
      %get3A_1457 = arith.constant 48 : index
      %get3A_1458 = tpu.vector_load %arg12[%get3A_1457] {strides = array<i32>} : memref<80xi32, #tpu.memory_space<vmem>>, vector<16xi32>,
      %get3A_1459 = vector.shape_cast %get3A_1458 : vector<16xi32> to vector<16xi32>
      %mul3A_1460 = arith.constant 10000 : i32
      %mul3A_1461 = vector.broadcast %mul3A_1460 : i32 to vector<16xi32>
      %mul3A_1462 = arith.muli %get3A_1459, %mul3A_1461 : vector<16xi32>
      %get3A_1463 = arith.constant 48 : index
      %get3A_1464 = tpu.vector_load %arg8[%get3A_1463] {strides = array<i32>} : memref<80xi32, #tpu.memory_space<vmem>>, vector<16xi32>,
      %get3A_1465 = vector.shape_cast %get3A_1464 : vector<16xi32> to vector<16xi32>
      %add3A_1466 = arith.addi %mul3A_1462, %get3A_1465 : vector<16xi32>
      %add3A_1467 = vector.broadcast %mul3A_49 : i32 to vector<16xi32>
      %add3A_1468 = arith.addi %add3A_1466, %add3A_1467 : vector<16xi32>
      %swap3A_1469 = arith.constant 48 : index
      %swap3A_1470 = tpu.vector_load %arg20[%swap3A_1469] {strides = array<i32>} : memref<80xi32, #tpu.memory_space<vmem>>, vector<16xi32>,
      %swap3A_1471 = vector.shape_cast %swap3A_1470 : vector<16xi32> to vector<16xi32>
      %swap3A_1472 = vector.shape_cast %add3A_1468 : vector<16xi32> to vector<16xi32>
      tpu.vector_store %arg20[%swap3A_1469], %swap3A_1472 {strides = array<i32>} : memref<80xi32, #tpu.memory_space<vmem>>, vector<16xi32>,
      %get3A_1473 = arith.constant 64 : index
      %get3A_1474 = tpu.vector_load %arg12[%get3A_1473] {strides = array<i32>} : memref<80xi32, #tpu.memory_space<vmem>>, vector<16xi32>,
      %get3A_1475 = vector.shape_cast %get3A_1474 : vector<16xi32> to vector<16xi32>
      %mul3A_1476 = arith.constant 10000 : i32
      %mul3A_1477 = vector.broadcast %mul3A_1476 : i32 to vector<16xi32>
      %mul3A_1478 = arith.muli %get3A_1475, %mul3A_1477 : vector<16xi32>
      %get3A_1479 = arith.constant 64 : index
      %get3A_1480 = tpu.vector_load %arg8[%get3A_1479] {strides = array<i32>} : memref<80xi32, #tpu.memory_space<vmem>>, vector<16xi32>,
      %get3A_1481 = vector.shape_cast %get3A_1480 : vector<16xi32> to vector<16xi32>
      %add3A_1482 = arith.addi %mul3A_1478, %get3A_1481 : vector<16xi32>
      %add3A_1483 = vector.broadcast %mul3A_49 : i32 to vector<16xi32>
      %add3A_1484 = arith.addi %add3A_1482, %add3A_1483 : vector<16xi32>
      %swap3A_1485 = arith.constant 64 : index
      %swap3A_1486 = tpu.vector_load %arg20[%swap3A_1485] {strides = array<i32>} : memref<80xi32, #tpu.memory_space<vmem>>, vector<16xi32>,
      %swap3A_1487 = vector.shape_cast %swap3A_1486 : vector<16xi32> to vector<16xi32>
      %swap3A_1488 = vector.shape_cast %add3A_1484 : vector<16xi32> to vector<16xi32>
      tpu.vector_store %arg20[%swap3A_1485], %swap3A_1488 {strides = array<i32>} : memref<80xi32, #tpu.memory_space<vmem>>, vector<16xi32>,
      %dma_start3A_1489 = arith.constant 0 : i32
      %dma_start3A_1490 = arith.constant 0 : i32
      %dma_start3A_1491 = tpu.memref_slice %arg2[%dma_start3A_1489, %dma_start3A_1490] : memref<180000x128xf32, #tpu.memory_space<hbm>> -> memref<180000x128xf32, #tpu.memory_space<hbm>>
      tpu.enqueue_indirect_dma source(%dma_start3A_1491 : memref<180000x128xf32, #tpu.memory_space<hbm>>) target(%arg24 : memref<80x128xf32, #tpu.memory_space<vmem>>) offsets(%arg20 : memref<80xi32, #tpu.memory_space<vmem>>) semaphore(%arg28 : memref<!tpu.dma_semaphore, #tpu.memory_space<semaphore_mem>>)
      %dma_wait3A_1492 = arith.constant 0 : i32
      %dma_wait3A_1493 = arith.constant 0 : i32
      %dma_wait3A_1494 = tpu.memref_slice %arg2[%dma_wait3A_1492, %dma_wait3A_1493] : memref<180000x128xf32, #tpu.memory_space<hbm>> -> memref<80x128xf32, #tpu.memory_space<hbm>>
      %dma_wait3A_1495 = arith.constant 0 : i32
      %dma_wait3A_1496 = arith.constant 0 : i32
      %dma_wait3A_1497 = tpu.memref_slice %arg2[%dma_wait3A_1495, %dma_wait3A_1496] : memref<180000x128xf32, #tpu.memory_space<hbm>> -> memref<80x128xf32, #tpu.memory_space<hbm>>
      tpu.wait_dma2 semaphore(%arg28 : memref<!tpu.dma_semaphore, #tpu.memory_space<semaphore_mem>>) src(%dma_wait3A_1497 : memref<80x128xf32, #tpu.memory_space<hbm>>) dst(%arg23 : memref<80x128xf32, #tpu.memory_space<vmem>>)
      %dma_start3A_1498 = arith.constant 0 : i32
      %dma_start3A_1499 = arith.constant 0 : i32
      %dma_start3A_1500 = tpu.memref_slice %arg6[%dma_start3A_1498, %dma_start3A_1499] : memref<10000x128xf32, #tpu.memory_space<vmem_shared>> -> memref<10000x128xf32, #tpu.memory_space<vmem_shared>>
      tpu.enqueue_indirect_dma source(%arg23 : memref<80x128xf32, #tpu.memory_space<vmem>>) target(%dma_start3A_1500 : memref<10000x128xf32, #tpu.memory_space<vmem_shared>>) offsets(%arg15 : memref<80xi32, #tpu.memory_space<vmem>>) semaphore(%arg29 : memref<!tpu.dma_semaphore, #tpu.memory_space<semaphore_mem>>) {add = true}
      %mul3A_1501 = arith.constant 4 : i32
      %mul3A_1502 = arith.muli %scan3A_1121, %mul3A_1501 : i32
      %add3A_1503 = arith.constant 2 : i32
      %add3A_1504 = arith.addi %add3A_1503, %mul3A_1502 : i32
      %add3A_1505 = arith.constant 3 : i32
      %add3A_1506 = arith.addi %add3A_1504, %add3A_1505 : i32
      %dma_wait3A_1507 = arith.constant 0 : i32
      %dma_wait3A_1508 = arith.constant 0 : i32
      %dma_wait3A_1509 = tpu.memref_slice %arg6[%dma_wait3A_1507, %dma_wait3A_1508] : memref<10000x128xf32, #tpu.memory_space<vmem_shared>> -> memref<10000x128xf32, #tpu.memory_space<vmem_shared>>
      tpu.wait_indirect_dma semaphore(%arg29 : memref<!tpu.dma_semaphore, #tpu.memory_space<semaphore_mem>>) src(%arg23 : memref<80x128xf32, #tpu.memory_space<vmem>>) dst(%dma_wait3A_1509 : memref<10000x128xf32, #tpu.memory_space<vmem_shared>>)
      %add3A_1510 = arith.constant 2 : i32
      %add3A_1511 = arith.addi %add3A_1506, %add3A_1510 : i32
      %mul3A_1512 = arith.constant 80 : i32
      %mul3A_1513 = arith.muli %add3A_1511, %mul3A_1512 : i32
      %add3A_1514 = arith.addi %mul3A_51, %mul3A_1513 : i32
      %dma_start3A_1515 = tpu.memref_slice %arg3[%add3A_1514] : memref<320000xi32, #tpu.memory_space<hbm>> -> memref<80xi32, #tpu.memory_space<hbm>>
      %dma_start3A_1516 = tpu.memref_slice %arg3[%add3A_1514] : memref<320000xi32, #tpu.memory_space<hbm>> -> memref<80xi32, #tpu.memory_space<hbm>>
      tpu.enqueue_dma source(%dma_start3A_1516 : memref<80xi32, #tpu.memory_space<hbm>>) target(%arg10 : memref<80xi32, #tpu.memory_space<vmem>>) target_semaphore(%arg27 : memref<!tpu.dma_semaphore, #tpu.memory_space<semaphore_mem>>)
      %dma_start3A_1517 = tpu.memref_slice %arg4[%add3A_1514] : memref<160000xi32, #tpu.memory_space<hbm>> -> memref<80xi32, #tpu.memory_space<hbm>>
      %dma_start3A_1518 = tpu.memref_slice %arg4[%add3A_1514] : memref<160000xi32, #tpu.memory_space<hbm>> -> memref<80xi32, #tpu.memory_space<hbm>>
      tpu.enqueue_dma source(%dma_start3A_1518 : memref<80xi32, #tpu.memory_space<hbm>>) target(%arg14 : memref<80xi32, #tpu.memory_space<vmem>>) target_semaphore(%arg27 : memref<!tpu.dma_semaphore, #tpu.memory_space<semaphore_mem>>)
      %add3A_1519 = arith.constant 160000 : i32
      %add3A_1520 = arith.addi %add3A_1519, %add3A_1514 : i32
      %dma_start3A_1521 = tpu.memref_slice %arg3[%add3A_1520] : memref<320000xi32, #tpu.memory_space<hbm>> -> memref<80xi32, #tpu.memory_space<hbm>>
      %dma_start3A_1522 = tpu.memref_slice %arg3[%add3A_1520] : memref<320000xi32, #tpu.memory_space<hbm>> -> memref<80xi32, #tpu.memory_space<hbm>>
      tpu.enqueue_dma source(%dma_start3A_1522 : memref<80xi32, #tpu.memory_space<hbm>>) target(%arg18 : memref<80xi32, #tpu.memory_space<vmem>>) target_semaphore(%arg27 : memref<!tpu.dma_semaphore, #tpu.memory_space<semaphore_mem>>)
      %dma_wait3A_1523 = arith.constant 0 : i32
      %dma_wait3A_1524 = tpu.memref_slice %arg3[%dma_wait3A_1523] : memref<320000xi32, #tpu.memory_space<hbm>> -> memref<80xi32, #tpu.memory_space<hbm>>
      %dma_wait3A_1525 = arith.constant 0 : i32
      %dma_wait3A_1526 = tpu.memref_slice %arg3[%dma_wait3A_1525] : memref<320000xi32, #tpu.memory_space<hbm>> -> memref<80xi32, #tpu.memory_space<hbm>>
      tpu.wait_dma2 semaphore(%arg27 : memref<!tpu.dma_semaphore, #tpu.memory_space<semaphore_mem>>) src(%dma_wait3A_1526 : memref<80xi32, #tpu.memory_space<hbm>>) dst(%arg9 : memref<80xi32, #tpu.memory_space<vmem>>)
      %dma_wait3A_1527 = arith.constant 0 : i32
      %dma_wait3A_1528 = tpu.memref_slice %arg4[%dma_wait3A_1527] : memref<160000xi32, #tpu.memory_space<hbm>> -> memref<80xi32, #tpu.memory_space<hbm>>
      %dma_wait3A_1529 = arith.constant 0 : i32
      %dma_wait3A_1530 = tpu.memref_slice %arg4[%dma_wait3A_1529] : memref<160000xi32, #tpu.memory_space<hbm>> -> memref<80xi32, #tpu.memory_space<hbm>>
      tpu.wait_dma2 semaphore(%arg27 : memref<!tpu.dma_semaphore, #tpu.memory_space<semaphore_mem>>) src(%dma_wait3A_1530 : memref<80xi32, #tpu.memory_space<hbm>>) dst(%arg13 : memref<80xi32, #tpu.memory_space<vmem>>)
      %dma_wait3A_1531 = arith.constant 0 : i32
      %dma_wait3A_1532 = tpu.memref_slice %arg3[%dma_wait3A_1531] : memref<320000xi32, #tpu.memory_space<hbm>> -> memref<80xi32, #tpu.memory_space<hbm>>
      %dma_wait3A_1533 = arith.constant 0 : i32
      %dma_wait3A_1534 = tpu.memref_slice %arg3[%dma_wait3A_1533] : memref<320000xi32, #tpu.memory_space<hbm>> -> memref<80xi32, #tpu.memory_space<hbm>>
      tpu.wait_dma2 semaphore(%arg27 : memref<!tpu.dma_semaphore, #tpu.memory_space<semaphore_mem>>) src(%dma_wait3A_1534 : memref<80xi32, #tpu.memory_space<hbm>>) dst(%arg17 : memref<80xi32, #tpu.memory_space<vmem>>)
      %get3A_1535 = arith.constant 0 : index
      %get3A_1536 = tpu.vector_load %arg13[%get3A_1535] {strides = array<i32>} : memref<80xi32, #tpu.memory_space<vmem>>, vector<16xi32>,
      %get3A_1537 = vector.shape_cast %get3A_1536 : vector<16xi32> to vector<16xi32>
      %mul3A_1538 = arith.constant 10000 : i32
      %mul3A_1539 = vector.broadcast %mul3A_1538 : i32 to vector<16xi32>
      %mul3A_1540 = arith.muli %get3A_1537, %mul3A_1539 : vector<16xi32>
      %get3A_1541 = arith.constant 0 : index
      %get3A_1542 = tpu.vector_load %arg9[%get3A_1541] {strides = array<i32>} : memref<80xi32, #tpu.memory_space<vmem>>, vector<16xi32>,
      %get3A_1543 = vector.shape_cast %get3A_1542 : vector<16xi32> to vector<16xi32>
      %add3A_1544 = arith.addi %mul3A_1540, %get3A_1543 : vector<16xi32>
      %add3A_1545 = vector.broadcast %mul3A_49 : i32 to vector<16xi32>
      %add3A_1546 = arith.addi %add3A_1544, %add3A_1545 : vector<16xi32>
      %swap3A_1547 = arith.constant 0 : index
      %swap3A_1548 = tpu.vector_load %arg21[%swap3A_1547] {strides = array<i32>} : memref<80xi32, #tpu.memory_space<vmem>>, vector<16xi32>,
      %swap3A_1549 = vector.shape_cast %swap3A_1548 : vector<16xi32> to vector<16xi32>
      %swap3A_1550 = vector.shape_cast %add3A_1546 : vector<16xi32> to vector<16xi32>
      tpu.vector_store %arg21[%swap3A_1547], %swap3A_1550 {strides = array<i32>} : memref<80xi32, #tpu.memory_space<vmem>>, vector<16xi32>,
      %get3A_1551 = arith.constant 16 : index
      %get3A_1552 = tpu.vector_load %arg13[%get3A_1551] {strides = array<i32>} : memref<80xi32, #tpu.memory_space<vmem>>, vector<16xi32>,
      %get3A_1553 = vector.shape_cast %get3A_1552 : vector<16xi32> to vector<16xi32>
      %mul3A_1554 = arith.constant 10000 : i32
      %mul3A_1555 = vector.broadcast %mul3A_1554 : i32 to vector<16xi32>
      %mul3A_1556 = arith.muli %get3A_1553, %mul3A_1555 : vector<16xi32>
      %get3A_1557 = arith.constant 16 : index
      %get3A_1558 = tpu.vector_load %arg9[%get3A_1557] {strides = array<i32>} : memref<80xi32, #tpu.memory_space<vmem>>, vector<16xi32>,
      %get3A_1559 = vector.shape_cast %get3A_1558 : vector<16xi32> to vector<16xi32>
      %add3A_1560 = arith.addi %mul3A_1556, %get3A_1559 : vector<16xi32>
      %add3A_1561 = vector.broadcast %mul3A_49 : i32 to vector<16xi32>
      %add3A_1562 = arith.addi %add3A_1560, %add3A_1561 : vector<16xi32>
      %swap3A_1563 = arith.constant 16 : index
      %swap3A_1564 = tpu.vector_load %arg21[%swap3A_1563] {strides = array<i32>} : memref<80xi32, #tpu.memory_space<vmem>>, vector<16xi32>,
      %swap3A_1565 = vector.shape_cast %swap3A_1564 : vector<16xi32> to vector<16xi32>
      %swap3A_1566 = vector.shape_cast %add3A_1562 : vector<16xi32> to vector<16xi32>
      tpu.vector_store %arg21[%swap3A_1563], %swap3A_1566 {strides = array<i32>} : memref<80xi32, #tpu.memory_space<vmem>>, vector<16xi32>,
      %get3A_1567 = arith.constant 32 : index
      %get3A_1568 = tpu.vector_load %arg13[%get3A_1567] {strides = array<i32>} : memref<80xi32, #tpu.memory_space<vmem>>, vector<16xi32>,
      %get3A_1569 = vector.shape_cast %get3A_1568 : vector<16xi32> to vector<16xi32>
      %mul3A_1570 = arith.constant 10000 : i32
      %mul3A_1571 = vector.broadcast %mul3A_1570 : i32 to vector<16xi32>
      %mul3A_1572 = arith.muli %get3A_1569, %mul3A_1571 : vector<16xi32>
      %get3A_1573 = arith.constant 32 : index
      %get3A_1574 = tpu.vector_load %arg9[%get3A_1573] {strides = array<i32>} : memref<80xi32, #tpu.memory_space<vmem>>, vector<16xi32>,
      %get3A_1575 = vector.shape_cast %get3A_1574 : vector<16xi32> to vector<16xi32>
      %add3A_1576 = arith.addi %mul3A_1572, %get3A_1575 : vector<16xi32>
      %add3A_1577 = vector.broadcast %mul3A_49 : i32 to vector<16xi32>
      %add3A_1578 = arith.addi %add3A_1576, %add3A_1577 : vector<16xi32>
      %swap3A_1579 = arith.constant 32 : index
      %swap3A_1580 = tpu.vector_load %arg21[%swap3A_1579] {strides = array<i32>} : memref<80xi32, #tpu.memory_space<vmem>>, vector<16xi32>,
      %swap3A_1581 = vector.shape_cast %swap3A_1580 : vector<16xi32> to vector<16xi32>
      %swap3A_1582 = vector.shape_cast %add3A_1578 : vector<16xi32> to vector<16xi32>
      tpu.vector_store %arg21[%swap3A_1579], %swap3A_1582 {strides = array<i32>} : memref<80xi32, #tpu.memory_space<vmem>>, vector<16xi32>,
      %get3A_1583 = arith.constant 48 : index
      %get3A_1584 = tpu.vector_load %arg13[%get3A_1583] {strides = array<i32>} : memref<80xi32, #tpu.memory_space<vmem>>, vector<16xi32>,
      %get3A_1585 = vector.shape_cast %get3A_1584 : vector<16xi32> to vector<16xi32>
      %mul3A_1586 = arith.constant 10000 : i32
      %mul3A_1587 = vector.broadcast %mul3A_1586 : i32 to vector<16xi32>
      %mul3A_1588 = arith.muli %get3A_1585, %mul3A_1587 : vector<16xi32>
      %get3A_1589 = arith.constant 48 : index
      %get3A_1590 = tpu.vector_load %arg9[%get3A_1589] {strides = array<i32>} : memref<80xi32, #tpu.memory_space<vmem>>, vector<16xi32>,
      %get3A_1591 = vector.shape_cast %get3A_1590 : vector<16xi32> to vector<16xi32>
      %add3A_1592 = arith.addi %mul3A_1588, %get3A_1591 : vector<16xi32>
      %add3A_1593 = vector.broadcast %mul3A_49 : i32 to vector<16xi32>
      %add3A_1594 = arith.addi %add3A_1592, %add3A_1593 : vector<16xi32>
      %swap3A_1595 = arith.constant 48 : index
      %swap3A_1596 = tpu.vector_load %arg21[%swap3A_1595] {strides = array<i32>} : memref<80xi32, #tpu.memory_space<vmem>>, vector<16xi32>,
      %swap3A_1597 = vector.shape_cast %swap3A_1596 : vector<16xi32> to vector<16xi32>
      %swap3A_1598 = vector.shape_cast %add3A_1594 : vector<16xi32> to vector<16xi32>
      tpu.vector_store %arg21[%swap3A_1595], %swap3A_1598 {strides = array<i32>} : memref<80xi32, #tpu.memory_space<vmem>>, vector<16xi32>,
      %get3A_1599 = arith.constant 64 : index
      %get3A_1600 = tpu.vector_load %arg13[%get3A_1599] {strides = array<i32>} : memref<80xi32, #tpu.memory_space<vmem>>, vector<16xi32>,
      %get3A_1601 = vector.shape_cast %get3A_1600 : vector<16xi32> to vector<16xi32>
      %mul3A_1602 = arith.constant 10000 : i32
      %mul3A_1603 = vector.broadcast %mul3A_1602 : i32 to vector<16xi32>
      %mul3A_1604 = arith.muli %get3A_1601, %mul3A_1603 : vector<16xi32>
      %get3A_1605 = arith.constant 64 : index
      %get3A_1606 = tpu.vector_load %arg9[%get3A_1605] {strides = array<i32>} : memref<80xi32, #tpu.memory_space<vmem>>, vector<16xi32>,
      %get3A_1607 = vector.shape_cast %get3A_1606 : vector<16xi32> to vector<16xi32>
      %add3A_1608 = arith.addi %mul3A_1604, %get3A_1607 : vector<16xi32>
      %add3A_1609 = vector.broadcast %mul3A_49 : i32 to vector<16xi32>
      %add3A_1610 = arith.addi %add3A_1608, %add3A_1609 : vector<16xi32>
      %swap3A_1611 = arith.constant 64 : index
      %swap3A_1612 = tpu.vector_load %arg21[%swap3A_1611] {strides = array<i32>} : memref<80xi32, #tpu.memory_space<vmem>>, vector<16xi32>,
      %swap3A_1613 = vector.shape_cast %swap3A_1612 : vector<16xi32> to vector<16xi32>
      %swap3A_1614 = vector.shape_cast %add3A_1610 : vector<16xi32> to vector<16xi32>
      tpu.vector_store %arg21[%swap3A_1611], %swap3A_1614 {strides = array<i32>} : memref<80xi32, #tpu.memory_space<vmem>>, vector<16xi32>,
      %dma_start3A_1615 = arith.constant 0 : i32
      %dma_start3A_1616 = arith.constant 0 : i32
      %dma_start3A_1617 = tpu.memref_slice %arg2[%dma_start3A_1615, %dma_start3A_1616] : memref<180000x128xf32, #tpu.memory_space<hbm>> -> memref<180000x128xf32, #tpu.memory_space<hbm>>
      tpu.enqueue_indirect_dma source(%dma_start3A_1617 : memref<180000x128xf32, #tpu.memory_space<hbm>>) target(%arg25 : memref<80x128xf32, #tpu.memory_space<vmem>>) offsets(%arg21 : memref<80xi32, #tpu.memory_space<vmem>>) semaphore(%arg28 : memref<!tpu.dma_semaphore, #tpu.memory_space<semaphore_mem>>)
      %dma_wait3A_1618 = arith.constant 0 : i32
      %dma_wait3A_1619 = arith.constant 0 : i32
      %dma_wait3A_1620 = tpu.memref_slice %arg2[%dma_wait3A_1618, %dma_wait3A_1619] : memref<180000x128xf32, #tpu.memory_space<hbm>> -> memref<80x128xf32, #tpu.memory_space<hbm>>
      %dma_wait3A_1621 = arith.constant 0 : i32
      %dma_wait3A_1622 = arith.constant 0 : i32
      %dma_wait3A_1623 = tpu.memref_slice %arg2[%dma_wait3A_1621, %dma_wait3A_1622] : memref<180000x128xf32, #tpu.memory_space<hbm>> -> memref<80x128xf32, #tpu.memory_space<hbm>>
      tpu.wait_dma2 semaphore(%arg28 : memref<!tpu.dma_semaphore, #tpu.memory_space<semaphore_mem>>) src(%dma_wait3A_1623 : memref<80x128xf32, #tpu.memory_space<hbm>>) dst(%arg24 : memref<80x128xf32, #tpu.memory_space<vmem>>)
      %dma_start3A_1624 = arith.constant 0 : i32
      %dma_start3A_1625 = arith.constant 0 : i32
      %dma_start3A_1626 = tpu.memref_slice %arg6[%dma_start3A_1624, %dma_start3A_1625] : memref<10000x128xf32, #tpu.memory_space<vmem_shared>> -> memref<10000x128xf32, #tpu.memory_space<vmem_shared>>
      tpu.enqueue_indirect_dma source(%arg24 : memref<80x128xf32, #tpu.memory_space<vmem>>) target(%dma_start3A_1626 : memref<10000x128xf32, #tpu.memory_space<vmem_shared>>) offsets(%arg16 : memref<80xi32, #tpu.memory_space<vmem>>) semaphore(%arg29 : memref<!tpu.dma_semaphore, #tpu.memory_space<semaphore_mem>>) {add = true}
      %scan3A_1627 = arith.constant 0 : i32
      scf.yield %scan3A_1627 : i32
    }
    %scan3A_397 = arith.constant 29 : i32
    %dma_wait3A_398 = arith.constant 0 : i32
    %dma_wait3A_399 = arith.constant 0 : i32
    %dma_wait3A_400 = tpu.memref_slice %arg6[%dma_wait3A_398, %dma_wait3A_399] : memref<10000x128xf32, #tpu.memory_space<vmem_shared>> -> memref<10000x128xf32, #tpu.memory_space<vmem_shared>>
    tpu.wait_indirect_dma semaphore(%arg29 : memref<!tpu.dma_semaphore, #tpu.memory_space<semaphore_mem>>) src(%arg23 : memref<80x128xf32, #tpu.memory_space<vmem>>) dst(%dma_wait3A_400 : memref<10000x128xf32, #tpu.memory_space<vmem_shared>>)
    %add3A_401 = arith.constant 9600 : i32
    %add3A_402 = arith.addi %mul3A_51, %add3A_401 : i32
    %dma_start3A_403 = tpu.memref_slice %arg3[%add3A_402] : memref<320000xi32, #tpu.memory_space<hbm>> -> memref<80xi32, #tpu.memory_space<hbm>>
    %dma_start3A_404 = tpu.memref_slice %arg3[%add3A_402] : memref<320000xi32, #tpu.memory_space<hbm>> -> memref<80xi32, #tpu.memory_space<hbm>>
    tpu.enqueue_dma source(%dma_start3A_404 : memref<80xi32, #tpu.memory_space<hbm>>) target(%arg7 : memref<80xi32, #tpu.memory_space<vmem>>) target_semaphore(%arg27 : memref<!tpu.dma_semaphore, #tpu.memory_space<semaphore_mem>>)
    %dma_start3A_405 = tpu.memref_slice %arg4[%add3A_402] : memref<160000xi32, #tpu.memory_space<hbm>> -> memref<80xi32, #tpu.memory_space<hbm>>
    %dma_start3A_406 = tpu.memref_slice %arg4[%add3A_402] : memref<160000xi32, #tpu.memory_space<hbm>> -> memref<80xi32, #tpu.memory_space<hbm>>
    tpu.enqueue_dma source(%dma_start3A_406 : memref<80xi32, #tpu.memory_space<hbm>>) target(%arg11 : memref<80xi32, #tpu.memory_space<vmem>>) target_semaphore(%arg27 : memref<!tpu.dma_semaphore, #tpu.memory_space<semaphore_mem>>)
    %add3A_407 = arith.constant 160000 : i32
    %add3A_408 = arith.addi %add3A_407, %add3A_402 : i32
    %dma_start3A_409 = tpu.memref_slice %arg3[%add3A_408] : memref<320000xi32, #tpu.memory_space<hbm>> -> memref<80xi32, #tpu.memory_space<hbm>>
    %dma_start3A_410 = tpu.memref_slice %arg3[%add3A_408] : memref<320000xi32, #tpu.memory_space<hbm>> -> memref<80xi32, #tpu.memory_space<hbm>>
    tpu.enqueue_dma source(%dma_start3A_410 : memref<80xi32, #tpu.memory_space<hbm>>) target(%arg15 : memref<80xi32, #tpu.memory_space<vmem>>) target_semaphore(%arg27 : memref<!tpu.dma_semaphore, #tpu.memory_space<semaphore_mem>>)
    %dma_wait3A_411 = arith.constant 0 : i32
    %dma_wait3A_412 = tpu.memref_slice %arg3[%dma_wait3A_411] : memref<320000xi32, #tpu.memory_space<hbm>> -> memref<80xi32, #tpu.memory_space<hbm>>
    %dma_wait3A_413 = arith.constant 0 : i32
    %dma_wait3A_414 = tpu.memref_slice %arg3[%dma_wait3A_413] : memref<320000xi32, #tpu.memory_space<hbm>> -> memref<80xi32, #tpu.memory_space<hbm>>
    tpu.wait_dma2 semaphore(%arg27 : memref<!tpu.dma_semaphore, #tpu.memory_space<semaphore_mem>>) src(%dma_wait3A_414 : memref<80xi32, #tpu.memory_space<hbm>>) dst(%arg10 : memref<80xi32, #tpu.memory_space<vmem>>)
    %dma_wait3A_415 = arith.constant 0 : i32
    %dma_wait3A_416 = tpu.memref_slice %arg4[%dma_wait3A_415] : memref<160000xi32, #tpu.memory_space<hbm>> -> memref<80xi32, #tpu.memory_space<hbm>>
    %dma_wait3A_417 = arith.constant 0 : i32
    %dma_wait3A_418 = tpu.memref_slice %arg4[%dma_wait3A_417] : memref<160000xi32, #tpu.memory_space<hbm>> -> memref<80xi32, #tpu.memory_space<hbm>>
    tpu.wait_dma2 semaphore(%arg27 : memref<!tpu.dma_semaphore, #tpu.memory_space<semaphore_mem>>) src(%dma_wait3A_418 : memref<80xi32, #tpu.memory_space<hbm>>) dst(%arg14 : memref<80xi32, #tpu.memory_space<vmem>>)
    %dma_wait3A_419 = arith.constant 0 : i32
    %dma_wait3A_420 = tpu.memref_slice %arg3[%dma_wait3A_419] : memref<320000xi32, #tpu.memory_space<hbm>> -> memref<80xi32, #tpu.memory_space<hbm>>
    %dma_wait3A_421 = arith.constant 0 : i32
    %dma_wait3A_422 = tpu.memref_slice %arg3[%dma_wait3A_421] : memref<320000xi32, #tpu.memory_space<hbm>> -> memref<80xi32, #tpu.memory_space<hbm>>
    tpu.wait_dma2 semaphore(%arg27 : memref<!tpu.dma_semaphore, #tpu.memory_space<semaphore_mem>>) src(%dma_wait3A_422 : memref<80xi32, #tpu.memory_space<hbm>>) dst(%arg18 : memref<80xi32, #tpu.memory_space<vmem>>)
    %get3A_423 = arith.constant 0 : index
    %get3A_424 = tpu.vector_load %arg14[%get3A_423] {strides = array<i32>} : memref<80xi32, #tpu.memory_space<vmem>>, vector<16xi32>,
    %get3A_425 = vector.shape_cast %get3A_424 : vector<16xi32> to vector<16xi32>
    %mul3A_426 = arith.constant 10000 : i32
    %mul3A_427 = vector.broadcast %mul3A_426 : i32 to vector<16xi32>
    %mul3A_428 = arith.muli %get3A_425, %mul3A_427 : vector<16xi32>
    %get3A_429 = arith.constant 0 : index
    %get3A_430 = tpu.vector_load %arg10[%get3A_429] {strides = array<i32>} : memref<80xi32, #tpu.memory_space<vmem>>, vector<16xi32>,
    %get3A_431 = vector.shape_cast %get3A_430 : vector<16xi32> to vector<16xi32>
    %add3A_432 = arith.addi %mul3A_428, %get3A_431 : vector<16xi32>
    %add3A_433 = vector.broadcast %mul3A_49 : i32 to vector<16xi32>
    %add3A_434 = arith.addi %add3A_432, %add3A_433 : vector<16xi32>
    %swap3A_435 = arith.constant 0 : index
    %swap3A_436 = tpu.vector_load %arg22[%swap3A_435] {strides = array<i32>} : memref<80xi32, #tpu.memory_space<vmem>>, vector<16xi32>,
    %swap3A_437 = vector.shape_cast %swap3A_436 : vector<16xi32> to vector<16xi32>
    %swap3A_438 = vector.shape_cast %add3A_434 : vector<16xi32> to vector<16xi32>
    tpu.vector_store %arg22[%swap3A_435], %swap3A_438 {strides = array<i32>} : memref<80xi32, #tpu.memory_space<vmem>>, vector<16xi32>,
    %get3A_439 = arith.constant 16 : index
    %get3A_440 = tpu.vector_load %arg14[%get3A_439] {strides = array<i32>} : memref<80xi32, #tpu.memory_space<vmem>>, vector<16xi32>,
    %get3A_441 = vector.shape_cast %get3A_440 : vector<16xi32> to vector<16xi32>
    %mul3A_442 = arith.constant 10000 : i32
    %mul3A_443 = vector.broadcast %mul3A_442 : i32 to vector<16xi32>
    %mul3A_444 = arith.muli %get3A_441, %mul3A_443 : vector<16xi32>
    %get3A_445 = arith.constant 16 : index
    %get3A_446 = tpu.vector_load %arg10[%get3A_445] {strides = array<i32>} : memref<80xi32, #tpu.memory_space<vmem>>, vector<16xi32>,
    %get3A_447 = vector.shape_cast %get3A_446 : vector<16xi32> to vector<16xi32>
    %add3A_448 = arith.addi %mul3A_444, %get3A_447 : vector<16xi32>
    %add3A_449 = vector.broadcast %mul3A_49 : i32 to vector<16xi32>
    %add3A_450 = arith.addi %add3A_448, %add3A_449 : vector<16xi32>
    %swap3A_451 = arith.constant 16 : index
    %swap3A_452 = tpu.vector_load %arg22[%swap3A_451] {strides = array<i32>} : memref<80xi32, #tpu.memory_space<vmem>>, vector<16xi32>,
    %swap3A_453 = vector.shape_cast %swap3A_452 : vector<16xi32> to vector<16xi32>
    %swap3A_454 = vector.shape_cast %add3A_450 : vector<16xi32> to vector<16xi32>
    tpu.vector_store %arg22[%swap3A_451], %swap3A_454 {strides = array<i32>} : memref<80xi32, #tpu.memory_space<vmem>>, vector<16xi32>,
    %get3A_455 = arith.constant 32 : index
    %get3A_456 = tpu.vector_load %arg14[%get3A_455] {strides = array<i32>} : memref<80xi32, #tpu.memory_space<vmem>>, vector<16xi32>,
    %get3A_457 = vector.shape_cast %get3A_456 : vector<16xi32> to vector<16xi32>
    %mul3A_458 = arith.constant 10000 : i32
    %mul3A_459 = vector.broadcast %mul3A_458 : i32 to vector<16xi32>
    %mul3A_460 = arith.muli %get3A_457, %mul3A_459 : vector<16xi32>
    %get3A_461 = arith.constant 32 : index
    %get3A_462 = tpu.vector_load %arg10[%get3A_461] {strides = array<i32>} : memref<80xi32, #tpu.memory_space<vmem>>, vector<16xi32>,
    %get3A_463 = vector.shape_cast %get3A_462 : vector<16xi32> to vector<16xi32>
    %add3A_464 = arith.addi %mul3A_460, %get3A_463 : vector<16xi32>
    %add3A_465 = vector.broadcast %mul3A_49 : i32 to vector<16xi32>
    %add3A_466 = arith.addi %add3A_464, %add3A_465 : vector<16xi32>
    %swap3A_467 = arith.constant 32 : index
    %swap3A_468 = tpu.vector_load %arg22[%swap3A_467] {strides = array<i32>} : memref<80xi32, #tpu.memory_space<vmem>>, vector<16xi32>,
    %swap3A_469 = vector.shape_cast %swap3A_468 : vector<16xi32> to vector<16xi32>
    %swap3A_470 = vector.shape_cast %add3A_466 : vector<16xi32> to vector<16xi32>
    tpu.vector_store %arg22[%swap3A_467], %swap3A_470 {strides = array<i32>} : memref<80xi32, #tpu.memory_space<vmem>>, vector<16xi32>,
    %get3A_471 = arith.constant 48 : index
    %get3A_472 = tpu.vector_load %arg14[%get3A_471] {strides = array<i32>} : memref<80xi32, #tpu.memory_space<vmem>>, vector<16xi32>,
    %get3A_473 = vector.shape_cast %get3A_472 : vector<16xi32> to vector<16xi32>
    %mul3A_474 = arith.constant 10000 : i32
    %mul3A_475 = vector.broadcast %mul3A_474 : i32 to vector<16xi32>
    %mul3A_476 = arith.muli %get3A_473, %mul3A_475 : vector<16xi32>
    %get3A_477 = arith.constant 48 : index
    %get3A_478 = tpu.vector_load %arg10[%get3A_477] {strides = array<i32>} : memref<80xi32, #tpu.memory_space<vmem>>, vector<16xi32>,
    %get3A_479 = vector.shape_cast %get3A_478 : vector<16xi32> to vector<16xi32>
    %add3A_480 = arith.addi %mul3A_476, %get3A_479 : vector<16xi32>
    %add3A_481 = vector.broadcast %mul3A_49 : i32 to vector<16xi32>
    %add3A_482 = arith.addi %add3A_480, %add3A_481 : vector<16xi32>
    %swap3A_483 = arith.constant 48 : index
    %swap3A_484 = tpu.vector_load %arg22[%swap3A_483] {strides = array<i32>} : memref<80xi32, #tpu.memory_space<vmem>>, vector<16xi32>,
    %swap3A_485 = vector.shape_cast %swap3A_484 : vector<16xi32> to vector<16xi32>
    %swap3A_486 = vector.shape_cast %add3A_482 : vector<16xi32> to vector<16xi32>
    tpu.vector_store %arg22[%swap3A_483], %swap3A_486 {strides = array<i32>} : memref<80xi32, #tpu.memory_space<vmem>>, vector<16xi32>,
    %get3A_487 = arith.constant 64 : index
    %get3A_488 = tpu.vector_load %arg14[%get3A_487] {strides = array<i32>} : memref<80xi32, #tpu.memory_space<vmem>>, vector<16xi32>,
    %get3A_489 = vector.shape_cast %get3A_488 : vector<16xi32> to vector<16xi32>
    %mul3A_490 = arith.constant 10000 : i32
    %mul3A_491 = vector.broadcast %mul3A_490 : i32 to vector<16xi32>
    %mul3A_492 = arith.muli %get3A_489, %mul3A_491 : vector<16xi32>
    %get3A_493 = arith.constant 64 : index
    %get3A_494 = tpu.vector_load %arg10[%get3A_493] {strides = array<i32>} : memref<80xi32, #tpu.memory_space<vmem>>, vector<16xi32>,
    %get3A_495 = vector.shape_cast %get3A_494 : vector<16xi32> to vector<16xi32>
    %add3A_496 = arith.addi %mul3A_492, %get3A_495 : vector<16xi32>
    %add3A_497 = vector.broadcast %mul3A_49 : i32 to vector<16xi32>
    %add3A_498 = arith.addi %add3A_496, %add3A_497 : vector<16xi32>
    %swap3A_499 = arith.constant 64 : index
    %swap3A_500 = tpu.vector_load %arg22[%swap3A_499] {strides = array<i32>} : memref<80xi32, #tpu.memory_space<vmem>>, vector<16xi32>,
    %swap3A_501 = vector.shape_cast %swap3A_500 : vector<16xi32> to vector<16xi32>
    %swap3A_502 = vector.shape_cast %add3A_498 : vector<16xi32> to vector<16xi32>
    tpu.vector_store %arg22[%swap3A_499], %swap3A_502 {strides = array<i32>} : memref<80xi32, #tpu.memory_space<vmem>>, vector<16xi32>,
    %dma_start3A_503 = arith.constant 0 : i32
    %dma_start3A_504 = arith.constant 0 : i32
    %dma_start3A_505 = tpu.memref_slice %arg2[%dma_start3A_503, %dma_start3A_504] : memref<180000x128xf32, #tpu.memory_space<hbm>> -> memref<180000x128xf32, #tpu.memory_space<hbm>>
    tpu.enqueue_indirect_dma source(%dma_start3A_505 : memref<180000x128xf32, #tpu.memory_space<hbm>>) target(%arg26 : memref<80x128xf32, #tpu.memory_space<vmem>>) offsets(%arg22 : memref<80xi32, #tpu.memory_space<vmem>>) semaphore(%arg28 : memref<!tpu.dma_semaphore, #tpu.memory_space<semaphore_mem>>)
    %dma_wait3A_506 = arith.constant 0 : i32
    %dma_wait3A_507 = arith.constant 0 : i32
    %dma_wait3A_508 = tpu.memref_slice %arg2[%dma_wait3A_506, %dma_wait3A_507] : memref<180000x128xf32, #tpu.memory_space<hbm>> -> memref<80x128xf32, #tpu.memory_space<hbm>>
    %dma_wait3A_509 = arith.constant 0 : i32
    %dma_wait3A_510 = arith.constant 0 : i32
    %dma_wait3A_511 = tpu.memref_slice %arg2[%dma_wait3A_509, %dma_wait3A_510] : memref<180000x128xf32, #tpu.memory_space<hbm>> -> memref<80x128xf32, #tpu.memory_space<hbm>>
    tpu.wait_dma2 semaphore(%arg28 : memref<!tpu.dma_semaphore, #tpu.memory_space<semaphore_mem>>) src(%dma_wait3A_511 : memref<80x128xf32, #tpu.memory_space<hbm>>) dst(%arg25 : memref<80x128xf32, #tpu.memory_space<vmem>>)
    %dma_start3A_512 = arith.constant 0 : i32
    %dma_start3A_513 = arith.constant 0 : i32
    %dma_start3A_514 = tpu.memref_slice %arg6[%dma_start3A_512, %dma_start3A_513] : memref<10000x128xf32, #tpu.memory_space<vmem_shared>> -> memref<10000x128xf32, #tpu.memory_space<vmem_shared>>
    tpu.enqueue_indirect_dma source(%arg25 : memref<80x128xf32, #tpu.memory_space<vmem>>) target(%dma_start3A_514 : memref<10000x128xf32, #tpu.memory_space<vmem_shared>>) offsets(%arg17 : memref<80xi32, #tpu.memory_space<vmem>>) semaphore(%arg29 : memref<!tpu.dma_semaphore, #tpu.memory_space<semaphore_mem>>) {add = true}
    %dma_wait3A_515 = arith.constant 0 : i32
    %dma_wait3A_516 = arith.constant 0 : i32
    %dma_wait3A_517 = tpu.memref_slice %arg6[%dma_wait3A_515, %dma_wait3A_516] : memref<10000x128xf32, #tpu.memory_space<vmem_shared>> -> memref<10000x128xf32, #tpu.memory_space<vmem_shared>>
    tpu.wait_indirect_dma semaphore(%arg29 : memref<!tpu.dma_semaphore, #tpu.memory_space<semaphore_mem>>) src(%arg23 : memref<80x128xf32, #tpu.memory_space<vmem>>) dst(%dma_wait3A_517 : memref<10000x128xf32, #tpu.memory_space<vmem_shared>>)
    %add3A_518 = arith.constant 9680 : i32
    %add3A_519 = arith.addi %mul3A_51, %add3A_518 : i32
    %dma_start3A_520 = tpu.memref_slice %arg3[%add3A_519] : memref<320000xi32, #tpu.memory_space<hbm>> -> memref<80xi32, #tpu.memory_space<hbm>>
    %dma_start3A_521 = tpu.memref_slice %arg3[%add3A_519] : memref<320000xi32, #tpu.memory_space<hbm>> -> memref<80xi32, #tpu.memory_space<hbm>>
    tpu.enqueue_dma source(%dma_start3A_521 : memref<80xi32, #tpu.memory_space<hbm>>) target(%arg8 : memref<80xi32, #tpu.memory_space<vmem>>) target_semaphore(%arg27 : memref<!tpu.dma_semaphore, #tpu.memory_space<semaphore_mem>>)
    %dma_start3A_522 = tpu.memref_slice %arg4[%add3A_519] : memref<160000xi32, #tpu.memory_space<hbm>> -> memref<80xi32, #tpu.memory_space<hbm>>
    %dma_start3A_523 = tpu.memref_slice %arg4[%add3A_519] : memref<160000xi32, #tpu.memory_space<hbm>> -> memref<80xi32, #tpu.memory_space<hbm>>
    tpu.enqueue_dma source(%dma_start3A_523 : memref<80xi32, #tpu.memory_space<hbm>>) target(%arg12 : memref<80xi32, #tpu.memory_space<vmem>>) target_semaphore(%arg27 : memref<!tpu.dma_semaphore, #tpu.memory_space<semaphore_mem>>)
    %add3A_524 = arith.constant 160000 : i32
    %add3A_525 = arith.addi %add3A_524, %add3A_519 : i32
    %dma_start3A_526 = tpu.memref_slice %arg3[%add3A_525] : memref<320000xi32, #tpu.memory_space<hbm>> -> memref<80xi32, #tpu.memory_space<hbm>>
    %dma_start3A_527 = tpu.memref_slice %arg3[%add3A_525] : memref<320000xi32, #tpu.memory_space<hbm>> -> memref<80xi32, #tpu.memory_space<hbm>>
    tpu.enqueue_dma source(%dma_start3A_527 : memref<80xi32, #tpu.memory_space<hbm>>) target(%arg16 : memref<80xi32, #tpu.memory_space<vmem>>) target_semaphore(%arg27 : memref<!tpu.dma_semaphore, #tpu.memory_space<semaphore_mem>>)
    %dma_wait3A_528 = arith.constant 0 : i32
    %dma_wait3A_529 = tpu.memref_slice %arg3[%dma_wait3A_528] : memref<320000xi32, #tpu.memory_space<hbm>> -> memref<80xi32, #tpu.memory_space<hbm>>
    %dma_wait3A_530 = arith.constant 0 : i32
    %dma_wait3A_531 = tpu.memref_slice %arg3[%dma_wait3A_530] : memref<320000xi32, #tpu.memory_space<hbm>> -> memref<80xi32, #tpu.memory_space<hbm>>
    tpu.wait_dma2 semaphore(%arg27 : memref<!tpu.dma_semaphore, #tpu.memory_space<semaphore_mem>>) src(%dma_wait3A_531 : memref<80xi32, #tpu.memory_space<hbm>>) dst(%arg7 : memref<80xi32, #tpu.memory_space<vmem>>)
    %dma_wait3A_532 = arith.constant 0 : i32
    %dma_wait3A_533 = tpu.memref_slice %arg4[%dma_wait3A_532] : memref<160000xi32, #tpu.memory_space<hbm>> -> memref<80xi32, #tpu.memory_space<hbm>>
    %dma_wait3A_534 = arith.constant 0 : i32
    %dma_wait3A_535 = tpu.memref_slice %arg4[%dma_wait3A_534] : memref<160000xi32, #tpu.memory_space<hbm>> -> memref<80xi32, #tpu.memory_space<hbm>>
    tpu.wait_dma2 semaphore(%arg27 : memref<!tpu.dma_semaphore, #tpu.memory_space<semaphore_mem>>) src(%dma_wait3A_535 : memref<80xi32, #tpu.memory_space<hbm>>) dst(%arg11 : memref<80xi32, #tpu.memory_space<vmem>>)
    %dma_wait3A_536 = arith.constant 0 : i32
    %dma_wait3A_537 = tpu.memref_slice %arg3[%dma_wait3A_536] : memref<320000xi32, #tpu.memory_space<hbm>> -> memref<80xi32, #tpu.memory_space<hbm>>
    %dma_wait3A_538 = arith.constant 0 : i32
    %dma_wait3A_539 = tpu.memref_slice %arg3[%dma_wait3A_538] : memref<320000xi32, #tpu.memory_space<hbm>> -> memref<80xi32, #tpu.memory_space<hbm>>
    tpu.wait_dma2 semaphore(%arg27 : memref<!tpu.dma_semaphore, #tpu.memory_space<semaphore_mem>>) src(%dma_wait3A_539 : memref<80xi32, #tpu.memory_space<hbm>>) dst(%arg15 : memref<80xi32, #tpu.memory_space<vmem>>)
    %get3A_540 = arith.constant 0 : index
    %get3A_541 = tpu.vector_load %arg11[%get3A_540] {strides = array<i32>} : memref<80xi32, #tpu.memory_space<vmem>>, vector<16xi32>,
    %get3A_542 = vector.shape_cast %get3A_541 : vector<16xi32> to vector<16xi32>
    %mul3A_543 = arith.constant 10000 : i32
    %mul3A_544 = vector.broadcast %mul3A_543 : i32 to vector<16xi32>
    %mul3A_545 = arith.muli %get3A_542, %mul3A_544 : vector<16xi32>
    %get3A_546 = arith.constant 0 : index
    %get3A_547 = tpu.vector_load %arg7[%get3A_546] {strides = array<i32>} : memref<80xi32, #tpu.memory_space<vmem>>, vector<16xi32>,
    %get3A_548 = vector.shape_cast %get3A_547 : vector<16xi32> to vector<16xi32>
    %add3A_549 = arith.addi %mul3A_545, %get3A_548 : vector<16xi32>
    %add3A_550 = vector.broadcast %mul3A_49 : i32 to vector<16xi32>
    %add3A_551 = arith.addi %add3A_549, %add3A_550 : vector<16xi32>
    %swap3A_552 = arith.constant 0 : index
    %swap3A_553 = tpu.vector_load %arg19[%swap3A_552] {strides = array<i32>} : memref<80xi32, #tpu.memory_space<vmem>>, vector<16xi32>,
    %swap3A_554 = vector.shape_cast %swap3A_553 : vector<16xi32> to vector<16xi32>
    %swap3A_555 = vector.shape_cast %add3A_551 : vector<16xi32> to vector<16xi32>
    tpu.vector_store %arg19[%swap3A_552], %swap3A_555 {strides = array<i32>} : memref<80xi32, #tpu.memory_space<vmem>>, vector<16xi32>,
    %get3A_556 = arith.constant 16 : index
    %get3A_557 = tpu.vector_load %arg11[%get3A_556] {strides = array<i32>} : memref<80xi32, #tpu.memory_space<vmem>>, vector<16xi32>,
    %get3A_558 = vector.shape_cast %get3A_557 : vector<16xi32> to vector<16xi32>
    %mul3A_559 = arith.constant 10000 : i32
    %mul3A_560 = vector.broadcast %mul3A_559 : i32 to vector<16xi32>
    %mul3A_561 = arith.muli %get3A_558, %mul3A_560 : vector<16xi32>
    %get3A_562 = arith.constant 16 : index
    %get3A_563 = tpu.vector_load %arg7[%get3A_562] {strides = array<i32>} : memref<80xi32, #tpu.memory_space<vmem>>, vector<16xi32>,
    %get3A_564 = vector.shape_cast %get3A_563 : vector<16xi32> to vector<16xi32>
    %add3A_565 = arith.addi %mul3A_561, %get3A_564 : vector<16xi32>
    %add3A_566 = vector.broadcast %mul3A_49 : i32 to vector<16xi32>
    %add3A_567 = arith.addi %add3A_565, %add3A_566 : vector<16xi32>
    %swap3A_568 = arith.constant 16 : index
    %swap3A_569 = tpu.vector_load %arg19[%swap3A_568] {strides = array<i32>} : memref<80xi32, #tpu.memory_space<vmem>>, vector<16xi32>,
    %swap3A_570 = vector.shape_cast %swap3A_569 : vector<16xi32> to vector<16xi32>
    %swap3A_571 = vector.shape_cast %add3A_567 : vector<16xi32> to vector<16xi32>
    tpu.vector_store %arg19[%swap3A_568], %swap3A_571 {strides = array<i32>} : memref<80xi32, #tpu.memory_space<vmem>>, vector<16xi32>,
    %get3A_572 = arith.constant 32 : index
    %get3A_573 = tpu.vector_load %arg11[%get3A_572] {strides = array<i32>} : memref<80xi32, #tpu.memory_space<vmem>>, vector<16xi32>,
    %get3A_574 = vector.shape_cast %get3A_573 : vector<16xi32> to vector<16xi32>
    %mul3A_575 = arith.constant 10000 : i32
    %mul3A_576 = vector.broadcast %mul3A_575 : i32 to vector<16xi32>
    %mul3A_577 = arith.muli %get3A_574, %mul3A_576 : vector<16xi32>
    %get3A_578 = arith.constant 32 : index
    %get3A_579 = tpu.vector_load %arg7[%get3A_578] {strides = array<i32>} : memref<80xi32, #tpu.memory_space<vmem>>, vector<16xi32>,
    %get3A_580 = vector.shape_cast %get3A_579 : vector<16xi32> to vector<16xi32>
    %add3A_581 = arith.addi %mul3A_577, %get3A_580 : vector<16xi32>
    %add3A_582 = vector.broadcast %mul3A_49 : i32 to vector<16xi32>
    %add3A_583 = arith.addi %add3A_581, %add3A_582 : vector<16xi32>
    %swap3A_584 = arith.constant 32 : index
    %swap3A_585 = tpu.vector_load %arg19[%swap3A_584] {strides = array<i32>} : memref<80xi32, #tpu.memory_space<vmem>>, vector<16xi32>,
    %swap3A_586 = vector.shape_cast %swap3A_585 : vector<16xi32> to vector<16xi32>
    %swap3A_587 = vector.shape_cast %add3A_583 : vector<16xi32> to vector<16xi32>
    tpu.vector_store %arg19[%swap3A_584], %swap3A_587 {strides = array<i32>} : memref<80xi32, #tpu.memory_space<vmem>>, vector<16xi32>,
    %get3A_588 = arith.constant 48 : index
    %get3A_589 = tpu.vector_load %arg11[%get3A_588] {strides = array<i32>} : memref<80xi32, #tpu.memory_space<vmem>>, vector<16xi32>,
    %get3A_590 = vector.shape_cast %get3A_589 : vector<16xi32> to vector<16xi32>
    %mul3A_591 = arith.constant 10000 : i32
    %mul3A_592 = vector.broadcast %mul3A_591 : i32 to vector<16xi32>
    %mul3A_593 = arith.muli %get3A_590, %mul3A_592 : vector<16xi32>
    %get3A_594 = arith.constant 48 : index
    %get3A_595 = tpu.vector_load %arg7[%get3A_594] {strides = array<i32>} : memref<80xi32, #tpu.memory_space<vmem>>, vector<16xi32>,
    %get3A_596 = vector.shape_cast %get3A_595 : vector<16xi32> to vector<16xi32>
    %add3A_597 = arith.addi %mul3A_593, %get3A_596 : vector<16xi32>
    %add3A_598 = vector.broadcast %mul3A_49 : i32 to vector<16xi32>
    %add3A_599 = arith.addi %add3A_597, %add3A_598 : vector<16xi32>
    %swap3A_600 = arith.constant 48 : index
    %swap3A_601 = tpu.vector_load %arg19[%swap3A_600] {strides = array<i32>} : memref<80xi32, #tpu.memory_space<vmem>>, vector<16xi32>,
    %swap3A_602 = vector.shape_cast %swap3A_601 : vector<16xi32> to vector<16xi32>
    %swap3A_603 = vector.shape_cast %add3A_599 : vector<16xi32> to vector<16xi32>
    tpu.vector_store %arg19[%swap3A_600], %swap3A_603 {strides = array<i32>} : memref<80xi32, #tpu.memory_space<vmem>>, vector<16xi32>,
    %get3A_604 = arith.constant 64 : index
    %get3A_605 = tpu.vector_load %arg11[%get3A_604] {strides = array<i32>} : memref<80xi32, #tpu.memory_space<vmem>>, vector<16xi32>,
    %get3A_606 = vector.shape_cast %get3A_605 : vector<16xi32> to vector<16xi32>
    %mul3A_607 = arith.constant 10000 : i32
    %mul3A_608 = vector.broadcast %mul3A_607 : i32 to vector<16xi32>
    %mul3A_609 = arith.muli %get3A_606, %mul3A_608 : vector<16xi32>
    %get3A_610 = arith.constant 64 : index
    %get3A_611 = tpu.vector_load %arg7[%get3A_610] {strides = array<i32>} : memref<80xi32, #tpu.memory_space<vmem>>, vector<16xi32>,
    %get3A_612 = vector.shape_cast %get3A_611 : vector<16xi32> to vector<16xi32>
    %add3A_613 = arith.addi %mul3A_609, %get3A_612 : vector<16xi32>
    %add3A_614 = vector.broadcast %mul3A_49 : i32 to vector<16xi32>
    %add3A_615 = arith.addi %add3A_613, %add3A_614 : vector<16xi32>
    %swap3A_616 = arith.constant 64 : index
    %swap3A_617 = tpu.vector_load %arg19[%swap3A_616] {strides = array<i32>} : memref<80xi32, #tpu.memory_space<vmem>>, vector<16xi32>,
    %swap3A_618 = vector.shape_cast %swap3A_617 : vector<16xi32> to vector<16xi32>
    %swap3A_619 = vector.shape_cast %add3A_615 : vector<16xi32> to vector<16xi32>
    tpu.vector_store %arg19[%swap3A_616], %swap3A_619 {strides = array<i32>} : memref<80xi32, #tpu.memory_space<vmem>>, vector<16xi32>,
    %dma_start3A_620 = arith.constant 0 : i32
    %dma_start3A_621 = arith.constant 0 : i32
    %dma_start3A_622 = tpu.memref_slice %arg2[%dma_start3A_620, %dma_start3A_621] : memref<180000x128xf32, #tpu.memory_space<hbm>> -> memref<180000x128xf32, #tpu.memory_space<hbm>>
    tpu.enqueue_indirect_dma source(%dma_start3A_622 : memref<180000x128xf32, #tpu.memory_space<hbm>>) target(%arg23 : memref<80x128xf32, #tpu.memory_space<vmem>>) offsets(%arg19 : memref<80xi32, #tpu.memory_space<vmem>>) semaphore(%arg28 : memref<!tpu.dma_semaphore, #tpu.memory_space<semaphore_mem>>)
    %dma_wait3A_623 = arith.constant 0 : i32
    %dma_wait3A_624 = arith.constant 0 : i32
    %dma_wait3A_625 = tpu.memref_slice %arg2[%dma_wait3A_623, %dma_wait3A_624] : memref<180000x128xf32, #tpu.memory_space<hbm>> -> memref<80x128xf32, #tpu.memory_space<hbm>>
    %dma_wait3A_626 = arith.constant 0 : i32
    %dma_wait3A_627 = arith.constant 0 : i32
    %dma_wait3A_628 = tpu.memref_slice %arg2[%dma_wait3A_626, %dma_wait3A_627] : memref<180000x128xf32, #tpu.memory_space<hbm>> -> memref<80x128xf32, #tpu.memory_space<hbm>>
    tpu.wait_dma2 semaphore(%arg28 : memref<!tpu.dma_semaphore, #tpu.memory_space<semaphore_mem>>) src(%dma_wait3A_628 : memref<80x128xf32, #tpu.memory_space<hbm>>) dst(%arg26 : memref<80x128xf32, #tpu.memory_space<vmem>>)
    %dma_start3A_629 = arith.constant 0 : i32
    %dma_start3A_630 = arith.constant 0 : i32
    %dma_start3A_631 = tpu.memref_slice %arg6[%dma_start3A_629, %dma_start3A_630] : memref<10000x128xf32, #tpu.memory_space<vmem_shared>> -> memref<10000x128xf32, #tpu.memory_space<vmem_shared>>
    tpu.enqueue_indirect_dma source(%arg26 : memref<80x128xf32, #tpu.memory_space<vmem>>) target(%dma_start3A_631 : memref<10000x128xf32, #tpu.memory_space<vmem_shared>>) offsets(%arg18 : memref<80xi32, #tpu.memory_space<vmem>>) semaphore(%arg29 : memref<!tpu.dma_semaphore, #tpu.memory_space<semaphore_mem>>) {add = true}
    %dma_wait3A_632 = arith.constant 0 : i32
    %dma_wait3A_633 = arith.constant 0 : i32
    %dma_wait3A_634 = tpu.memref_slice %arg6[%dma_wait3A_632, %dma_wait3A_633] : memref<10000x128xf32, #tpu.memory_space<vmem_shared>> -> memref<10000x128xf32, #tpu.memory_space<vmem_shared>>
    tpu.wait_indirect_dma semaphore(%arg29 : memref<!tpu.dma_semaphore, #tpu.memory_space<semaphore_mem>>) src(%arg23 : memref<80x128xf32, #tpu.memory_space<vmem>>) dst(%dma_wait3A_634 : memref<10000x128xf32, #tpu.memory_space<vmem_shared>>)
    %add3A_635 = arith.constant 9760 : i32
    %add3A_636 = arith.addi %mul3A_51, %add3A_635 : i32
    %dma_start3A_637 = tpu.memref_slice %arg3[%add3A_636] : memref<320000xi32, #tpu.memory_space<hbm>> -> memref<80xi32, #tpu.memory_space<hbm>>
    %dma_start3A_638 = tpu.memref_slice %arg3[%add3A_636] : memref<320000xi32, #tpu.memory_space<hbm>> -> memref<80xi32, #tpu.memory_space<hbm>>
    tpu.enqueue_dma source(%dma_start3A_638 : memref<80xi32, #tpu.memory_space<hbm>>) target(%arg9 : memref<80xi32, #tpu.memory_space<vmem>>) target_semaphore(%arg27 : memref<!tpu.dma_semaphore, #tpu.memory_space<semaphore_mem>>)
    %dma_start3A_639 = tpu.memref_slice %arg4[%add3A_636] : memref<160000xi32, #tpu.memory_space<hbm>> -> memref<80xi32, #tpu.memory_space<hbm>>
    %dma_start3A_640 = tpu.memref_slice %arg4[%add3A_636] : memref<160000xi32, #tpu.memory_space<hbm>> -> memref<80xi32, #tpu.memory_space<hbm>>
    tpu.enqueue_dma source(%dma_start3A_640 : memref<80xi32, #tpu.memory_space<hbm>>) target(%arg13 : memref<80xi32, #tpu.memory_space<vmem>>) target_semaphore(%arg27 : memref<!tpu.dma_semaphore, #tpu.memory_space<semaphore_mem>>)
    %add3A_641 = arith.constant 160000 : i32
    %add3A_642 = arith.addi %add3A_641, %add3A_636 : i32
    %dma_start3A_643 = tpu.memref_slice %arg3[%add3A_642] : memref<320000xi32, #tpu.memory_space<hbm>> -> memref<80xi32, #tpu.memory_space<hbm>>
    %dma_start3A_644 = tpu.memref_slice %arg3[%add3A_642] : memref<320000xi32, #tpu.memory_space<hbm>> -> memref<80xi32, #tpu.memory_space<hbm>>
    tpu.enqueue_dma source(%dma_start3A_644 : memref<80xi32, #tpu.memory_space<hbm>>) target(%arg17 : memref<80xi32, #tpu.memory_space<vmem>>) target_semaphore(%arg27 : memref<!tpu.dma_semaphore, #tpu.memory_space<semaphore_mem>>)
    %dma_wait3A_645 = arith.constant 0 : i32
    %dma_wait3A_646 = tpu.memref_slice %arg3[%dma_wait3A_645] : memref<320000xi32, #tpu.memory_space<hbm>> -> memref<80xi32, #tpu.memory_space<hbm>>
    %dma_wait3A_647 = arith.constant 0 : i32
    %dma_wait3A_648 = tpu.memref_slice %arg3[%dma_wait3A_647] : memref<320000xi32, #tpu.memory_space<hbm>> -> memref<80xi32, #tpu.memory_space<hbm>>
    tpu.wait_dma2 semaphore(%arg27 : memref<!tpu.dma_semaphore, #tpu.memory_space<semaphore_mem>>) src(%dma_wait3A_648 : memref<80xi32, #tpu.memory_space<hbm>>) dst(%arg8 : memref<80xi32, #tpu.memory_space<vmem>>)
    %dma_wait3A_649 = arith.constant 0 : i32
    %dma_wait3A_650 = tpu.memref_slice %arg4[%dma_wait3A_649] : memref<160000xi32, #tpu.memory_space<hbm>> -> memref<80xi32, #tpu.memory_space<hbm>>
    %dma_wait3A_651 = arith.constant 0 : i32
    %dma_wait3A_652 = tpu.memref_slice %arg4[%dma_wait3A_651] : memref<160000xi32, #tpu.memory_space<hbm>> -> memref<80xi32, #tpu.memory_space<hbm>>
    tpu.wait_dma2 semaphore(%arg27 : memref<!tpu.dma_semaphore, #tpu.memory_space<semaphore_mem>>) src(%dma_wait3A_652 : memref<80xi32, #tpu.memory_space<hbm>>) dst(%arg12 : memref<80xi32, #tpu.memory_space<vmem>>)
    %dma_wait3A_653 = arith.constant 0 : i32
    %dma_wait3A_654 = tpu.memref_slice %arg3[%dma_wait3A_653] : memref<320000xi32, #tpu.memory_space<hbm>> -> memref<80xi32, #tpu.memory_space<hbm>>
    %dma_wait3A_655 = arith.constant 0 : i32
    %dma_wait3A_656 = tpu.memref_slice %arg3[%dma_wait3A_655] : memref<320000xi32, #tpu.memory_space<hbm>> -> memref<80xi32, #tpu.memory_space<hbm>>
    tpu.wait_dma2 semaphore(%arg27 : memref<!tpu.dma_semaphore, #tpu.memory_space<semaphore_mem>>) src(%dma_wait3A_656 : memref<80xi32, #tpu.memory_space<hbm>>) dst(%arg16 : memref<80xi32, #tpu.memory_space<vmem>>)
    %get3A_657 = arith.constant 0 : index
    %get3A_658 = tpu.vector_load %arg12[%get3A_657] {strides = array<i32>} : memref<80xi32, #tpu.memory_space<vmem>>, vector<16xi32>,
    %get3A_659 = vector.shape_cast %get3A_658 : vector<16xi32> to vector<16xi32>
    %mul3A_660 = arith.constant 10000 : i32
    %mul3A_661 = vector.broadcast %mul3A_660 : i32 to vector<16xi32>
    %mul3A_662 = arith.muli %get3A_659, %mul3A_661 : vector<16xi32>
    %get3A_663 = arith.constant 0 : index
    %get3A_664 = tpu.vector_load %arg8[%get3A_663] {strides = array<i32>} : memref<80xi32, #tpu.memory_space<vmem>>, vector<16xi32>,
    %get3A_665 = vector.shape_cast %get3A_664 : vector<16xi32> to vector<16xi32>
    %add3A_666 = arith.addi %mul3A_662, %get3A_665 : vector<16xi32>
    %add3A_667 = vector.broadcast %mul3A_49 : i32 to vector<16xi32>
    %add3A_668 = arith.addi %add3A_666, %add3A_667 : vector<16xi32>
    %swap3A_669 = arith.constant 0 : index
    %swap3A_670 = tpu.vector_load %arg20[%swap3A_669] {strides = array<i32>} : memref<80xi32, #tpu.memory_space<vmem>>, vector<16xi32>,
    %swap3A_671 = vector.shape_cast %swap3A_670 : vector<16xi32> to vector<16xi32>
    %swap3A_672 = vector.shape_cast %add3A_668 : vector<16xi32> to vector<16xi32>
    tpu.vector_store %arg20[%swap3A_669], %swap3A_672 {strides = array<i32>} : memref<80xi32, #tpu.memory_space<vmem>>, vector<16xi32>,
    %get3A_673 = arith.constant 16 : index
    %get3A_674 = tpu.vector_load %arg12[%get3A_673] {strides = array<i32>} : memref<80xi32, #tpu.memory_space<vmem>>, vector<16xi32>,
    %get3A_675 = vector.shape_cast %get3A_674 : vector<16xi32> to vector<16xi32>
    %mul3A_676 = arith.constant 10000 : i32
    %mul3A_677 = vector.broadcast %mul3A_676 : i32 to vector<16xi32>
    %mul3A_678 = arith.muli %get3A_675, %mul3A_677 : vector<16xi32>
    %get3A_679 = arith.constant 16 : index
    %get3A_680 = tpu.vector_load %arg8[%get3A_679] {strides = array<i32>} : memref<80xi32, #tpu.memory_space<vmem>>, vector<16xi32>,
    %get3A_681 = vector.shape_cast %get3A_680 : vector<16xi32> to vector<16xi32>
    %add3A_682 = arith.addi %mul3A_678, %get3A_681 : vector<16xi32>
    %add3A_683 = vector.broadcast %mul3A_49 : i32 to vector<16xi32>
    %add3A_684 = arith.addi %add3A_682, %add3A_683 : vector<16xi32>
    %swap3A_685 = arith.constant 16 : index
    %swap3A_686 = tpu.vector_load %arg20[%swap3A_685] {strides = array<i32>} : memref<80xi32, #tpu.memory_space<vmem>>, vector<16xi32>,
    %swap3A_687 = vector.shape_cast %swap3A_686 : vector<16xi32> to vector<16xi32>
    %swap3A_688 = vector.shape_cast %add3A_684 : vector<16xi32> to vector<16xi32>
    tpu.vector_store %arg20[%swap3A_685], %swap3A_688 {strides = array<i32>} : memref<80xi32, #tpu.memory_space<vmem>>, vector<16xi32>,
    %get3A_689 = arith.constant 32 : index
    %get3A_690 = tpu.vector_load %arg12[%get3A_689] {strides = array<i32>} : memref<80xi32, #tpu.memory_space<vmem>>, vector<16xi32>,
    %get3A_691 = vector.shape_cast %get3A_690 : vector<16xi32> to vector<16xi32>
    %mul3A_692 = arith.constant 10000 : i32
    %mul3A_693 = vector.broadcast %mul3A_692 : i32 to vector<16xi32>
    %mul3A_694 = arith.muli %get3A_691, %mul3A_693 : vector<16xi32>
    %get3A_695 = arith.constant 32 : index
    %get3A_696 = tpu.vector_load %arg8[%get3A_695] {strides = array<i32>} : memref<80xi32, #tpu.memory_space<vmem>>, vector<16xi32>,
    %get3A_697 = vector.shape_cast %get3A_696 : vector<16xi32> to vector<16xi32>
    %add3A_698 = arith.addi %mul3A_694, %get3A_697 : vector<16xi32>
    %add3A_699 = vector.broadcast %mul3A_49 : i32 to vector<16xi32>
    %add3A_700 = arith.addi %add3A_698, %add3A_699 : vector<16xi32>
    %swap3A_701 = arith.constant 32 : index
    %swap3A_702 = tpu.vector_load %arg20[%swap3A_701] {strides = array<i32>} : memref<80xi32, #tpu.memory_space<vmem>>, vector<16xi32>,
    %swap3A_703 = vector.shape_cast %swap3A_702 : vector<16xi32> to vector<16xi32>
    %swap3A_704 = vector.shape_cast %add3A_700 : vector<16xi32> to vector<16xi32>
    tpu.vector_store %arg20[%swap3A_701], %swap3A_704 {strides = array<i32>} : memref<80xi32, #tpu.memory_space<vmem>>, vector<16xi32>,
    %get3A_705 = arith.constant 48 : index
    %get3A_706 = tpu.vector_load %arg12[%get3A_705] {strides = array<i32>} : memref<80xi32, #tpu.memory_space<vmem>>, vector<16xi32>,
    %get3A_707 = vector.shape_cast %get3A_706 : vector<16xi32> to vector<16xi32>
    %mul3A_708 = arith.constant 10000 : i32
    %mul3A_709 = vector.broadcast %mul3A_708 : i32 to vector<16xi32>
    %mul3A_710 = arith.muli %get3A_707, %mul3A_709 : vector<16xi32>
    %get3A_711 = arith.constant 48 : index
    %get3A_712 = tpu.vector_load %arg8[%get3A_711] {strides = array<i32>} : memref<80xi32, #tpu.memory_space<vmem>>, vector<16xi32>,
    %get3A_713 = vector.shape_cast %get3A_712 : vector<16xi32> to vector<16xi32>
    %add3A_714 = arith.addi %mul3A_710, %get3A_713 : vector<16xi32>
    %add3A_715 = vector.broadcast %mul3A_49 : i32 to vector<16xi32>
    %add3A_716 = arith.addi %add3A_714, %add3A_715 : vector<16xi32>
    %swap3A_717 = arith.constant 48 : index
    %swap3A_718 = tpu.vector_load %arg20[%swap3A_717] {strides = array<i32>} : memref<80xi32, #tpu.memory_space<vmem>>, vector<16xi32>,
    %swap3A_719 = vector.shape_cast %swap3A_718 : vector<16xi32> to vector<16xi32>
    %swap3A_720 = vector.shape_cast %add3A_716 : vector<16xi32> to vector<16xi32>
    tpu.vector_store %arg20[%swap3A_717], %swap3A_720 {strides = array<i32>} : memref<80xi32, #tpu.memory_space<vmem>>, vector<16xi32>,
    %get3A_721 = arith.constant 64 : index
    %get3A_722 = tpu.vector_load %arg12[%get3A_721] {strides = array<i32>} : memref<80xi32, #tpu.memory_space<vmem>>, vector<16xi32>,
    %get3A_723 = vector.shape_cast %get3A_722 : vector<16xi32> to vector<16xi32>
    %mul3A_724 = arith.constant 10000 : i32
    %mul3A_725 = vector.broadcast %mul3A_724 : i32 to vector<16xi32>
    %mul3A_726 = arith.muli %get3A_723, %mul3A_725 : vector<16xi32>
    %get3A_727 = arith.constant 64 : index
    %get3A_728 = tpu.vector_load %arg8[%get3A_727] {strides = array<i32>} : memref<80xi32, #tpu.memory_space<vmem>>, vector<16xi32>,
    %get3A_729 = vector.shape_cast %get3A_728 : vector<16xi32> to vector<16xi32>
    %add3A_730 = arith.addi %mul3A_726, %get3A_729 : vector<16xi32>
    %add3A_731 = vector.broadcast %mul3A_49 : i32 to vector<16xi32>
    %add3A_732 = arith.addi %add3A_730, %add3A_731 : vector<16xi32>
    %swap3A_733 = arith.constant 64 : index
    %swap3A_734 = tpu.vector_load %arg20[%swap3A_733] {strides = array<i32>} : memref<80xi32, #tpu.memory_space<vmem>>, vector<16xi32>,
    %swap3A_735 = vector.shape_cast %swap3A_734 : vector<16xi32> to vector<16xi32>
    %swap3A_736 = vector.shape_cast %add3A_732 : vector<16xi32> to vector<16xi32>
    tpu.vector_store %arg20[%swap3A_733], %swap3A_736 {strides = array<i32>} : memref<80xi32, #tpu.memory_space<vmem>>, vector<16xi32>,
    %dma_start3A_737 = arith.constant 0 : i32
    %dma_start3A_738 = arith.constant 0 : i32
    %dma_start3A_739 = tpu.memref_slice %arg2[%dma_start3A_737, %dma_start3A_738] : memref<180000x128xf32, #tpu.memory_space<hbm>> -> memref<180000x128xf32, #tpu.memory_space<hbm>>
    tpu.enqueue_indirect_dma source(%dma_start3A_739 : memref<180000x128xf32, #tpu.memory_space<hbm>>) target(%arg24 : memref<80x128xf32, #tpu.memory_space<vmem>>) offsets(%arg20 : memref<80xi32, #tpu.memory_space<vmem>>) semaphore(%arg28 : memref<!tpu.dma_semaphore, #tpu.memory_space<semaphore_mem>>)
    %dma_wait3A_740 = arith.constant 0 : i32
    %dma_wait3A_741 = arith.constant 0 : i32
    %dma_wait3A_742 = tpu.memref_slice %arg2[%dma_wait3A_740, %dma_wait3A_741] : memref<180000x128xf32, #tpu.memory_space<hbm>> -> memref<80x128xf32, #tpu.memory_space<hbm>>
    %dma_wait3A_743 = arith.constant 0 : i32
    %dma_wait3A_744 = arith.constant 0 : i32
    %dma_wait3A_745 = tpu.memref_slice %arg2[%dma_wait3A_743, %dma_wait3A_744] : memref<180000x128xf32, #tpu.memory_space<hbm>> -> memref<80x128xf32, #tpu.memory_space<hbm>>
    tpu.wait_dma2 semaphore(%arg28 : memref<!tpu.dma_semaphore, #tpu.memory_space<semaphore_mem>>) src(%dma_wait3A_745 : memref<80x128xf32, #tpu.memory_space<hbm>>) dst(%arg23 : memref<80x128xf32, #tpu.memory_space<vmem>>)
    %dma_start3A_746 = arith.constant 0 : i32
    %dma_start3A_747 = arith.constant 0 : i32
    %dma_start3A_748 = tpu.memref_slice %arg6[%dma_start3A_746, %dma_start3A_747] : memref<10000x128xf32, #tpu.memory_space<vmem_shared>> -> memref<10000x128xf32, #tpu.memory_space<vmem_shared>>
    tpu.enqueue_indirect_dma source(%arg23 : memref<80x128xf32, #tpu.memory_space<vmem>>) target(%dma_start3A_748 : memref<10000x128xf32, #tpu.memory_space<vmem_shared>>) offsets(%arg15 : memref<80xi32, #tpu.memory_space<vmem>>) semaphore(%arg29 : memref<!tpu.dma_semaphore, #tpu.memory_space<semaphore_mem>>) {add = true}
    %dma_wait3A_749 = arith.constant 0 : i32
    %dma_wait3A_750 = arith.constant 0 : i32
    %dma_wait3A_751 = tpu.memref_slice %arg6[%dma_wait3A_749, %dma_wait3A_750] : memref<10000x128xf32, #tpu.memory_space<vmem_shared>> -> memref<10000x128xf32, #tpu.memory_space<vmem_shared>>
    tpu.wait_indirect_dma semaphore(%arg29 : memref<!tpu.dma_semaphore, #tpu.memory_space<semaphore_mem>>) src(%arg23 : memref<80x128xf32, #tpu.memory_space<vmem>>) dst(%dma_wait3A_751 : memref<10000x128xf32, #tpu.memory_space<vmem_shared>>)
    %add3A_752 = arith.constant 9840 : i32
    %add3A_753 = arith.addi %mul3A_51, %add3A_752 : i32
    %dma_start3A_754 = tpu.memref_slice %arg3[%add3A_753] : memref<320000xi32, #tpu.memory_space<hbm>> -> memref<80xi32, #tpu.memory_space<hbm>>
    %dma_start3A_755 = tpu.memref_slice %arg3[%add3A_753] : memref<320000xi32, #tpu.memory_space<hbm>> -> memref<80xi32, #tpu.memory_space<hbm>>
    tpu.enqueue_dma source(%dma_start3A_755 : memref<80xi32, #tpu.memory_space<hbm>>) target(%arg10 : memref<80xi32, #tpu.memory_space<vmem>>) target_semaphore(%arg27 : memref<!tpu.dma_semaphore, #tpu.memory_space<semaphore_mem>>)
    %dma_start3A_756 = tpu.memref_slice %arg4[%add3A_753] : memref<160000xi32, #tpu.memory_space<hbm>> -> memref<80xi32, #tpu.memory_space<hbm>>
    %dma_start3A_757 = tpu.memref_slice %arg4[%add3A_753] : memref<160000xi32, #tpu.memory_space<hbm>> -> memref<80xi32, #tpu.memory_space<hbm>>
    tpu.enqueue_dma source(%dma_start3A_757 : memref<80xi32, #tpu.memory_space<hbm>>) target(%arg14 : memref<80xi32, #tpu.memory_space<vmem>>) target_semaphore(%arg27 : memref<!tpu.dma_semaphore, #tpu.memory_space<semaphore_mem>>)
    %add3A_758 = arith.constant 160000 : i32
    %add3A_759 = arith.addi %add3A_758, %add3A_753 : i32
    %dma_start3A_760 = tpu.memref_slice %arg3[%add3A_759] : memref<320000xi32, #tpu.memory_space<hbm>> -> memref<80xi32, #tpu.memory_space<hbm>>
    %dma_start3A_761 = tpu.memref_slice %arg3[%add3A_759] : memref<320000xi32, #tpu.memory_space<hbm>> -> memref<80xi32, #tpu.memory_space<hbm>>
    tpu.enqueue_dma source(%dma_start3A_761 : memref<80xi32, #tpu.memory_space<hbm>>) target(%arg18 : memref<80xi32, #tpu.memory_space<vmem>>) target_semaphore(%arg27 : memref<!tpu.dma_semaphore, #tpu.memory_space<semaphore_mem>>)
    %dma_wait3A_762 = arith.constant 0 : i32
    %dma_wait3A_763 = tpu.memref_slice %arg3[%dma_wait3A_762] : memref<320000xi32, #tpu.memory_space<hbm>> -> memref<80xi32, #tpu.memory_space<hbm>>
    %dma_wait3A_764 = arith.constant 0 : i32
    %dma_wait3A_765 = tpu.memref_slice %arg3[%dma_wait3A_764] : memref<320000xi32, #tpu.memory_space<hbm>> -> memref<80xi32, #tpu.memory_space<hbm>>
    tpu.wait_dma2 semaphore(%arg27 : memref<!tpu.dma_semaphore, #tpu.memory_space<semaphore_mem>>) src(%dma_wait3A_765 : memref<80xi32, #tpu.memory_space<hbm>>) dst(%arg9 : memref<80xi32, #tpu.memory_space<vmem>>)
    %dma_wait3A_766 = arith.constant 0 : i32
    %dma_wait3A_767 = tpu.memref_slice %arg4[%dma_wait3A_766] : memref<160000xi32, #tpu.memory_space<hbm>> -> memref<80xi32, #tpu.memory_space<hbm>>
    %dma_wait3A_768 = arith.constant 0 : i32
    %dma_wait3A_769 = tpu.memref_slice %arg4[%dma_wait3A_768] : memref<160000xi32, #tpu.memory_space<hbm>> -> memref<80xi32, #tpu.memory_space<hbm>>
    tpu.wait_dma2 semaphore(%arg27 : memref<!tpu.dma_semaphore, #tpu.memory_space<semaphore_mem>>) src(%dma_wait3A_769 : memref<80xi32, #tpu.memory_space<hbm>>) dst(%arg13 : memref<80xi32, #tpu.memory_space<vmem>>)
    %dma_wait3A_770 = arith.constant 0 : i32
    %dma_wait3A_771 = tpu.memref_slice %arg3[%dma_wait3A_770] : memref<320000xi32, #tpu.memory_space<hbm>> -> memref<80xi32, #tpu.memory_space<hbm>>
    %dma_wait3A_772 = arith.constant 0 : i32
    %dma_wait3A_773 = tpu.memref_slice %arg3[%dma_wait3A_772] : memref<320000xi32, #tpu.memory_space<hbm>> -> memref<80xi32, #tpu.memory_space<hbm>>
    tpu.wait_dma2 semaphore(%arg27 : memref<!tpu.dma_semaphore, #tpu.memory_space<semaphore_mem>>) src(%dma_wait3A_773 : memref<80xi32, #tpu.memory_space<hbm>>) dst(%arg17 : memref<80xi32, #tpu.memory_space<vmem>>)
    %get3A_774 = arith.constant 0 : index
    %get3A_775 = tpu.vector_load %arg13[%get3A_774] {strides = array<i32>} : memref<80xi32, #tpu.memory_space<vmem>>, vector<16xi32>,
    %get3A_776 = vector.shape_cast %get3A_775 : vector<16xi32> to vector<16xi32>
    %mul3A_777 = arith.constant 10000 : i32
    %mul3A_778 = vector.broadcast %mul3A_777 : i32 to vector<16xi32>
    %mul3A_779 = arith.muli %get3A_776, %mul3A_778 : vector<16xi32>
    %get3A_780 = arith.constant 0 : index
    %get3A_781 = tpu.vector_load %arg9[%get3A_780] {strides = array<i32>} : memref<80xi32, #tpu.memory_space<vmem>>, vector<16xi32>,
    %get3A_782 = vector.shape_cast %get3A_781 : vector<16xi32> to vector<16xi32>
    %add3A_783 = arith.addi %mul3A_779, %get3A_782 : vector<16xi32>
    %add3A_784 = vector.broadcast %mul3A_49 : i32 to vector<16xi32>
    %add3A_785 = arith.addi %add3A_783, %add3A_784 : vector<16xi32>
    %swap3A_786 = arith.constant 0 : index
    %swap3A_787 = tpu.vector_load %arg21[%swap3A_786] {strides = array<i32>} : memref<80xi32, #tpu.memory_space<vmem>>, vector<16xi32>,
    %swap3A_788 = vector.shape_cast %swap3A_787 : vector<16xi32> to vector<16xi32>
    %swap3A_789 = vector.shape_cast %add3A_785 : vector<16xi32> to vector<16xi32>
    tpu.vector_store %arg21[%swap3A_786], %swap3A_789 {strides = array<i32>} : memref<80xi32, #tpu.memory_space<vmem>>, vector<16xi32>,
    %get3A_790 = arith.constant 16 : index
    %get3A_791 = tpu.vector_load %arg13[%get3A_790] {strides = array<i32>} : memref<80xi32, #tpu.memory_space<vmem>>, vector<16xi32>,
    %get3A_792 = vector.shape_cast %get3A_791 : vector<16xi32> to vector<16xi32>
    %mul3A_793 = arith.constant 10000 : i32
    %mul3A_794 = vector.broadcast %mul3A_793 : i32 to vector<16xi32>
    %mul3A_795 = arith.muli %get3A_792, %mul3A_794 : vector<16xi32>
    %get3A_796 = arith.constant 16 : index
    %get3A_797 = tpu.vector_load %arg9[%get3A_796] {strides = array<i32>} : memref<80xi32, #tpu.memory_space<vmem>>, vector<16xi32>,
    %get3A_798 = vector.shape_cast %get3A_797 : vector<16xi32> to vector<16xi32>
    %add3A_799 = arith.addi %mul3A_795, %get3A_798 : vector<16xi32>
    %add3A_800 = vector.broadcast %mul3A_49 : i32 to vector<16xi32>
    %add3A_801 = arith.addi %add3A_799, %add3A_800 : vector<16xi32>
    %swap3A_802 = arith.constant 16 : index
    %swap3A_803 = tpu.vector_load %arg21[%swap3A_802] {strides = array<i32>} : memref<80xi32, #tpu.memory_space<vmem>>, vector<16xi32>,
    %swap3A_804 = vector.shape_cast %swap3A_803 : vector<16xi32> to vector<16xi32>
    %swap3A_805 = vector.shape_cast %add3A_801 : vector<16xi32> to vector<16xi32>
    tpu.vector_store %arg21[%swap3A_802], %swap3A_805 {strides = array<i32>} : memref<80xi32, #tpu.memory_space<vmem>>, vector<16xi32>,
    %get3A_806 = arith.constant 32 : index
    %get3A_807 = tpu.vector_load %arg13[%get3A_806] {strides = array<i32>} : memref<80xi32, #tpu.memory_space<vmem>>, vector<16xi32>,
    %get3A_808 = vector.shape_cast %get3A_807 : vector<16xi32> to vector<16xi32>
    %mul3A_809 = arith.constant 10000 : i32
    %mul3A_810 = vector.broadcast %mul3A_809 : i32 to vector<16xi32>
    %mul3A_811 = arith.muli %get3A_808, %mul3A_810 : vector<16xi32>
    %get3A_812 = arith.constant 32 : index
    %get3A_813 = tpu.vector_load %arg9[%get3A_812] {strides = array<i32>} : memref<80xi32, #tpu.memory_space<vmem>>, vector<16xi32>,
    %get3A_814 = vector.shape_cast %get3A_813 : vector<16xi32> to vector<16xi32>
    %add3A_815 = arith.addi %mul3A_811, %get3A_814 : vector<16xi32>
    %add3A_816 = vector.broadcast %mul3A_49 : i32 to vector<16xi32>
    %add3A_817 = arith.addi %add3A_815, %add3A_816 : vector<16xi32>
    %swap3A_818 = arith.constant 32 : index
    %swap3A_819 = tpu.vector_load %arg21[%swap3A_818] {strides = array<i32>} : memref<80xi32, #tpu.memory_space<vmem>>, vector<16xi32>,
    %swap3A_820 = vector.shape_cast %swap3A_819 : vector<16xi32> to vector<16xi32>
    %swap3A_821 = vector.shape_cast %add3A_817 : vector<16xi32> to vector<16xi32>
    tpu.vector_store %arg21[%swap3A_818], %swap3A_821 {strides = array<i32>} : memref<80xi32, #tpu.memory_space<vmem>>, vector<16xi32>,
    %get3A_822 = arith.constant 48 : index
    %get3A_823 = tpu.vector_load %arg13[%get3A_822] {strides = array<i32>} : memref<80xi32, #tpu.memory_space<vmem>>, vector<16xi32>,
    %get3A_824 = vector.shape_cast %get3A_823 : vector<16xi32> to vector<16xi32>
    %mul3A_825 = arith.constant 10000 : i32
    %mul3A_826 = vector.broadcast %mul3A_825 : i32 to vector<16xi32>
    %mul3A_827 = arith.muli %get3A_824, %mul3A_826 : vector<16xi32>
    %get3A_828 = arith.constant 48 : index
    %get3A_829 = tpu.vector_load %arg9[%get3A_828] {strides = array<i32>} : memref<80xi32, #tpu.memory_space<vmem>>, vector<16xi32>,
    %get3A_830 = vector.shape_cast %get3A_829 : vector<16xi32> to vector<16xi32>
    %add3A_831 = arith.addi %mul3A_827, %get3A_830 : vector<16xi32>
    %add3A_832 = vector.broadcast %mul3A_49 : i32 to vector<16xi32>
    %add3A_833 = arith.addi %add3A_831, %add3A_832 : vector<16xi32>
    %swap3A_834 = arith.constant 48 : index
    %swap3A_835 = tpu.vector_load %arg21[%swap3A_834] {strides = array<i32>} : memref<80xi32, #tpu.memory_space<vmem>>, vector<16xi32>,
    %swap3A_836 = vector.shape_cast %swap3A_835 : vector<16xi32> to vector<16xi32>
    %swap3A_837 = vector.shape_cast %add3A_833 : vector<16xi32> to vector<16xi32>
    tpu.vector_store %arg21[%swap3A_834], %swap3A_837 {strides = array<i32>} : memref<80xi32, #tpu.memory_space<vmem>>, vector<16xi32>,
    %get3A_838 = arith.constant 64 : index
    %get3A_839 = tpu.vector_load %arg13[%get3A_838] {strides = array<i32>} : memref<80xi32, #tpu.memory_space<vmem>>, vector<16xi32>,
    %get3A_840 = vector.shape_cast %get3A_839 : vector<16xi32> to vector<16xi32>
    %mul3A_841 = arith.constant 10000 : i32
    %mul3A_842 = vector.broadcast %mul3A_841 : i32 to vector<16xi32>
    %mul3A_843 = arith.muli %get3A_840, %mul3A_842 : vector<16xi32>
    %get3A_844 = arith.constant 64 : index
    %get3A_845 = tpu.vector_load %arg9[%get3A_844] {strides = array<i32>} : memref<80xi32, #tpu.memory_space<vmem>>, vector<16xi32>,
    %get3A_846 = vector.shape_cast %get3A_845 : vector<16xi32> to vector<16xi32>
    %add3A_847 = arith.addi %mul3A_843, %get3A_846 : vector<16xi32>
    %add3A_848 = vector.broadcast %mul3A_49 : i32 to vector<16xi32>
    %add3A_849 = arith.addi %add3A_847, %add3A_848 : vector<16xi32>
    %swap3A_850 = arith.constant 64 : index
    %swap3A_851 = tpu.vector_load %arg21[%swap3A_850] {strides = array<i32>} : memref<80xi32, #tpu.memory_space<vmem>>, vector<16xi32>,
    %swap3A_852 = vector.shape_cast %swap3A_851 : vector<16xi32> to vector<16xi32>
    %swap3A_853 = vector.shape_cast %add3A_849 : vector<16xi32> to vector<16xi32>
    tpu.vector_store %arg21[%swap3A_850], %swap3A_853 {strides = array<i32>} : memref<80xi32, #tpu.memory_space<vmem>>, vector<16xi32>,
    %dma_start3A_854 = arith.constant 0 : i32
    %dma_start3A_855 = arith.constant 0 : i32
    %dma_start3A_856 = tpu.memref_slice %arg2[%dma_start3A_854, %dma_start3A_855] : memref<180000x128xf32, #tpu.memory_space<hbm>> -> memref<180000x128xf32, #tpu.memory_space<hbm>>
    tpu.enqueue_indirect_dma source(%dma_start3A_856 : memref<180000x128xf32, #tpu.memory_space<hbm>>) target(%arg25 : memref<80x128xf32, #tpu.memory_space<vmem>>) offsets(%arg21 : memref<80xi32, #tpu.memory_space<vmem>>) semaphore(%arg28 : memref<!tpu.dma_semaphore, #tpu.memory_space<semaphore_mem>>)
    %dma_wait3A_857 = arith.constant 0 : i32
    %dma_wait3A_858 = arith.constant 0 : i32
    %dma_wait3A_859 = tpu.memref_slice %arg2[%dma_wait3A_857, %dma_wait3A_858] : memref<180000x128xf32, #tpu.memory_space<hbm>> -> memref<80x128xf32, #tpu.memory_space<hbm>>
    %dma_wait3A_860 = arith.constant 0 : i32
    %dma_wait3A_861 = arith.constant 0 : i32
    %dma_wait3A_862 = tpu.memref_slice %arg2[%dma_wait3A_860, %dma_wait3A_861] : memref<180000x128xf32, #tpu.memory_space<hbm>> -> memref<80x128xf32, #tpu.memory_space<hbm>>
    tpu.wait_dma2 semaphore(%arg28 : memref<!tpu.dma_semaphore, #tpu.memory_space<semaphore_mem>>) src(%dma_wait3A_862 : memref<80x128xf32, #tpu.memory_space<hbm>>) dst(%arg24 : memref<80x128xf32, #tpu.memory_space<vmem>>)
    %dma_start3A_863 = arith.constant 0 : i32
    %dma_start3A_864 = arith.constant 0 : i32
    %dma_start3A_865 = tpu.memref_slice %arg6[%dma_start3A_863, %dma_start3A_864] : memref<10000x128xf32, #tpu.memory_space<vmem_shared>> -> memref<10000x128xf32, #tpu.memory_space<vmem_shared>>
    tpu.enqueue_indirect_dma source(%arg24 : memref<80x128xf32, #tpu.memory_space<vmem>>) target(%dma_start3A_865 : memref<10000x128xf32, #tpu.memory_space<vmem_shared>>) offsets(%arg16 : memref<80xi32, #tpu.memory_space<vmem>>) semaphore(%arg29 : memref<!tpu.dma_semaphore, #tpu.memory_space<semaphore_mem>>) {add = true}
    %dma_wait3A_866 = arith.constant 0 : i32
    %dma_wait3A_867 = arith.constant 0 : i32
    %dma_wait3A_868 = tpu.memref_slice %arg6[%dma_wait3A_866, %dma_wait3A_867] : memref<10000x128xf32, #tpu.memory_space<vmem_shared>> -> memref<10000x128xf32, #tpu.memory_space<vmem_shared>>
    tpu.wait_indirect_dma semaphore(%arg29 : memref<!tpu.dma_semaphore, #tpu.memory_space<semaphore_mem>>) src(%arg23 : memref<80x128xf32, #tpu.memory_space<vmem>>) dst(%dma_wait3A_868 : memref<10000x128xf32, #tpu.memory_space<vmem_shared>>)
    %add3A_869 = arith.constant 9920 : i32
    %add3A_870 = arith.addi %mul3A_51, %add3A_869 : i32
    %dma_start3A_871 = tpu.memref_slice %arg3[%add3A_870] : memref<320000xi32, #tpu.memory_space<hbm>> -> memref<80xi32, #tpu.memory_space<hbm>>
    %dma_start3A_872 = tpu.memref_slice %arg3[%add3A_870] : memref<320000xi32, #tpu.memory_space<hbm>> -> memref<80xi32, #tpu.memory_space<hbm>>
    tpu.enqueue_dma source(%dma_start3A_872 : memref<80xi32, #tpu.memory_space<hbm>>) target(%arg7 : memref<80xi32, #tpu.memory_space<vmem>>) target_semaphore(%arg27 : memref<!tpu.dma_semaphore, #tpu.memory_space<semaphore_mem>>)
    %dma_start3A_873 = tpu.memref_slice %arg4[%add3A_870] : memref<160000xi32, #tpu.memory_space<hbm>> -> memref<80xi32, #tpu.memory_space<hbm>>
    %dma_start3A_874 = tpu.memref_slice %arg4[%add3A_870] : memref<160000xi32, #tpu.memory_space<hbm>> -> memref<80xi32, #tpu.memory_space<hbm>>
    tpu.enqueue_dma source(%dma_start3A_874 : memref<80xi32, #tpu.memory_space<hbm>>) target(%arg11 : memref<80xi32, #tpu.memory_space<vmem>>) target_semaphore(%arg27 : memref<!tpu.dma_semaphore, #tpu.memory_space<semaphore_mem>>)
    %add3A_875 = arith.constant 160000 : i32
    %add3A_876 = arith.addi %add3A_875, %add3A_870 : i32
    %dma_start3A_877 = tpu.memref_slice %arg3[%add3A_876] : memref<320000xi32, #tpu.memory_space<hbm>> -> memref<80xi32, #tpu.memory_space<hbm>>
    %dma_start3A_878 = tpu.memref_slice %arg3[%add3A_876] : memref<320000xi32, #tpu.memory_space<hbm>> -> memref<80xi32, #tpu.memory_space<hbm>>
    tpu.enqueue_dma source(%dma_start3A_878 : memref<80xi32, #tpu.memory_space<hbm>>) target(%arg15 : memref<80xi32, #tpu.memory_space<vmem>>) target_semaphore(%arg27 : memref<!tpu.dma_semaphore, #tpu.memory_space<semaphore_mem>>)
    %dma_wait3A_879 = arith.constant 0 : i32
    %dma_wait3A_880 = tpu.memref_slice %arg3[%dma_wait3A_879] : memref<320000xi32, #tpu.memory_space<hbm>> -> memref<80xi32, #tpu.memory_space<hbm>>
    %dma_wait3A_881 = arith.constant 0 : i32
    %dma_wait3A_882 = tpu.memref_slice %arg3[%dma_wait3A_881] : memref<320000xi32, #tpu.memory_space<hbm>> -> memref<80xi32, #tpu.memory_space<hbm>>
    tpu.wait_dma2 semaphore(%arg27 : memref<!tpu.dma_semaphore, #tpu.memory_space<semaphore_mem>>) src(%dma_wait3A_882 : memref<80xi32, #tpu.memory_space<hbm>>) dst(%arg10 : memref<80xi32, #tpu.memory_space<vmem>>)
    %dma_wait3A_883 = arith.constant 0 : i32
    %dma_wait3A_884 = tpu.memref_slice %arg4[%dma_wait3A_883] : memref<160000xi32, #tpu.memory_space<hbm>> -> memref<80xi32, #tpu.memory_space<hbm>>
    %dma_wait3A_885 = arith.constant 0 : i32
    %dma_wait3A_886 = tpu.memref_slice %arg4[%dma_wait3A_885] : memref<160000xi32, #tpu.memory_space<hbm>> -> memref<80xi32, #tpu.memory_space<hbm>>
    tpu.wait_dma2 semaphore(%arg27 : memref<!tpu.dma_semaphore, #tpu.memory_space<semaphore_mem>>) src(%dma_wait3A_886 : memref<80xi32, #tpu.memory_space<hbm>>) dst(%arg14 : memref<80xi32, #tpu.memory_space<vmem>>)
    %dma_wait3A_887 = arith.constant 0 : i32
    %dma_wait3A_888 = tpu.memref_slice %arg3[%dma_wait3A_887] : memref<320000xi32, #tpu.memory_space<hbm>> -> memref<80xi32, #tpu.memory_space<hbm>>
    %dma_wait3A_889 = arith.constant 0 : i32
    %dma_wait3A_890 = tpu.memref_slice %arg3[%dma_wait3A_889] : memref<320000xi32, #tpu.memory_space<hbm>> -> memref<80xi32, #tpu.memory_space<hbm>>
    tpu.wait_dma2 semaphore(%arg27 : memref<!tpu.dma_semaphore, #tpu.memory_space<semaphore_mem>>) src(%dma_wait3A_890 : memref<80xi32, #tpu.memory_space<hbm>>) dst(%arg18 : memref<80xi32, #tpu.memory_space<vmem>>)
    %get3A_891 = arith.constant 0 : index
    %get3A_892 = tpu.vector_load %arg14[%get3A_891] {strides = array<i32>} : memref<80xi32, #tpu.memory_space<vmem>>, vector<16xi32>,
    %get3A_893 = vector.shape_cast %get3A_892 : vector<16xi32> to vector<16xi32>
    %mul3A_894 = arith.constant 10000 : i32
    %mul3A_895 = vector.broadcast %mul3A_894 : i32 to vector<16xi32>
    %mul3A_896 = arith.muli %get3A_893, %mul3A_895 : vector<16xi32>
    %get3A_897 = arith.constant 0 : index
    %get3A_898 = tpu.vector_load %arg10[%get3A_897] {strides = array<i32>} : memref<80xi32, #tpu.memory_space<vmem>>, vector<16xi32>,
    %get3A_899 = vector.shape_cast %get3A_898 : vector<16xi32> to vector<16xi32>
    %add3A_900 = arith.addi %mul3A_896, %get3A_899 : vector<16xi32>
    %add3A_901 = vector.broadcast %mul3A_49 : i32 to vector<16xi32>
    %add3A_902 = arith.addi %add3A_900, %add3A_901 : vector<16xi32>
    %swap3A_903 = arith.constant 0 : index
    %swap3A_904 = tpu.vector_load %arg22[%swap3A_903] {strides = array<i32>} : memref<80xi32, #tpu.memory_space<vmem>>, vector<16xi32>,
    %swap3A_905 = vector.shape_cast %swap3A_904 : vector<16xi32> to vector<16xi32>
    %swap3A_906 = vector.shape_cast %add3A_902 : vector<16xi32> to vector<16xi32>
    tpu.vector_store %arg22[%swap3A_903], %swap3A_906 {strides = array<i32>} : memref<80xi32, #tpu.memory_space<vmem>>, vector<16xi32>,
    %get3A_907 = arith.constant 16 : index
    %get3A_908 = tpu.vector_load %arg14[%get3A_907] {strides = array<i32>} : memref<80xi32, #tpu.memory_space<vmem>>, vector<16xi32>,
    %get3A_909 = vector.shape_cast %get3A_908 : vector<16xi32> to vector<16xi32>
    %mul3A_910 = arith.constant 10000 : i32
    %mul3A_911 = vector.broadcast %mul3A_910 : i32 to vector<16xi32>
    %mul3A_912 = arith.muli %get3A_909, %mul3A_911 : vector<16xi32>
    %get3A_913 = arith.constant 16 : index
    %get3A_914 = tpu.vector_load %arg10[%get3A_913] {strides = array<i32>} : memref<80xi32, #tpu.memory_space<vmem>>, vector<16xi32>,
    %get3A_915 = vector.shape_cast %get3A_914 : vector<16xi32> to vector<16xi32>
    %add3A_916 = arith.addi %mul3A_912, %get3A_915 : vector<16xi32>
    %add3A_917 = vector.broadcast %mul3A_49 : i32 to vector<16xi32>
    %add3A_918 = arith.addi %add3A_916, %add3A_917 : vector<16xi32>
    %swap3A_919 = arith.constant 16 : index
    %swap3A_920 = tpu.vector_load %arg22[%swap3A_919] {strides = array<i32>} : memref<80xi32, #tpu.memory_space<vmem>>, vector<16xi32>,
    %swap3A_921 = vector.shape_cast %swap3A_920 : vector<16xi32> to vector<16xi32>
    %swap3A_922 = vector.shape_cast %add3A_918 : vector<16xi32> to vector<16xi32>
    tpu.vector_store %arg22[%swap3A_919], %swap3A_922 {strides = array<i32>} : memref<80xi32, #tpu.memory_space<vmem>>, vector<16xi32>,
    %get3A_923 = arith.constant 32 : index
    %get3A_924 = tpu.vector_load %arg14[%get3A_923] {strides = array<i32>} : memref<80xi32, #tpu.memory_space<vmem>>, vector<16xi32>,
    %get3A_925 = vector.shape_cast %get3A_924 : vector<16xi32> to vector<16xi32>
    %mul3A_926 = arith.constant 10000 : i32
    %mul3A_927 = vector.broadcast %mul3A_926 : i32 to vector<16xi32>
    %mul3A_928 = arith.muli %get3A_925, %mul3A_927 : vector<16xi32>
    %get3A_929 = arith.constant 32 : index
    %get3A_930 = tpu.vector_load %arg10[%get3A_929] {strides = array<i32>} : memref<80xi32, #tpu.memory_space<vmem>>, vector<16xi32>,
    %get3A_931 = vector.shape_cast %get3A_930 : vector<16xi32> to vector<16xi32>
    %add3A_932 = arith.addi %mul3A_928, %get3A_931 : vector<16xi32>
    %add3A_933 = vector.broadcast %mul3A_49 : i32 to vector<16xi32>
    %add3A_934 = arith.addi %add3A_932, %add3A_933 : vector<16xi32>
    %swap3A_935 = arith.constant 32 : index
    %swap3A_936 = tpu.vector_load %arg22[%swap3A_935] {strides = array<i32>} : memref<80xi32, #tpu.memory_space<vmem>>, vector<16xi32>,
    %swap3A_937 = vector.shape_cast %swap3A_936 : vector<16xi32> to vector<16xi32>
    %swap3A_938 = vector.shape_cast %add3A_934 : vector<16xi32> to vector<16xi32>
    tpu.vector_store %arg22[%swap3A_935], %swap3A_938 {strides = array<i32>} : memref<80xi32, #tpu.memory_space<vmem>>, vector<16xi32>,
    %get3A_939 = arith.constant 48 : index
    %get3A_940 = tpu.vector_load %arg14[%get3A_939] {strides = array<i32>} : memref<80xi32, #tpu.memory_space<vmem>>, vector<16xi32>,
    %get3A_941 = vector.shape_cast %get3A_940 : vector<16xi32> to vector<16xi32>
    %mul3A_942 = arith.constant 10000 : i32
    %mul3A_943 = vector.broadcast %mul3A_942 : i32 to vector<16xi32>
    %mul3A_944 = arith.muli %get3A_941, %mul3A_943 : vector<16xi32>
    %get3A_945 = arith.constant 48 : index
    %get3A_946 = tpu.vector_load %arg10[%get3A_945] {strides = array<i32>} : memref<80xi32, #tpu.memory_space<vmem>>, vector<16xi32>,
    %get3A_947 = vector.shape_cast %get3A_946 : vector<16xi32> to vector<16xi32>
    %add3A_948 = arith.addi %mul3A_944, %get3A_947 : vector<16xi32>
    %add3A_949 = vector.broadcast %mul3A_49 : i32 to vector<16xi32>
    %add3A_950 = arith.addi %add3A_948, %add3A_949 : vector<16xi32>
    %swap3A_951 = arith.constant 48 : index
    %swap3A_952 = tpu.vector_load %arg22[%swap3A_951] {strides = array<i32>} : memref<80xi32, #tpu.memory_space<vmem>>, vector<16xi32>,
    %swap3A_953 = vector.shape_cast %swap3A_952 : vector<16xi32> to vector<16xi32>
    %swap3A_954 = vector.shape_cast %add3A_950 : vector<16xi32> to vector<16xi32>
    tpu.vector_store %arg22[%swap3A_951], %swap3A_954 {strides = array<i32>} : memref<80xi32, #tpu.memory_space<vmem>>, vector<16xi32>,
    %get3A_955 = arith.constant 64 : index
    %get3A_956 = tpu.vector_load %arg14[%get3A_955] {strides = array<i32>} : memref<80xi32, #tpu.memory_space<vmem>>, vector<16xi32>,
    %get3A_957 = vector.shape_cast %get3A_956 : vector<16xi32> to vector<16xi32>
    %mul3A_958 = arith.constant 10000 : i32
    %mul3A_959 = vector.broadcast %mul3A_958 : i32 to vector<16xi32>
    %mul3A_960 = arith.muli %get3A_957, %mul3A_959 : vector<16xi32>
    %get3A_961 = arith.constant 64 : index
    %get3A_962 = tpu.vector_load %arg10[%get3A_961] {strides = array<i32>} : memref<80xi32, #tpu.memory_space<vmem>>, vector<16xi32>,
    %get3A_963 = vector.shape_cast %get3A_962 : vector<16xi32> to vector<16xi32>
    %add3A_964 = arith.addi %mul3A_960, %get3A_963 : vector<16xi32>
    %add3A_965 = vector.broadcast %mul3A_49 : i32 to vector<16xi32>
    %add3A_966 = arith.addi %add3A_964, %add3A_965 : vector<16xi32>
    %swap3A_967 = arith.constant 64 : index
    %swap3A_968 = tpu.vector_load %arg22[%swap3A_967] {strides = array<i32>} : memref<80xi32, #tpu.memory_space<vmem>>, vector<16xi32>,
    %swap3A_969 = vector.shape_cast %swap3A_968 : vector<16xi32> to vector<16xi32>
    %swap3A_970 = vector.shape_cast %add3A_966 : vector<16xi32> to vector<16xi32>
    tpu.vector_store %arg22[%swap3A_967], %swap3A_970 {strides = array<i32>} : memref<80xi32, #tpu.memory_space<vmem>>, vector<16xi32>,
    %dma_start3A_971 = arith.constant 0 : i32
    %dma_start3A_972 = arith.constant 0 : i32
    %dma_start3A_973 = tpu.memref_slice %arg2[%dma_start3A_971, %dma_start3A_972] : memref<180000x128xf32, #tpu.memory_space<hbm>> -> memref<180000x128xf32, #tpu.memory_space<hbm>>
    tpu.enqueue_indirect_dma source(%dma_start3A_973 : memref<180000x128xf32, #tpu.memory_space<hbm>>) target(%arg26 : memref<80x128xf32, #tpu.memory_space<vmem>>) offsets(%arg22 : memref<80xi32, #tpu.memory_space<vmem>>) semaphore(%arg28 : memref<!tpu.dma_semaphore, #tpu.memory_space<semaphore_mem>>)
    %dma_wait3A_974 = arith.constant 0 : i32
    %dma_wait3A_975 = arith.constant 0 : i32
    %dma_wait3A_976 = tpu.memref_slice %arg2[%dma_wait3A_974, %dma_wait3A_975] : memref<180000x128xf32, #tpu.memory_space<hbm>> -> memref<80x128xf32, #tpu.memory_space<hbm>>
    %dma_wait3A_977 = arith.constant 0 : i32
    %dma_wait3A_978 = arith.constant 0 : i32
    %dma_wait3A_979 = tpu.memref_slice %arg2[%dma_wait3A_977, %dma_wait3A_978] : memref<180000x128xf32, #tpu.memory_space<hbm>> -> memref<80x128xf32, #tpu.memory_space<hbm>>
    tpu.wait_dma2 semaphore(%arg28 : memref<!tpu.dma_semaphore, #tpu.memory_space<semaphore_mem>>) src(%dma_wait3A_979 : memref<80x128xf32, #tpu.memory_space<hbm>>) dst(%arg25 : memref<80x128xf32, #tpu.memory_space<vmem>>)
    %dma_start3A_980 = arith.constant 0 : i32
    %dma_start3A_981 = arith.constant 0 : i32
    %dma_start3A_982 = tpu.memref_slice %arg6[%dma_start3A_980, %dma_start3A_981] : memref<10000x128xf32, #tpu.memory_space<vmem_shared>> -> memref<10000x128xf32, #tpu.memory_space<vmem_shared>>
    tpu.enqueue_indirect_dma source(%arg25 : memref<80x128xf32, #tpu.memory_space<vmem>>) target(%dma_start3A_982 : memref<10000x128xf32, #tpu.memory_space<vmem_shared>>) offsets(%arg17 : memref<80xi32, #tpu.memory_space<vmem>>) semaphore(%arg29 : memref<!tpu.dma_semaphore, #tpu.memory_space<semaphore_mem>>) {add = true}
    %dma_wait3A_983 = arith.constant 0 : i32
    %dma_wait3A_984 = arith.constant 0 : i32
    %dma_wait3A_985 = tpu.memref_slice %arg6[%dma_wait3A_983, %dma_wait3A_984] : memref<10000x128xf32, #tpu.memory_space<vmem_shared>> -> memref<10000x128xf32, #tpu.memory_space<vmem_shared>>
    tpu.wait_indirect_dma semaphore(%arg29 : memref<!tpu.dma_semaphore, #tpu.memory_space<semaphore_mem>>) src(%arg23 : memref<80x128xf32, #tpu.memory_space<vmem>>) dst(%dma_wait3A_985 : memref<10000x128xf32, #tpu.memory_space<vmem_shared>>)
    %dma_wait3A_986 = arith.constant 0 : i32
    %dma_wait3A_987 = tpu.memref_slice %arg3[%dma_wait3A_986] : memref<320000xi32, #tpu.memory_space<hbm>> -> memref<80xi32, #tpu.memory_space<hbm>>
    %dma_wait3A_988 = arith.constant 0 : i32
    %dma_wait3A_989 = tpu.memref_slice %arg3[%dma_wait3A_988] : memref<320000xi32, #tpu.memory_space<hbm>> -> memref<80xi32, #tpu.memory_space<hbm>>
    tpu.wait_dma2 semaphore(%arg27 : memref<!tpu.dma_semaphore, #tpu.memory_space<semaphore_mem>>) src(%dma_wait3A_989 : memref<80xi32, #tpu.memory_space<hbm>>) dst(%arg7 : memref<80xi32, #tpu.memory_space<vmem>>)
    %dma_wait3A_990 = arith.constant 0 : i32
    %dma_wait3A_991 = tpu.memref_slice %arg4[%dma_wait3A_990] : memref<160000xi32, #tpu.memory_space<hbm>> -> memref<80xi32, #tpu.memory_space<hbm>>
    %dma_wait3A_992 = arith.constant 0 : i32
    %dma_wait3A_993 = tpu.memref_slice %arg4[%dma_wait3A_992] : memref<160000xi32, #tpu.memory_space<hbm>> -> memref<80xi32, #tpu.memory_space<hbm>>
    tpu.wait_dma2 semaphore(%arg27 : memref<!tpu.dma_semaphore, #tpu.memory_space<semaphore_mem>>) src(%dma_wait3A_993 : memref<80xi32, #tpu.memory_space<hbm>>) dst(%arg11 : memref<80xi32, #tpu.memory_space<vmem>>)
    %dma_wait3A_994 = arith.constant 0 : i32
    %dma_wait3A_995 = tpu.memref_slice %arg3[%dma_wait3A_994] : memref<320000xi32, #tpu.memory_space<hbm>> -> memref<80xi32, #tpu.memory_space<hbm>>
    %dma_wait3A_996 = arith.constant 0 : i32
    %dma_wait3A_997 = tpu.memref_slice %arg3[%dma_wait3A_996] : memref<320000xi32, #tpu.memory_space<hbm>> -> memref<80xi32, #tpu.memory_space<hbm>>
    tpu.wait_dma2 semaphore(%arg27 : memref<!tpu.dma_semaphore, #tpu.memory_space<semaphore_mem>>) src(%dma_wait3A_997 : memref<80xi32, #tpu.memory_space<hbm>>) dst(%arg15 : memref<80xi32, #tpu.memory_space<vmem>>)
    %get3A_998 = arith.constant 0 : index
    %get3A_999 = tpu.vector_load %arg11[%get3A_998] {strides = array<i32>} : memref<80xi32, #tpu.memory_space<vmem>>, vector<16xi32>,
    %get3A_1000 = vector.shape_cast %get3A_999 : vector<16xi32> to vector<16xi32>
    %mul3A_1001 = arith.constant 10000 : i32
    %mul3A_1002 = vector.broadcast %mul3A_1001 : i32 to vector<16xi32>
    %mul3A_1003 = arith.muli %get3A_1000, %mul3A_1002 : vector<16xi32>
    %get3A_1004 = arith.constant 0 : index
    %get3A_1005 = tpu.vector_load %arg7[%get3A_1004] {strides = array<i32>} : memref<80xi32, #tpu.memory_space<vmem>>, vector<16xi32>,
    %get3A_1006 = vector.shape_cast %get3A_1005 : vector<16xi32> to vector<16xi32>
    %add3A_1007 = arith.addi %mul3A_1003, %get3A_1006 : vector<16xi32>
    %add3A_1008 = vector.broadcast %mul3A_49 : i32 to vector<16xi32>
    %add3A_1009 = arith.addi %add3A_1007, %add3A_1008 : vector<16xi32>
    %swap3A_1010 = arith.constant 0 : index
    %swap3A_1011 = tpu.vector_load %arg19[%swap3A_1010] {strides = array<i32>} : memref<80xi32, #tpu.memory_space<vmem>>, vector<16xi32>,
    %swap3A_1012 = vector.shape_cast %swap3A_1011 : vector<16xi32> to vector<16xi32>
    %swap3A_1013 = vector.shape_cast %add3A_1009 : vector<16xi32> to vector<16xi32>
    tpu.vector_store %arg19[%swap3A_1010], %swap3A_1013 {strides = array<i32>} : memref<80xi32, #tpu.memory_space<vmem>>, vector<16xi32>,
    %get3A_1014 = arith.constant 16 : index
    %get3A_1015 = tpu.vector_load %arg11[%get3A_1014] {strides = array<i32>} : memref<80xi32, #tpu.memory_space<vmem>>, vector<16xi32>,
    %get3A_1016 = vector.shape_cast %get3A_1015 : vector<16xi32> to vector<16xi32>
    %mul3A_1017 = arith.constant 10000 : i32
    %mul3A_1018 = vector.broadcast %mul3A_1017 : i32 to vector<16xi32>
    %mul3A_1019 = arith.muli %get3A_1016, %mul3A_1018 : vector<16xi32>
    %get3A_1020 = arith.constant 16 : index
    %get3A_1021 = tpu.vector_load %arg7[%get3A_1020] {strides = array<i32>} : memref<80xi32, #tpu.memory_space<vmem>>, vector<16xi32>,
    %get3A_1022 = vector.shape_cast %get3A_1021 : vector<16xi32> to vector<16xi32>
    %add3A_1023 = arith.addi %mul3A_1019, %get3A_1022 : vector<16xi32>
    %add3A_1024 = vector.broadcast %mul3A_49 : i32 to vector<16xi32>
    %add3A_1025 = arith.addi %add3A_1023, %add3A_1024 : vector<16xi32>
    %swap3A_1026 = arith.constant 16 : index
    %swap3A_1027 = tpu.vector_load %arg19[%swap3A_1026] {strides = array<i32>} : memref<80xi32, #tpu.memory_space<vmem>>, vector<16xi32>,
    %swap3A_1028 = vector.shape_cast %swap3A_1027 : vector<16xi32> to vector<16xi32>
    %swap3A_1029 = vector.shape_cast %add3A_1025 : vector<16xi32> to vector<16xi32>
    tpu.vector_store %arg19[%swap3A_1026], %swap3A_1029 {strides = array<i32>} : memref<80xi32, #tpu.memory_space<vmem>>, vector<16xi32>,
    %get3A_1030 = arith.constant 32 : index
    %get3A_1031 = tpu.vector_load %arg11[%get3A_1030] {strides = array<i32>} : memref<80xi32, #tpu.memory_space<vmem>>, vector<16xi32>,
    %get3A_1032 = vector.shape_cast %get3A_1031 : vector<16xi32> to vector<16xi32>
    %mul3A_1033 = arith.constant 10000 : i32
    %mul3A_1034 = vector.broadcast %mul3A_1033 : i32 to vector<16xi32>
    %mul3A_1035 = arith.muli %get3A_1032, %mul3A_1034 : vector<16xi32>
    %get3A_1036 = arith.constant 32 : index
    %get3A_1037 = tpu.vector_load %arg7[%get3A_1036] {strides = array<i32>} : memref<80xi32, #tpu.memory_space<vmem>>, vector<16xi32>,
    %get3A_1038 = vector.shape_cast %get3A_1037 : vector<16xi32> to vector<16xi32>
    %add3A_1039 = arith.addi %mul3A_1035, %get3A_1038 : vector<16xi32>
    %add3A_1040 = vector.broadcast %mul3A_49 : i32 to vector<16xi32>
    %add3A_1041 = arith.addi %add3A_1039, %add3A_1040 : vector<16xi32>
    %swap3A_1042 = arith.constant 32 : index
    %swap3A_1043 = tpu.vector_load %arg19[%swap3A_1042] {strides = array<i32>} : memref<80xi32, #tpu.memory_space<vmem>>, vector<16xi32>,
    %swap3A_1044 = vector.shape_cast %swap3A_1043 : vector<16xi32> to vector<16xi32>
    %swap3A_1045 = vector.shape_cast %add3A_1041 : vector<16xi32> to vector<16xi32>
    tpu.vector_store %arg19[%swap3A_1042], %swap3A_1045 {strides = array<i32>} : memref<80xi32, #tpu.memory_space<vmem>>, vector<16xi32>,
    %get3A_1046 = arith.constant 48 : index
    %get3A_1047 = tpu.vector_load %arg11[%get3A_1046] {strides = array<i32>} : memref<80xi32, #tpu.memory_space<vmem>>, vector<16xi32>,
    %get3A_1048 = vector.shape_cast %get3A_1047 : vector<16xi32> to vector<16xi32>
    %mul3A_1049 = arith.constant 10000 : i32
    %mul3A_1050 = vector.broadcast %mul3A_1049 : i32 to vector<16xi32>
    %mul3A_1051 = arith.muli %get3A_1048, %mul3A_1050 : vector<16xi32>
    %get3A_1052 = arith.constant 48 : index
    %get3A_1053 = tpu.vector_load %arg7[%get3A_1052] {strides = array<i32>} : memref<80xi32, #tpu.memory_space<vmem>>, vector<16xi32>,
    %get3A_1054 = vector.shape_cast %get3A_1053 : vector<16xi32> to vector<16xi32>
    %add3A_1055 = arith.addi %mul3A_1051, %get3A_1054 : vector<16xi32>
    %add3A_1056 = vector.broadcast %mul3A_49 : i32 to vector<16xi32>
    %add3A_1057 = arith.addi %add3A_1055, %add3A_1056 : vector<16xi32>
    %swap3A_1058 = arith.constant 48 : index
    %swap3A_1059 = tpu.vector_load %arg19[%swap3A_1058] {strides = array<i32>} : memref<80xi32, #tpu.memory_space<vmem>>, vector<16xi32>,
    %swap3A_1060 = vector.shape_cast %swap3A_1059 : vector<16xi32> to vector<16xi32>
    %swap3A_1061 = vector.shape_cast %add3A_1057 : vector<16xi32> to vector<16xi32>
    tpu.vector_store %arg19[%swap3A_1058], %swap3A_1061 {strides = array<i32>} : memref<80xi32, #tpu.memory_space<vmem>>, vector<16xi32>,
    %get3A_1062 = arith.constant 64 : index
    %get3A_1063 = tpu.vector_load %arg11[%get3A_1062] {strides = array<i32>} : memref<80xi32, #tpu.memory_space<vmem>>, vector<16xi32>,
    %get3A_1064 = vector.shape_cast %get3A_1063 : vector<16xi32> to vector<16xi32>
    %mul3A_1065 = arith.constant 10000 : i32
    %mul3A_1066 = vector.broadcast %mul3A_1065 : i32 to vector<16xi32>
    %mul3A_1067 = arith.muli %get3A_1064, %mul3A_1066 : vector<16xi32>
    %get3A_1068 = arith.constant 64 : index
    %get3A_1069 = tpu.vector_load %arg7[%get3A_1068] {strides = array<i32>} : memref<80xi32, #tpu.memory_space<vmem>>, vector<16xi32>,
    %get3A_1070 = vector.shape_cast %get3A_1069 : vector<16xi32> to vector<16xi32>
    %add3A_1071 = arith.addi %mul3A_1067, %get3A_1070 : vector<16xi32>
    %add3A_1072 = vector.broadcast %mul3A_49 : i32 to vector<16xi32>
    %add3A_1073 = arith.addi %add3A_1071, %add3A_1072 : vector<16xi32>
    %swap3A_1074 = arith.constant 64 : index
    %swap3A_1075 = tpu.vector_load %arg19[%swap3A_1074] {strides = array<i32>} : memref<80xi32, #tpu.memory_space<vmem>>, vector<16xi32>,
    %swap3A_1076 = vector.shape_cast %swap3A_1075 : vector<16xi32> to vector<16xi32>
    %swap3A_1077 = vector.shape_cast %add3A_1073 : vector<16xi32> to vector<16xi32>
    tpu.vector_store %arg19[%swap3A_1074], %swap3A_1077 {strides = array<i32>} : memref<80xi32, #tpu.memory_space<vmem>>, vector<16xi32>,
    %dma_start3A_1078 = arith.constant 0 : i32
    %dma_start3A_1079 = arith.constant 0 : i32
    %dma_start3A_1080 = tpu.memref_slice %arg2[%dma_start3A_1078, %dma_start3A_1079] : memref<180000x128xf32, #tpu.memory_space<hbm>> -> memref<180000x128xf32, #tpu.memory_space<hbm>>
    tpu.enqueue_indirect_dma source(%dma_start3A_1080 : memref<180000x128xf32, #tpu.memory_space<hbm>>) target(%arg23 : memref<80x128xf32, #tpu.memory_space<vmem>>) offsets(%arg19 : memref<80xi32, #tpu.memory_space<vmem>>) semaphore(%arg28 : memref<!tpu.dma_semaphore, #tpu.memory_space<semaphore_mem>>)
    %dma_wait3A_1081 = arith.constant 0 : i32
    %dma_wait3A_1082 = arith.constant 0 : i32
    %dma_wait3A_1083 = tpu.memref_slice %arg2[%dma_wait3A_1081, %dma_wait3A_1082] : memref<180000x128xf32, #tpu.memory_space<hbm>> -> memref<80x128xf32, #tpu.memory_space<hbm>>
    %dma_wait3A_1084 = arith.constant 0 : i32
    %dma_wait3A_1085 = arith.constant 0 : i32
    %dma_wait3A_1086 = tpu.memref_slice %arg2[%dma_wait3A_1084, %dma_wait3A_1085] : memref<180000x128xf32, #tpu.memory_space<hbm>> -> memref<80x128xf32, #tpu.memory_space<hbm>>
    tpu.wait_dma2 semaphore(%arg28 : memref<!tpu.dma_semaphore, #tpu.memory_space<semaphore_mem>>) src(%dma_wait3A_1086 : memref<80x128xf32, #tpu.memory_space<hbm>>) dst(%arg26 : memref<80x128xf32, #tpu.memory_space<vmem>>)
    %dma_start3A_1087 = arith.constant 0 : i32
    %dma_start3A_1088 = arith.constant 0 : i32
    %dma_start3A_1089 = tpu.memref_slice %arg6[%dma_start3A_1087, %dma_start3A_1088] : memref<10000x128xf32, #tpu.memory_space<vmem_shared>> -> memref<10000x128xf32, #tpu.memory_space<vmem_shared>>
    tpu.enqueue_indirect_dma source(%arg26 : memref<80x128xf32, #tpu.memory_space<vmem>>) target(%dma_start3A_1089 : memref<10000x128xf32, #tpu.memory_space<vmem_shared>>) offsets(%arg18 : memref<80xi32, #tpu.memory_space<vmem>>) semaphore(%arg29 : memref<!tpu.dma_semaphore, #tpu.memory_space<semaphore_mem>>) {add = true}
    %dma_wait3A_1090 = arith.constant 0 : i32
    %dma_wait3A_1091 = arith.constant 0 : i32
    %dma_wait3A_1092 = tpu.memref_slice %arg6[%dma_wait3A_1090, %dma_wait3A_1091] : memref<10000x128xf32, #tpu.memory_space<vmem_shared>> -> memref<10000x128xf32, #tpu.memory_space<vmem_shared>>
    tpu.wait_indirect_dma semaphore(%arg29 : memref<!tpu.dma_semaphore, #tpu.memory_space<semaphore_mem>>) src(%arg23 : memref<80x128xf32, #tpu.memory_space<vmem>>) dst(%dma_wait3A_1092 : memref<10000x128xf32, #tpu.memory_space<vmem_shared>>)
    %dma_wait3A_1093 = arith.constant 0 : i32
    %dma_wait3A_1094 = arith.constant 0 : i32
    %dma_wait3A_1095 = tpu.memref_slice %arg2[%dma_wait3A_1093, %dma_wait3A_1094] : memref<180000x128xf32, #tpu.memory_space<hbm>> -> memref<80x128xf32, #tpu.memory_space<hbm>>
    %dma_wait3A_1096 = arith.constant 0 : i32
    %dma_wait3A_1097 = arith.constant 0 : i32
    %dma_wait3A_1098 = tpu.memref_slice %arg2[%dma_wait3A_1096, %dma_wait3A_1097] : memref<180000x128xf32, #tpu.memory_space<hbm>> -> memref<80x128xf32, #tpu.memory_space<hbm>>
    tpu.wait_dma2 semaphore(%arg28 : memref<!tpu.dma_semaphore, #tpu.memory_space<semaphore_mem>>) src(%dma_wait3A_1098 : memref<80x128xf32, #tpu.memory_space<hbm>>) dst(%arg23 : memref<80x128xf32, #tpu.memory_space<vmem>>)
    %dma_start3A_1099 = arith.constant 0 : i32
    %dma_start3A_1100 = arith.constant 0 : i32
    %dma_start3A_1101 = tpu.memref_slice %arg6[%dma_start3A_1099, %dma_start3A_1100] : memref<10000x128xf32, #tpu.memory_space<vmem_shared>> -> memref<10000x128xf32, #tpu.memory_space<vmem_shared>>
    tpu.enqueue_indirect_dma source(%arg23 : memref<80x128xf32, #tpu.memory_space<vmem>>) target(%dma_start3A_1101 : memref<10000x128xf32, #tpu.memory_space<vmem_shared>>) offsets(%arg15 : memref<80xi32, #tpu.memory_space<vmem>>) semaphore(%arg29 : memref<!tpu.dma_semaphore, #tpu.memory_space<semaphore_mem>>) {add = true}
    %dma_wait3A_1102 = arith.constant 0 : i32
    %dma_wait3A_1103 = arith.constant 0 : i32
    %dma_wait3A_1104 = tpu.memref_slice %arg6[%dma_wait3A_1102, %dma_wait3A_1103] : memref<10000x128xf32, #tpu.memory_space<vmem_shared>> -> memref<10000x128xf32, #tpu.memory_space<vmem_shared>>
    tpu.wait_indirect_dma semaphore(%arg29 : memref<!tpu.dma_semaphore, #tpu.memory_space<semaphore_mem>>) src(%arg23 : memref<80x128xf32, #tpu.memory_space<vmem>>) dst(%dma_wait3A_1104 : memref<10000x128xf32, #tpu.memory_space<vmem_shared>>)
    %dma_wait3A_1105 = arith.constant 0 : i32
    %dma_wait3A_1106 = arith.constant 0 : i32
    %dma_wait3A_1107 = tpu.memref_slice %arg6[%dma_wait3A_1105, %dma_wait3A_1106] : memref<10000x128xf32, #tpu.memory_space<vmem_shared>> -> memref<10000x128xf32, #tpu.memory_space<vmem_shared>>
    tpu.wait_indirect_dma semaphore(%arg29 : memref<!tpu.dma_semaphore, #tpu.memory_space<semaphore_mem>>) src(%arg23 : memref<80x128xf32, #tpu.memory_space<vmem>>) dst(%dma_wait3A_1107 : memref<10000x128xf32, #tpu.memory_space<vmem_shared>>)
    %barrier3A_1108 = arith.constant 0 : index
    tpu.barrier barrier_id(%barrier3A_1108)
    %while3A_1109 = arith.constant 0 : i32
    %while3A_1110 = arith.constant 0 : i32
    %while3A_1111 = arith.subi %add3A_25, %while3A_1109 : i32
    %while3A_1112 = arith.addi %while3A_1109, %while3A_1111 : i32
    %while3A_1113 = arith.constant 1 : i32
    %while3A_1114 = arith.divsi %while3A_1111, %while3A_1113 : i32
    %while3A_1115 = arith.muli %while3A_1114, %while3A_1113 : i32
    %while3A_1116 = arith.addi %while3A_1109, %while3A_1115 : i32
    %while3A_1117 = arith.constant 1 : i32
    %while3A_1118 = scf.for %while3A_1121 = %while3A_1109 to %while3A_1116 step %while3A_1117 iter_args(%while3A_1122 = %while3A_1110) -> (i32)  : i32 {
      %mul3A_1123 = arith.constant 16 : i32
      %mul3A_1124 = arith.muli %while3A_1121, %mul3A_1123 : i32
      %add3A_1125 = arith.addi %arg1, %mul3A_1124 : i32
      %mul3A_1126 = arith.constant 80 : i32
      %mul3A_1127 = arith.muli %add3A_1125, %mul3A_1126 : i32
      "tpu.region"() ({
        %run_scoped3A = tpu.sem_alloc : memref<!tpu.dma_semaphore, #tpu.memory_space<semaphore_mem>>
        %dma_start3A_1132 = arith.constant 0 : i32
        %dma_start3A_1133 = tpu.memref_slice %arg6[%mul3A_1127, %dma_start3A_1132] : memref<10000x128xf32, #tpu.memory_space<vmem_shared>> -> memref<80x128xf32, #tpu.memory_space<vmem_shared>>
        %dma_start3A_1134 = arith.constant 0 : i32
        %dma_start3A_1135 = tpu.memref_slice %arg6[%mul3A_1127, %dma_start3A_1134] : memref<10000x128xf32, #tpu.memory_space<vmem_shared>> -> memref<80x128xf32, #tpu.memory_space<vmem_shared>>
        tpu.enqueue_dma source(%dma_start3A_1135 : memref<80x128xf32, #tpu.memory_space<vmem_shared>>) target(%arg23 : memref<80x128xf32, #tpu.memory_space<vmem>>) target_semaphore(%run_scoped3A : memref<!tpu.dma_semaphore, #tpu.memory_space<semaphore_mem>>)
        %dma_wait3A_1136 = arith.constant 0 : i32
        %dma_wait3A_1137 = tpu.memref_slice %arg6[%mul3A_1127, %dma_wait3A_1136] : memref<10000x128xf32, #tpu.memory_space<vmem_shared>> -> memref<80x128xf32, #tpu.memory_space<vmem_shared>>
        %dma_wait3A_1138 = arith.constant 0 : i32
        %dma_wait3A_1139 = tpu.memref_slice %arg6[%mul3A_1127, %dma_wait3A_1138] : memref<10000x128xf32, #tpu.memory_space<vmem_shared>> -> memref<80x128xf32, #tpu.memory_space<vmem_shared>>
        tpu.wait_dma2 semaphore(%run_scoped3A : memref<!tpu.dma_semaphore, #tpu.memory_space<semaphore_mem>>) src(%dma_wait3A_1139 : memref<80x128xf32, #tpu.memory_space<vmem_shared>>) dst(%arg23 : memref<80x128xf32, #tpu.memory_space<vmem>>)
        tpu.yield
      }) : () -> ()
      %mul3A_1128 = arith.constant 10000 : i32
      %mul3A_1129 = arith.muli %arg0, %mul3A_1128 : i32
      %add3A_1130 = arith.addi %mul3A_1129, %mul3A_1127 : i32
      "tpu.region"() ({
        %run_scoped3A = tpu.sem_alloc : memref<!tpu.dma_semaphore, #tpu.memory_space<semaphore_mem>>
        %dma_start3A_1132 = arith.constant 0 : i32
        %dma_start3A_1133 = tpu.memref_slice %arg5[%add3A_1130, %dma_start3A_1132] : memref<20000x128xf32, #tpu.memory_space<hbm>> -> memref<80x128xf32, #tpu.memory_space<hbm>>
        %dma_start3A_1134 = arith.constant 0 : i32
        %dma_start3A_1135 = tpu.memref_slice %arg5[%add3A_1130, %dma_start3A_1134] : memref<20000x128xf32, #tpu.memory_space<hbm>> -> memref<80x128xf32, #tpu.memory_space<hbm>>
        tpu.enqueue_dma source(%arg23 : memref<80x128xf32, #tpu.memory_space<vmem>>) target(%dma_start3A_1135 : memref<80x128xf32, #tpu.memory_space<hbm>>) target_semaphore(%run_scoped3A : memref<!tpu.dma_semaphore, #tpu.memory_space<semaphore_mem>>)
        %dma_wait3A_1136 = arith.constant 0 : i32
        %dma_wait3A_1137 = tpu.memref_slice %arg5[%add3A_1130, %dma_wait3A_1136] : memref<20000x128xf32, #tpu.memory_space<hbm>> -> memref<80x128xf32, #tpu.memory_space<hbm>>
        %dma_wait3A_1138 = arith.constant 0 : i32
        %dma_wait3A_1139 = tpu.memref_slice %arg5[%add3A_1130, %dma_wait3A_1138] : memref<20000x128xf32, #tpu.memory_space<hbm>> -> memref<80x128xf32, #tpu.memory_space<hbm>>
        tpu.wait_dma2 semaphore(%run_scoped3A : memref<!tpu.dma_semaphore, #tpu.memory_space<semaphore_mem>>) src(%arg23 : memref<80x128xf32, #tpu.memory_space<vmem>>) dst(%dma_wait3A_1139 : memref<80x128xf32, #tpu.memory_space<hbm>>)
        tpu.yield
      }) : () -> ()
      %while3A_1131 = arith.constant 0 : i32
      scf.yield %while3A_1131 : i32
    }
    %while3A_1119 = arith.constant 1 : i32
    %while3A_1120 = scf.for %while3A_1121 = %while3A_1116 to %while3A_1112 step %while3A_1119 iter_args(%while3A_1122 = %while3A_1118) -> (i32)  : i32 {
      %mul3A_1123 = arith.constant 16 : i32
      %mul3A_1124 = arith.muli %while3A_1121, %mul3A_1123 : i32
      %add3A_1125 = arith.addi %arg1, %mul3A_1124 : i32
      %mul3A_1126 = arith.constant 80 : i32
      %mul3A_1127 = arith.muli %add3A_1125, %mul3A_1126 : i32
      "tpu.region"() ({
        %run_scoped3A = tpu.sem_alloc : memref<!tpu.dma_semaphore, #tpu.memory_space<semaphore_mem>>
        %dma_start3A_1132 = arith.constant 0 : i32
        %dma_start3A_1133 = tpu.memref_slice %arg6[%mul3A_1127, %dma_start3A_1132] : memref<10000x128xf32, #tpu.memory_space<vmem_shared>> -> memref<80x128xf32, #tpu.memory_space<vmem_shared>>
        %dma_start3A_1134 = arith.constant 0 : i32
        %dma_start3A_1135 = tpu.memref_slice %arg6[%mul3A_1127, %dma_start3A_1134] : memref<10000x128xf32, #tpu.memory_space<vmem_shared>> -> memref<80x128xf32, #tpu.memory_space<vmem_shared>>
        tpu.enqueue_dma source(%dma_start3A_1135 : memref<80x128xf32, #tpu.memory_space<vmem_shared>>) target(%arg23 : memref<80x128xf32, #tpu.memory_space<vmem>>) target_semaphore(%run_scoped3A : memref<!tpu.dma_semaphore, #tpu.memory_space<semaphore_mem>>)
        %dma_wait3A_1136 = arith.constant 0 : i32
        %dma_wait3A_1137 = tpu.memref_slice %arg6[%mul3A_1127, %dma_wait3A_1136] : memref<10000x128xf32, #tpu.memory_space<vmem_shared>> -> memref<80x128xf32, #tpu.memory_space<vmem_shared>>
        %dma_wait3A_1138 = arith.constant 0 : i32
        %dma_wait3A_1139 = tpu.memref_slice %arg6[%mul3A_1127, %dma_wait3A_1138] : memref<10000x128xf32, #tpu.memory_space<vmem_shared>> -> memref<80x128xf32, #tpu.memory_space<vmem_shared>>
        tpu.wait_dma2 semaphore(%run_scoped3A : memref<!tpu.dma_semaphore, #tpu.memory_space<semaphore_mem>>) src(%dma_wait3A_1139 : memref<80x128xf32, #tpu.memory_space<vmem_shared>>) dst(%arg23 : memref<80x128xf32, #tpu.memory_space<vmem>>)
        tpu.yield
      }) : () -> ()
      %mul3A_1128 = arith.constant 10000 : i32
      %mul3A_1129 = arith.muli %arg0, %mul3A_1128 : i32
      %add3A_1130 = arith.addi %mul3A_1129, %mul3A_1127 : i32
      "tpu.region"() ({
        %run_scoped3A = tpu.sem_alloc : memref<!tpu.dma_semaphore, #tpu.memory_space<semaphore_mem>>
        %dma_start3A_1132 = arith.constant 0 : i32
        %dma_start3A_1133 = tpu.memref_slice %arg5[%add3A_1130, %dma_start3A_1132] : memref<20000x128xf32, #tpu.memory_space<hbm>> -> memref<80x128xf32, #tpu.memory_space<hbm>>
        %dma_start3A_1134 = arith.constant 0 : i32
        %dma_start3A_1135 = tpu.memref_slice %arg5[%add3A_1130, %dma_start3A_1134] : memref<20000x128xf32, #tpu.memory_space<hbm>> -> memref<80x128xf32, #tpu.memory_space<hbm>>
        tpu.enqueue_dma source(%arg23 : memref<80x128xf32, #tpu.memory_space<vmem>>) target(%dma_start3A_1135 : memref<80x128xf32, #tpu.memory_space<hbm>>) target_semaphore(%run_scoped3A : memref<!tpu.dma_semaphore, #tpu.memory_space<semaphore_mem>>)
        %dma_wait3A_1136 = arith.constant 0 : i32
        %dma_wait3A_1137 = tpu.memref_slice %arg5[%add3A_1130, %dma_wait3A_1136] : memref<20000x128xf32, #tpu.memory_space<hbm>> -> memref<80x128xf32, #tpu.memory_space<hbm>>
        %dma_wait3A_1138 = arith.constant 0 : i32
        %dma_wait3A_1139 = tpu.memref_slice %arg5[%add3A_1130, %dma_wait3A_1138] : memref<20000x128xf32, #tpu.memory_space<hbm>> -> memref<80x128xf32, #tpu.memory_space<hbm>>
        tpu.wait_dma2 semaphore(%run_scoped3A : memref<!tpu.dma_semaphore, #tpu.memory_space<semaphore_mem>>) src(%arg23 : memref<80x128xf32, #tpu.memory_space<vmem>>) dst(%dma_wait3A_1139 : memref<80x128xf32, #tpu.memory_space<hbm>>)
        tpu.yield
      }) : () -> ()
      %while3A_1131 = arith.constant 0 : i32
      scf.yield %while3A_1131 : i32
    }
    return
  }
}

module attributes {stable_mosaic.version = 14 : i64} {
  func.func @_final_body(%arg0: i32, %arg1: memref<2x1000x128xf32, #tpu.memory_space<vmem>>, %arg2: memref<1000x1xf32, #tpu.memory_space<vmem>>, %arg3: memref<1000x256xf32, #tpu.memory_space<vmem>>) attributes {dimension_semantics = [#tpu.dimension_semantics<arbitrary>], iteration_bounds = array<i64: 10>, scalar_prefetch = 0 : i64, scratch_operands = 0 : i64, tpu.core_type = #tpu.core_type<tc>, window_params = [{transform_indices = @transform_0, window_bounds = array<i64: 2, 1000, 128>}, {transform_indices = @transform_1, window_bounds = array<i64: 1000, 1>}, {transform_indices = @transform_2, window_bounds = array<i64: 1000, 256>}]} {
    %get3A = arith.constant 0 : index
    %get3A_0 = arith.constant 0 : index
    %get3A_1 = vector.load %arg2[%get3A, %get3A_0] : memref<1000x1xf32, #tpu.memory_space<vmem>>, vector<1000x1xf32>
    %get3A_2 = arith.constant 0 : index
    %get3A_3 = arith.constant 0 : index
    %get3A_4 = arith.constant 0 : index
    %get3A_5 = vector.load %arg1[%get3A_2, %get3A_3, %get3A_4] : memref<2x1000x128xf32, #tpu.memory_space<vmem>>, vector<1x1000x128xf32>
    %get3A_6 = vector.shape_cast %get3A_5 : vector<1x1000x128xf32> to vector<1000x128xf32>
    %mul3A = vector.broadcast %get3A_1 : vector<1000x1xf32> to vector<1000x128xf32>
    %mul3A_7 = arith.mulf %get3A_6, %mul3A : vector<1000x128xf32>
    %max3A = arith.constant 0.000000e+00 : f32
    %max3A_8 = vector.broadcast %max3A : f32 to vector<1000x128xf32>
    %max3A_9 = arith.maximumf %mul3A_7, %max3A_8 : vector<1000x128xf32>
    %swap3A = arith.constant 0 : index
    %swap3A_10 = arith.constant 0 : index
    %swap3A_11 = vector.load %arg3[%swap3A, %swap3A_10] : memref<1000x256xf32, #tpu.memory_space<vmem>>, vector<1000x128xf32>
    tpu.vector_store %arg3[%swap3A, %swap3A_10], %max3A_9 {strides = array<i32>} : memref<1000x256xf32, #tpu.memory_space<vmem>>, vector<1000x128xf32>,
    %get3A_12 = arith.constant 1 : index
    %get3A_13 = arith.constant 0 : index
    %get3A_14 = arith.constant 0 : index
    %get3A_15 = vector.load %arg1[%get3A_12, %get3A_13, %get3A_14] : memref<2x1000x128xf32, #tpu.memory_space<vmem>>, vector<1x1000x128xf32>
    %get3A_16 = vector.shape_cast %get3A_15 : vector<1x1000x128xf32> to vector<1000x128xf32>
    %mul3A_17 = vector.broadcast %get3A_1 : vector<1000x1xf32> to vector<1000x128xf32>
    %mul3A_18 = arith.mulf %get3A_16, %mul3A_17 : vector<1000x128xf32>
    %max3A_19 = arith.constant 0.000000e+00 : f32
    %max3A_20 = vector.broadcast %max3A_19 : f32 to vector<1000x128xf32>
    %max3A_21 = arith.maximumf %mul3A_18, %max3A_20 : vector<1000x128xf32>
    %swap3A_22 = arith.constant 0 : index
    %swap3A_23 = arith.constant 128 : index
    %swap3A_24 = vector.load %arg3[%swap3A_22, %swap3A_23] : memref<1000x256xf32, #tpu.memory_space<vmem>>, vector<1000x128xf32>
    tpu.vector_store %arg3[%swap3A_22, %swap3A_23], %max3A_21 {strides = array<i32>} : memref<1000x256xf32, #tpu.memory_space<vmem>>, vector<1000x128xf32>,
    return
  }
  func.func @transform_0(%arg0: i32) -> (i32, i32, i32) {
    %c0_i32 = arith.constant 0 : i32
    %c0_i32_0 = arith.constant 0 : i32
    %c0_i32_1 = arith.constant 0 : i32
    return %c0_i32, %arg0, %c0_i32_0 : i32, i32, i32
  }
  func.func @transform_1(%arg0: i32) -> (i32, i32) {
    %c0_i32 = arith.constant 0 : i32
    %c0_i32_0 = arith.constant 0 : i32
    return %arg0, %c0_i32 : i32, i32
  }
  func.func @transform_2(%arg0: i32) -> (i32, i32) {
    %c0_i32 = arith.constant 0 : i32
    %c0_i32_0 = arith.constant 0 : i32
    return %arg0, %c0_i32 : i32, i32
  }
}

module attributes {stable_mosaic.version = 14 : i64} {
  func.func @_table_body(%arg0: i32, %arg1: i32, %arg2: memref<2000x256xf32, #tpu.memory_space<vmem>>, %arg3: memref<2000x1xf32, #tpu.memory_space<vmem>>, %arg4: memref<9x256x256xf32, #tpu.memory_space<vmem>>, %arg5: memref<2x2000x128xf32, #tpu.memory_space<vmem>>) attributes {dimension_semantics = [#tpu.dimension_semantics<arbitrary>, #tpu.dimension_semantics<arbitrary>], iteration_bounds = array<i64: 5, 9>, scalar_prefetch = 0 : i64, scratch_operands = 0 : i64, tpu.core_type = #tpu.core_type<tc>, window_params = [{transform_indices = @transform_0, window_bounds = array<i64: 2000, 256>}, {transform_indices = @transform_1, window_bounds = array<i64: 2000, 1>}, {pipeline_mode = #tpu.pipeline_mode<synchronous>, transform_indices = @transform_2, window_bounds = array<i64: 9, 256, 256>}, {transform_indices = @transform_3, window_bounds = array<i64: 2, 2000, 128>}]} {
    %get3A = arith.constant 0 : index
    %get3A_0 = arith.constant 0 : index
    %get3A_1 = vector.load %arg2[%get3A, %get3A_0] : memref<2000x256xf32, #tpu.memory_space<vmem>>, vector<2000x256xf32>
    %get3A_2 = arith.constant 0 : index
    %get3A_3 = arith.constant 0 : index
    %get3A_4 = vector.load %arg3[%get3A_2, %get3A_3] : memref<2000x1xf32, #tpu.memory_space<vmem>>, vector<2000x1xf32>
    %mul3A = vector.broadcast %get3A_4 : vector<2000x1xf32> to vector<2000x256xf32>
    %mul3A_5 = arith.mulf %get3A_1, %mul3A : vector<2000x256xf32>
    %convert_element_type3A = arith.truncf %mul3A_5 : vector<2000x256xf32> to vector<2000x256xbf16>
    %get3A_6 = arith.index_cast %arg1 : i32 to index
    %get3A_7 = arith.constant 0 : index
    %get3A_8 = arith.constant 0 : index
    %get3A_9 = vector.load %arg4[%get3A_6, %get3A_7, %get3A_8] : memref<9x256x256xf32, #tpu.memory_space<vmem>>, vector<1x256x256xf32>
    %get3A_10 = vector.shape_cast %get3A_9 : vector<1x256x256xf32> to vector<256x256xf32>
    %convert_element_type3A_11 = arith.truncf %get3A_10 : vector<256x256xf32> to vector<256x256xbf16>
    %dot_general3A = arith.constant dense<0.000000e+00> : vector<2000x256xf32>
    %dot_general3A_12 = tpu.matmul %convert_element_type3A, %convert_element_type3A_11, %dot_general3A {dimension_numbers = #tpu.dot_dimension_numbers<[1], [1], [0], [0], [0, 0, 1, 0], [], []>, transpose_lhs_hint = false} : vector<2000x256xbf16>, vector<256x256xbf16>, vector<2000x256xf32> -> vector<2000x256xf32>
    %mul3A_13 = arith.constant 0.111111112 : f32
    %mul3A_14 = vector.broadcast %mul3A_13 : f32 to vector<2000x256xf32>
    %mul3A_15 = arith.mulf %dot_general3A_12, %mul3A_14 : vector<2000x256xf32>
    %slice3A = vector.extract_strided_slice %mul3A_15 {offsets = [0, 0], sizes = [2000, 128], strides = [1, 1]} : vector<2000x256xf32> to vector<2000x128xf32>
    %swap3A = arith.constant 0 : index
    %swap3A_16 = arith.constant 0 : index
    %swap3A_17 = arith.constant 0 : index
    %swap3A_18 = vector.load %arg5[%swap3A, %swap3A_16, %swap3A_17] : memref<2x2000x128xf32, #tpu.memory_space<vmem>>, vector<1x2000x128xf32>
    %swap3A_19 = vector.shape_cast %swap3A_18 : vector<1x2000x128xf32> to vector<2000x128xf32>
    %swap3A_20 = vector.shape_cast %slice3A : vector<2000x128xf32> to vector<1x2000x128xf32>
    tpu.vector_store %arg5[%swap3A, %swap3A_16, %swap3A_17], %swap3A_20 {strides = array<i32>} : memref<2x2000x128xf32, #tpu.memory_space<vmem>>, vector<1x2000x128xf32>,
    %slice3A_21 = vector.extract_strided_slice %mul3A_15 {offsets = [0, 128], sizes = [2000, 128], strides = [1, 1]} : vector<2000x256xf32> to vector<2000x128xf32>
    %swap3A_22 = arith.constant 1 : index
    %swap3A_23 = arith.constant 0 : index
    %swap3A_24 = arith.constant 0 : index
    %swap3A_25 = vector.load %arg5[%swap3A_22, %swap3A_23, %swap3A_24] : memref<2x2000x128xf32, #tpu.memory_space<vmem>>, vector<1x2000x128xf32>
    %swap3A_26 = vector.shape_cast %swap3A_25 : vector<1x2000x128xf32> to vector<2000x128xf32>
    %swap3A_27 = vector.shape_cast %slice3A_21 : vector<2000x128xf32> to vector<1x2000x128xf32>
    tpu.vector_store %arg5[%swap3A_22, %swap3A_23, %swap3A_24], %swap3A_27 {strides = array<i32>} : memref<2x2000x128xf32, #tpu.memory_space<vmem>>, vector<1x2000x128xf32>,
    return
  }
  func.func @transform_0(%arg0: i32, %arg1: i32) -> (i32, i32) {
    %c0_i32 = arith.constant 0 : i32
    %c0_i32_0 = arith.constant 0 : i32
    return %arg0, %c0_i32 : i32, i32
  }
  func.func @transform_1(%arg0: i32, %arg1: i32) -> (i32, i32) {
    %c0_i32 = arith.constant 0 : i32
    %c0_i32_0 = arith.constant 0 : i32
    return %arg0, %c0_i32 : i32, i32
  }
  func.func @transform_2(%arg0: i32, %arg1: i32) -> (i32, i32, i32) {
    %c0_i32 = arith.constant 0 : i32
    %c0_i32_0 = arith.constant 0 : i32
    %c0_i32_1 = arith.constant 0 : i32
    %c0_i32_2 = arith.constant 0 : i32
    return %c0_i32, %c0_i32_0, %c0_i32_1 : i32, i32, i32
  }
  func.func @transform_3(%arg0: i32, %arg1: i32) -> (i32, i32, i32) {
    %mul3A = arith.constant 5 : i32
    %mul3A_0 = arith.muli %arg1, %mul3A : i32
    %add3A = arith.addi %mul3A_0, %arg0 : i32
    %c0_i32 = arith.constant 0 : i32
    %c0_i32_1 = arith.constant 0 : i32
    %c0_i32_2 = arith.constant 0 : i32
    return %c0_i32, %add3A, %c0_i32_1 : i32, i32, i32
  }
}

</mosaic_0001>

<sc_bundles>
// kernel: kernel.5.cloned.1.call-start
scs
__scs_entry_jumppad:
0x0: {  	(pc) =	sbr.rel $0x88, $3  }
0x1: {  	(tag) =	ssettag $0x0;
	lr =	simm.s32 $0x1  }
0x2: {  	[smem:$0x3F9C] =	sst lr;
	_ =	strace $0xD0000000  }
0x3: {  	_ = 	snop  }
0x4: {  	_ = 	snop  }
0x5: {  	_ = 	snop  }
0x6: {  	_ = 	snop  }
0x7: {  	_ = 	snop  }
__scs_overlays_trampoline_lowered:
0x8: {  	[smem:$0x3FAB] =	sst s0  }
0x9: {  	[smem:$0x3FAC] =	sst s1  }
0xa: {  	[smem:$0x3FAD] =	sst s2  }
0xb: {  	[smem:$0x3FAE] =	sst s3  }
0xc: {  	[smem:$0x3FAF] =	sst s4  }
0xd: {  	[smem:$0x3FB0] =	sst s5  }
0xe: {  	[smem:$0x3FB1] =	sst s6  }
0xf: {  	[smem:$0x3FB2] =	sst s7  }
0x10: {  	[smem:$0x3FB3] =	sst s8  }
0x11: {  	[smem:$0x3FB4] =	sst s9;
	s0 =	simm.s32 @!p0 $0x0  }
0x12: {  	s1 =	sld [smem:$0x3F9A];
	s0 =	simm.s32 @p0 $0x1  }
0x13: {  	[smem:$0x3FB5] =	sst s0;
	s0 =	simm.s32 @!p1 $0x0  }
0x14: {  	s2 =	sld [smem:$0x3F99];
	s0 =	simm.s32 @p1 $0x1  }
0x15: {  	[smem:$0x3FB6] =	sst s0;
	s0 =	simm.s32 @!p2 $0x0  }
0x16: {  	s3 =	sld [smem:$0x3FDB];
	s0 =	simm.s32 @p2 $0x1  }
0x17: {  	s4 =	simm.s32 $0x1BF5;
	[smem:$0x3FB8] =	sst s0  }
0x18: {  	s0 =	sld [smem:$0x3F9B];
	_ =	swait.ge [sflag:s4], $0x0  }
0x19: {  	s7 =	sld [smem:$0x3F9C]  }
0x1a: {  	s8 =	sadd.s32 $0xFFFFE003, lr  }
0x1b: {  	s9 =	sadd.s32 $0xFFFFFEF7, lr;
	s5 =	simm.s32 $0xFFFFFFFF;
	p2 =	slt.u32 s8, $0xFFFFF086  }
0x1c: {  	p1 =	slt.u32 s9, $0xF7A;
	s5 =	simm.s32 @!p2 $0x0  }
0x1d: {  	s5 =	simm.s32 @p1 $0x1;
	p0 =	seq.s32 s7, s2  }
0x1e: {  	s7 =	smul.u32 @!p0 $0xF7A, s2;
	p2 =	seq.s32 @!p0 s5, $0x0  }
0x1f: {  	s9 =	smul.u32 $0xF7A, s1;
	s8 =	simm.s32 @!p0 $0x1BF5;
	p2 =	por !p2, p0  }
0x20: {  	[sflag:s8] =	ssyncset.s32 @!p0 $0xFFFFF086;
	s6 =	sadd.s32 @!p0 s3, s7;
	s7 =	simm.s32 @!p0 $0x108  }
0x21: {  	s3 =	sadd.s32 s3, s9;
	s6 =	sadd.s32 @!p0 $0x88, s6;
	s7 =	simm.s32 @p2 $0x1082  }
0x22: {  	[simem:s7], [sflag:s8] =	dma.local @!p0 [hbm:s6], $0xF7A  }
0x23: {  	s9 =	sor.u32 $0xD0000000, s2;
	s6 =	simm.s32 $0x108;
	_ =	swait.ge @!p0 [sflag:s8], $0x0  }
0x24: {  	s3 =	sadd.s32 $0x88, s3;
	s6 =	simm.s32 @!p1 $0x1082;
	[sflag:s4] =	ssyncset.s32 $0xFFFFF086  }
0x25: {  	[simem:s6], [sflag:s4] =	dma.local [hbm:s3], $0xF7A  }
0x26: {  	[smem:$0x3F9C] =	sst s1;
	(tag) =	ssettag s2;
	_ =	strace s9  }
0x27: {  	s1 =	sld [smem:$0x3FAC]  }
0x28: {  	s2 =	sld [smem:$0x3FAD]  }
0x29: {  	s4 =	sld [smem:$0x3FAF]  }
0x2a: {  	p0 =	seq.s32 s5, $0x0;
	s5 =	sld [smem:$0x3FB0]  }
0x2b: {  	s6 =	sld [smem:$0x3FB1]  }
0x2c: {  	s7 =	sld [smem:$0x3FB2]  }
0x2d: {  	s3 =	simm.s32 $0x108;
	s8 =	sld [smem:$0x3FB3]  }
0x2e: {  	s3 =	simm.s32 @!p0 $0x1082;
	s9 =	sld [smem:$0x3FB4]  }
0x2f: {  	lr =	sadd.s32 s0, s3;
	s0 =	sld [smem:$0x3FAB]  }
0x30: {  	s3 =	sld [smem:$0x3FAE]  }
0x31: {  	[smem:$0x3FB7] =	sst s10  }
0x32: {  	s10 =	sld [smem:$0x3FB5];
	_ =	sdelay $0x3  }
0x33: {  	p0 =	seq.s32 s10, $0x1;
	s10 =	sld [smem:$0x3FB7];
	_ =	sdelay $0x3  }
0x34: {  	[smem:$0x3FB7] =	sst s10  }
0x35: {  	s10 =	sld [smem:$0x3FB6];
	_ =	sdelay $0x3  }
0x36: {  	p1 =	seq.s32 s10, $0x1;
	s10 =	sld [smem:$0x3FB7];
	_ =	sdelay $0x3  }
0x37: {  	[smem:$0x3FB7] =	sst s10  }
0x38: {  	s10 =	sld [smem:$0x3FB8]  }
0x39: {  	_ = 	snop;
	(pc) =	sbr.ind lr, $3  }
0x3a: {  	_ = 	snop  }
0x3b: {  	_ = 	snop  }
0x3c: {  	p2 =	seq.s32 s10, $0x1;
	s10 =	sld [smem:$0x3FB7]  }
0x3d: {  	_ =	shalt  }
0x3e: {  	_ =	shalt  }
0x3f: {  	_ =	shalt  }
0x40: {  	_ =	shalt  }
0x41: {  	_ =	shalt  }
0x42: {  	_ =	shalt  }
0x43: {  	_ =	shalt  }
0x44: {  	_ =	shalt  }
0x45: {  	_ =	shalt  }
0x46: {  	_ =	shalt  }
0x47: {  	_ =	shalt  }
0x48: {  	_ =	shalt  }
0x49: {  	_ =	shalt  }
0x4a: {  	_ =	shalt  }
0x4b: {  	_ =	shalt  }
0x4c: {  	_ =	shalt  }
0x4d: {  	_ =	shalt  }
0x4e: {  	_ =	shalt  }
0x4f: {  	_ =	shalt  }
0x50: {  	_ =	shalt  }
0x51: {  	_ =	shalt  }
0x52: {  	_ =	shalt  }
0x53: {  	_ =	shalt  }
0x54: {  	_ =	shalt  }
0x55: {  	_ =	shalt  }
0x56: {  	_ =	shalt  }
0x57: {  	_ =	shalt  }
0x58: {  	_ =	shalt  }
0x59: {  	_ =	shalt  }
0x5a: {  	_ =	shalt  }
0x5b: {  	_ =	shalt  }
0x5c: {  	_ =	shalt  }
0x5d: {  	_ =	shalt  }
0x5e: {  	_ =	shalt  }
0x5f: {  	_ =	shalt  }
0x60: {  	_ =	shalt  }
0x61: {  	_ =	shalt  }
0x62: {  	_ =	shalt  }
0x63: {  	_ =	shalt  }
0x64: {  	_ =	shalt  }
0x65: {  	_ =	shalt  }
0x66: {  	_ =	shalt  }
0x67: {  	_ =	shalt  }
0x68: {  	_ =	shalt  }
0x69: {  	_ =	shalt  }
0x6a: {  	_ =	shalt  }
0x6b: {  	_ =	shalt  }
0x6c: {  	_ =	shalt  }
0x6d: {  	_ =	shalt  }
0x6e: {  	_ =	shalt  }
0x6f: {  	_ =	shalt  }
0x70: {  	_ =	shalt  }
0x71: {  	_ =	shalt  }
0x72: {  	_ =	shalt  }
0x73: {  	_ =	shalt  }
0x74: {  	_ =	shalt  }
0x75: {  	_ =	shalt  }
0x76: {  	_ =	shalt  }
0x77: {  	_ =	shalt  }
0x78: {  	_ =	shalt  }
0x79: {  	_ =	shalt  }
0x7a: {  	_ =	shalt  }
0x7b: {  	_ =	shalt  }
0x7c: {  	_ =	shalt  }
0x7d: {  	_ =	shalt  }
0x7e: {  	_ =	shalt  }
0x7f: {  	_ =	shalt  }
0x80: {  	_ =	shalt  }
0x81: {  	_ =	shalt  }
0x82: {  	_ =	shalt  }
0x83: {  	_ =	shalt  }
0x84: {  	_ =	shalt  }
0x85: {  	_ =	shalt  }
0x86: {  	_ =	shalt  }
0x87: {  	_ =	shalt  }
.Lfunc_end0:
.L_simem_size_0:
called_computation_lowered:
.L_overlay_start_0:
0x88: {  	s2 =	sld [smem:$0x3FD9]  }
0x89: {  	s3 =	sld [smem:$0x3FFE];
	_ =	sdelay $0x1  }
0x8a: {  	s1 =	srdreg.scid  }
0x8b: {  	s0 =	sand.u32 $0x1, s1  }
0x8c: {  	s17 =	sshll.u32 s0, $0xA;
	s2 =	sadd.s32 s3, s2  }
0x8d: {  	s2 =	sadd.s32 s2, s17  }
0x8e: {  	[smem:$0x3FC3] =	sst s2  }
0x8f: {  	_ = 	snop  }
0x90: {  	s2 =	sld [smem:$0x3FC7]  }
0x91: {  	s18 =	sld [smem:$0x3FD0];
	(tm) =	ssettm $0x1  }
0x92: {  	s4 =	sld [smem:$0x3FFB];
	_ =	sdelay $0x3  }
0x93: {  	_ =	strace s4  }
0x94: {  	s4 =	sld [smem:$0x3FFC];
	_ =	sdelay $0x3  }
0x95: {  	_ =	strace s4  }
0x96: {  	s4 =	sld [smem:$0x3FFD];
	_ =	sdelay $0x3  }
0x97: {  	_ =	strace s4  }
0x98: {  	_ =	strace $0x8FFFFFFF  }
0x99: {  	s19 =	sld [smem:$0x3FDB];
	_ =	sdelay $0x1  }
0x9a: {  	s5 =	simm.s32 $_scs_section_size  }
0x9b: {  	s6 =	simm.s32 $_size__tile_overlayer_lowered;
	s7 =	simm.s32 $_tile_overlayer_lowered  }
0x9c: {  	s22 =	simm.s32 $0x1BFF;
	s21 =	sshll.u32 s7, $0x1;
	s4 =	sadd.s32 s5, s19  }
0x9d: {  	s8 =	simm.s32 $0x0;
	s20 =	sshll.u32 s6, $0x1;
	s6 =	sadd.s32 s21, s4  }
0x9e: {  	[timem:s8], [sflag:s22] =	dma.local [hbm:s6], s20  }
0x9f: {  	_ =	swait.ge [sflag:s22], s20  }
0xa0: {  	s5 =	ssub.s32 $0x0, s20;
	[sflag:s22] =	ssyncset.done $0x0  }
0xa1: {  	[sflag:s22] =	ssyncadd.s32 s5;
	_ =	sdelay $0x1  }
0xa2: {  	s23 =	simm.s32 $0x1B8B  }
0xa3: {  	_ =	swait.ge [sflag:s23], $0x1  }
0xa4: {  	[sflag:s23] =	ssyncset.done $0x0  }
0xa5: {  	s25 =	simm.s32 $0x1B8E;
	s24 =	sld [smem:$0x3FFE];
	[sflag:s23] =	ssyncadd.s32 $0xFFFFFFFF  }
0xa6: {  	s26 =	simm.s32 $execute0_lowered;
	[smem:$0x3FD2] =	sst s25  }
0xa7: {  	s6 =	sshll.u32 s26, $0x1;
	_ =	strace $0x80000046;
	[dreg:$0x1] =	wrdreg $0xFFFFFFFF  }
0xa8: {  	s28 =	simm.s32 $_size_execute0_lowered;
	s4 =	sadd.s32 s4, s6;
	[dreg:$0x0] =	wrdreg $0x0  }
0xa9: {  	s6 =	sshll.u32 s28, $0x1;
	[dreg:$0x2] =	wrdreg s4  }
0xaa: {  	[dreg:$0x3] =	wrdreg s6  }
0xab: {  	[dreg:$0x4] =	wrdreg $0xC0  }
0xac: {  	_ =	task [dreg:s8], $0x5FFFF  }
0xad: {  	[dreg:$0x1] =	wrdreg $0xFFFFFFFF  }
0xae: {  	[dreg:$0x0] =	wrdreg $0x60  }
0xaf: {  	[dreg:$0x2] =	wrdreg s24  }
0xb0: {  	[dreg:$0x3] =	wrdreg s2  }
0xb1: {  	[dreg:$0x4] =	wrdreg s18  }
0xb2: {  	[dreg:$0x5] =	wrdreg $0x0  }
0xb3: {  	[dreg:$0x6] =	wrdreg $0x9  }
0xb4: {  	_ =	task.clear_ibuf [dreg:s8], $0x7FFFF;
	_ =	strace $0x90000046  }
0xb5: {  	s29 =	simm.s32 $0x9;
	_ =	strace $0x80000048  }
0xb6: {  	_ =	swait.ge [sflag:s29], $0x1  }
0xb7: {  	[sflag:s29] =	ssyncadd.s32 $0xFFFFFFFF  }
0xb8: {  	_ =	strace $0x90000048  }
0xb9: {  	_ =	sfence  }
0xba: {  	s30 =	sld [smem:$0x0];
	_ =	sdelay $0x2  }
0xbb: {  	s31 =	sshll.u32 s1, $0xD;
	s1 =	sshrl.u32 s1, $0x2  }
0xbc: {  	s3 =	sand.u32 $0x4000, s31;
	s1 =	sadd.s32 s1, s30  }
0xbd: {  	s0 =	sor.u32 s3, s0;
	s1 =	sshll.u32 s1, $0x11  }
0xbe: {  	s0 =	sor.u32 s1, s0  }
0xbf: {  	s0 =	sadd.s32 $0x8F2B, s0  }
0xc0: {  	[sflag:s0] =	ssyncadd.remote.s32 $0x1  }
0xc1: {  	_ =	sfence.sel $0xFFFF  }
0xc2: {  	[dreg:$0x0] =	wrdreg $0xFFFFFFFF;
	(pc) =	sbr.abs _section_cstart, $3  }
0xc3: {  	[dreg:$0x1] =	wrdreg $0xFFFFFFFF  }
0xc4: {  	_ =	task.clear_ibuf [dreg:s8], $0x2FFFF;
	_ =	strace $0x9FFFFFFF  }
0xc5: {  	(tm) =	ssettm $0x7FFFFFFF  }
tec
execute0_lowered:
.L_overlay_start_1:
0x0: {  	(tag) =	ssettag $0x1  }
0x1: {  	s0 =	rddreg [dreg:$0x0]  }
0x2: {  	s1 =	rddreg [dreg:$0x1]  }
0x3: {  	s4 =	rddreg [dreg:$0x2]  }
0x4: {  	s2 =	rddreg [dreg:$0x3]  }
0x5: {  	s5 =	srdreg.scid;
	s12 =	stileid.u32  }
0x6: {  	s3 =	simm.s32 $0x0;
	s28 =	simm.s32 $0x16880;
	s29 =	simm.s32 $0x2  }
0x7: {  	s30 =	simm.s32 $0x13A00;
	s31 =	simm.s32 $0x13A00;
	s6 =	smul.u32 $0x2710, s12  }
0x8: {  	s5 =	sand.u32 $0x1, s5;
	[smem:$0x7FF] =	sst s3;
	s9 =	sadd.s32 $0xA00, s0  }
0x9: {  	s7 =	ssub.s32 $0x2, s5;
	_ =	strace $0x80000047;
	s6 =	sshrl.u32 s6, $0x3  }
0xa: {  	s8 =	sshrl.u32 s7, $0x1;
	s24 =	sadd.s32 $0xA, s6;
	s23 =	sadd.s32 s1, s6  }
0xb: {  	s7 =	ssub.s32 s7, s8;
	s10 =	sadd.s32 s9, s24;
	[dreg:$0x16] =	wrdreg s23  }
0xc: {  	s25 =	sadd.s32 $0x14, s6;
	s8 =	sadd.s32 s1, s24;
	[dreg:$0x7] =	wrdreg s10  }
0xd: {  	s11 =	sadd.s32 $0x1E, s6;
	s26 =	sadd.s32 s9, s25;
	[dreg:$0x8] =	wrdreg s8  }
0xe: {  	s14 =	sadd.s32 $0x4B0, s6;
	s13 =	sadd.s32 s9, s11;
	[dreg:$0x9] =	wrdreg s26  }
0xf: {  	s16 =	sadd.s32 $0x4BA, s6;
	s15 =	sadd.s32 s9, s14;
	[dreg:$0xb] =	wrdreg s13  }
0x10: {  	s18 =	sadd.s32 $0x4C4, s6;
	s17 =	sadd.s32 s9, s16;
	[dreg:$0xd] =	wrdreg s15  }
0x11: {  	s21 =	sadd.s32 $0x4CE, s6;
	s19 =	sadd.s32 s9, s18;
	[dreg:$0xf] =	wrdreg s17  }
0x12: {  	s22 =	sadd.s32 s9, s21;
	s24 =	smul.u32 $0x27100, s5;
	[dreg:$0x11] =	wrdreg s19  }
0x13: {  	s23 =	sadd.s32 $0xA800, s0;
	s8 =	sadd.s32 s1, s25;
	[dreg:$0x13] =	wrdreg s22  }
0x14: {  	s10 =	sadd.s32 s1, s16;
	s13 =	sadd.s32 s9, s6;
	[dreg:$0xa] =	wrdreg s8  }
0x15: {  	s6 =	sadd.s32 $0x4D8, s6;
	s15 =	smax.u32 s7, $0x1;
	[dreg:$0x10] =	wrdreg s10  }
0x16: {  	s26 =	smul.u32 $0x500, s12;
	s7 =	simm.s32 $0x14080;
	[dreg:$0x1a] =	wrdreg s15  }
0x17: {  	s8 =	sadd.s32 s1, s11;
	s11 =	smul.u32 $0x4E2, s12;
	[dreg:$0x15] =	wrdreg s13  }
0x18: {  	s10 =	smul.u32 $0xA000, s12;
	s17 =	sadd.s32 $0x4E20, s13;
	[dreg:$0xc] =	wrdreg s8  }
0x19: {  	s19 =	sadd.s32 $0x4E34, s13;
	s22 =	sadd.s32 $0x52DA, s13;
	[dreg:$0x1d] =	wrdreg s17  }
0x1a: {  	s15 =	simm.s32 $0x1;
	s8 =	sadd.s32 s1, s14;
	[dreg:$0x1f] =	wrdreg s19  }
0x1b: {  	[smem:$0x7FA] =	sst s22;
	s19 =	simm.s32 $0x13B00;
	s14 =	simm.s32 $0x13D00  }
0x1c: {  	s17 =	simm.s32 $0x13E80;
	[dreg:$0xe] =	wrdreg s8;
	s8 =	sadd.s32 s1, s18  }
0x1d: {  	s22 =	simm.s32 $0x0;
	s20 =	sadd.s32 s11, s1;
	[dreg:$0x12] =	wrdreg s8  }
0x1e: {  	s25 =	sadd.s32 s11, s9;
	s9 =	sadd.s32 s9, s6;
	[dreg:$0x5] =	wrdreg s20  }
0x1f: {  	s16 =	sshrl.u32 s10, $0x2;
	s18 =	sadd.s32 $0x4E2A, s13;
	[dreg:$0x17] =	wrdreg s9  }
0x20: {  	s10 =	simm.s32 $0x13A80;
	s8 =	sadd.s32 s1, s21;
	[dreg:$0x6] =	wrdreg s25  }
0x21: {  	s1 =	sadd.s32 s1, s6;
	s9 =	ssub.s32 $0x7C, s12;
	[dreg:$0x1e] =	wrdreg s18  }
0x22: {  	s12 =	smul.u32 $0x15F90, s5;
	s20 =	sadd.s32 $0x4E3E, s13;
	[dreg:$0x14] =	wrdreg s8  }
0x23: {  	s21 =	sadd.s32 $0x52D0, s13;
	s25 =	sadd.s32 $0x52EE, s13;
	[dreg:$0x18] =	wrdreg s1  }
0x24: {  	s5 =	simm.s32 $0x13F80;
	s6 =	simm.s32 $0x1B880;
	[smem:$0x7F8] =	sst s20  }
0x25: {  	s18 =	simm.s32 $0x4;
	s8 =	sadd.s32 s24, s4;
	[smem:$0x7F9] =	sst s21  }
0x26: {  	s11 =	sshrl.u32 s9, $0x4;
	s24 =	sadd.s32 $0x52E4, s13;
	[smem:$0x7FC] =	sst s25  }
0x27: {  	s9 =	simm.s32 $0x13880;
	s20 =	simm.s32 $0x13980;
	s21 =	simm.s32 $0x13D80  }
0x28: {  	s4 =	simm.s32 $0x19080;
	s1 =	sadd.s32 s26, s8;
	s0 =	sadd.s32 $0x1, s11  }
0x29: {  	[smem:$0x7FB] =	sst s24;
	s26 =	sadd.s32 $0x52F8, s13;
	s8 =	simm.s32 $0x3  }
0x2a: {  	s11 =	simm.s32 $0x13C80;
	s13 =	simm.s32 $0x13900;
	[dreg:$0x19] =	wrdreg s1  }
0x2b: {  	s24 =	simm.s32 $0x13B80;
	[dreg:$0x1b] =	wrdreg s0;
	s0 =	sadd.s32 s16, s2  }
0x2c: {  	[smem:$0x7FD] =	sst s26;
	s16 =	simm.s32 $0x50;
	s26 =	simm.s32 $0x13F00  }
0x2d: {  	v1 =	vimm.f32 $0.0e+00;
	v0 =	vmov s12;
	s1 =	simm.s32 $0x13C00;
	[dreg:$0x1c] =	wrdreg s0;
	s0 =	simm.s32 $0x13E00  }
.LBB2_1:
0x2e: {  	[smem:$0x7F7] =	sst s22;
	s22 =	simm.s32 $0x70;
	s25 =	simm.s32 $0x3C0  }
.LBB2_2:
0x2f: {  	p0 =	sne.s32 s25, $0x9FC0;
	[tilespmem:s22+$0x14080] =	vst v1  }
0x30: {  	[tilespmem:s22+$0x14010] =	vst v1  }
0x31: {  	[tilespmem:s22+$0x14020] =	vst v1  }
.Ltmp0:
0x32: {  	[tilespmem:s22+$0x14030] =	vst v1;
	(pc) =	sbr.rel @p0 .LBB2_2-.Ltmp0, $4  }
0x33: {  	[tilespmem:s22+$0x14040] =	vst v1  }
0x34: {  	[tilespmem:s22+$0x14050] =	vst v1  }
0x35: {  	[tilespmem:s22+$0x14060] =	vst v1  }
0x36: {  	[tilespmem:s22+$0x14070] =	vst v1;
	s22 =	sshra.s32 s25, $0x2;
	s25 =	sadd.s32 $0x200, s25  }
0x37: {  	[tilespmem:s22+$0x14080] =	vst v1  }
0x38: {  	[tilespmem:s22+$0x14010] =	vst v1  }
0x39: {  	[tilespmem:s22+$0x14020] =	vst v1  }
0x3a: {  	[tilespmem:s22+$0x14030] =	vst v1;
	s12 =	rddreg [dreg:$0x1b]  }
0x3b: {  	[tilespmem:s22+$0x14040] =	vst v1;
	p0 =	sne.s32 s12, $0x1  }
.Ltmp1:
0x3c: {  	[tilespmem:s22+$0x14050] =	vst v1;
	(pc) =	sbr.rel @!p0 .LBB2_5-.Ltmp1, $4  }
0x3d: {  	[tilespmem:s22+$0x14060] =	vst v1  }
0x3e: {  	[tilespmem:s22+$0x14070] =	vst v1;
	s25 =	rddreg [dreg:$0x1c]  }
0x3f: {  	[spmem:s25] =	stream.linear.scatter [tilespmem:s7], [sflag:$0x3], $0x2800, $0x38;
	[tilespmem:$0x1E080] =	vst v63  }
0x40: {  	s22 =	sadd.s32 $0xFFFFFFFF, s12  }
.LBB2_4:
0x41: {  	p1 =	sne.s32 s22, $0x1  }
.Ltmp2:
0x42: {  	_ = 	snop;
	(pc) =	sbr.rel @p1 .LBB2_4-.Ltmp2, $3  }
0x43: {  	_ = 	snop  }
0x44: {  	s22 =	sadd.s32 $0xFFFFFFFF, s22;
	s25 =	sadd.s32 $0x28000, s25;
	_ =	sdelay $0x1  }
0x45: {  	[spmem:s25] =	stream.linear.scatter [tilespmem:s7], [sflag:$0x3], $0x2800, $0x38;
	[tilespmem:$0x1E080] =	vst v63  }
.LBB2_5:
.Ltmp3:
0x46: {  	(pc) =	sbr.rel @!p0 .LBB2_7-.Ltmp3, $4  }
0x47: {  	_ = 	snop  }
0x48: {  	_ =	swait.ge [sflag:s8], $0x2800  }
0x49: {  	s12 =	rddreg [dreg:$0x1b]  }
0x4a: {  	[sflag:s8] =	ssyncset.done $0x0;
	s22 =	sadd.s32 $0xFFFFFFFF, s12  }
.LBB2_6:
0x4b: {  	p1 =	sne.s32 s22, $0x1;
	s22 =	sadd.s32 $0xFFFFFFFF, s22;
	[sflag:s8] =	ssyncadd.s32 $0xFFFFD800  }
.Ltmp4:
0x4c: {  	(pc) =	sbr.rel @p1 .LBB2_6-.Ltmp4, $3  }
0x4d: {  	_ =	sdelay $0x1  }
0x4e: {  	_ =	swait.ge [sflag:s8], $0x2800  }
0x4f: {  	[sflag:s8] =	ssyncset.done $0x0  }
.LBB2_7:
0x50: {  	[sflag:s8] =	ssyncadd.s32 $0xFFFFD800  }
0x51: {  	[bflag:$0x0] =	sbarrier.arrive $0xFFFF  }
0x52: {  	s25 =	simm.s32 $0x0;
	s12 =	rddreg [dreg:$0x15]  }
0x53: {  	[tilespmem:s9], [sflag:$0x1] =	stream.linear.gather [hbm4b:s12+s25], $0x50, $0x38;
	[tilespmem:$0x1E080] =	vst v63  }
0x54: {  	s9 =	rddreg [dreg:$0x16]  }
0x55: {  	[tilespmem:s10], [sflag:$0x1] =	stream.linear.gather [hbm4b:s9+s25], $0x50, $0x38;
	[tilespmem:$0x1E080] =	vst v63  }
0x56: {  	s22 =	rddreg [dreg:$0x1d]  }
0x57: {  	[tilespmem:s11], [sflag:$0x1] =	stream.linear.gather [hbm4b:s22+s25], $0x50, $0x38;
	[tilespmem:$0x1E080] =	vst v63  }
0x58: {  	s9 =	rddreg [dreg:$0x7]  }
0x59: {  	[tilespmem:s13], [sflag:$0x1] =	stream.linear.gather [hbm4b:s9+s25], $0x50, $0x38;
	[tilespmem:$0x1E080] =	vst v63  }
0x5a: {  	s10 =	rddreg [dreg:$0x8]  }
0x5b: {  	[tilespmem:s19], [sflag:$0x1] =	stream.linear.gather [hbm4b:s10+s25], $0x50, $0x38;
	[tilespmem:$0x1E080] =	vst v63  }
0x5c: {  	s13 =	rddreg [dreg:$0x1e]  }
0x5d: {  	[tilespmem:s14], [sflag:$0x1] =	stream.linear.gather [hbm4b:s13+s25], $0x50, $0x38;
	[tilespmem:$0x1E080] =	vst v63  }
0x5e: {  	_ =	swait.ge [sflag:s15], $0x50  }
0x5f: {  	[sflag:s15] =	ssyncset.done $0x0  }
0x60: {  	[sflag:s15] =	ssyncadd.s32 $0xFFFFFFB0  }
0x61: {  	_ =	swait.ge [sflag:s15], $0x50  }
0x62: {  	[sflag:s15] =	ssyncset.done $0x0  }
0x63: {  	[sflag:s15] =	ssyncadd.s32 $0xFFFFFFB0  }
0x64: {  	_ =	swait.ge [sflag:s15], $0x50  }
0x65: {  	[sflag:s15] =	ssyncset.done $0x0  }
0x66: {  	[sflag:s15] =	ssyncadd.s32 $0xFFFFFFB0  }
0x67: {  	v2 =	vld [tilespmem:$0x13A80]  }
0x68: {  	v3 =	vld [tilespmem:$0x13880]  }
0x69: {  	v4 =	vld [tilespmem:$0x13A90]  }
0x6a: {  	v5 =	vld [tilespmem:$0x13890]  }
0x6b: {  	v6 =	vld [tilespmem:$0x13AA0]  }
0x6c: {  	v7 =	vld [tilespmem:$0x138A0]  }
0x6d: {  	v8 =	vld [tilespmem:$0x13AB0]  }
0x6e: {  	v9 =	vld [tilespmem:$0x138B0]  }
0x6f: {  	v10 =	vld [tilespmem:$0x13AC0]  }
0x70: {  	v11 =	vld [tilespmem:$0x138C0];
	v2 =	vmul.u32 $0x2710, v2  }
0x71: {  	v3 =	vadd.s32 v0, v3;
	v4 =	vmul.u32 $0x2710, v4  }
0x72: {  	v39 =	vmul.u32 $0x2710, v6;
	v2 =	vadd.s32 v2, v3;
	v3 =	vadd.s32 v0, v5  }
0x73: {  	v40 =	vmul.u32 $0x2710, v8;
	[tilespmem:$0x13E80] =	vst v2;
	v2 =	vadd.s32 v4, v3;
	v3 =	vadd.s32 v0, v7  }
0x74: {  	v41 =	vmul.u32 $0x2710, v10;
	[tilespmem:$0x13E90] =	vst v2;
	v2 =	vadd.s32 v39, v3;
	v3 =	vadd.s32 v0, v9  }
0x75: {  	[tilespmem:$0x13EA0] =	vst v2;
	v2 =	vadd.s32 v40, v3;
	v3 =	vadd.s32 v0, v11  }
0x76: {  	[tilespmem:$0x13EB0] =	vst v2;
	v2 =	vadd.s32 v41, v3  }
0x77: {  	[tilespmem:$0x13EC0] =	vst v2  }
0x78: {  	[tilespmem:s7], [sflag:$0x2] =	stream.indirect.gather [hbm4b:s23+s16], $0x80, s17, s16, $0xb8;
	[tilespmem:$0x1E080] =	vst v63  }
0x79: {  	s17 =	rddreg [dreg:$0x9]  }
0x7a: {  	[tilespmem:s20], [sflag:$0x1] =	stream.linear.gather [hbm4b:s17+s25], $0x50, $0x38;
	[tilespmem:$0x1E080] =	vst v63  }
0x7b: {  	s19 =	rddreg [dreg:$0xa]  }
0x7c: {  	[tilespmem:s24], [sflag:$0x1] =	stream.linear.gather [hbm4b:s19+s25], $0x50, $0x38;
	[tilespmem:$0x1E080] =	vst v63  }
0x7d: {  	s20 =	rddreg [dreg:$0x1f]  }
0x7e: {  	[tilespmem:s21], [sflag:$0x1] =	stream.linear.gather [hbm4b:s20+s25], $0x50, $0x38;
	[tilespmem:$0x1E080] =	vst v63  }
0x7f: {  	_ =	swait.ge [sflag:s15], $0x50  }
0x80: {  	[sflag:s15] =	ssyncset.done $0x0  }
0x81: {  	[sflag:s15] =	ssyncadd.s32 $0xFFFFFFB0  }
0x82: {  	_ =	swait.ge [sflag:s15], $0x50  }
0x83: {  	[sflag:s15] =	ssyncset.done $0x0  }
0x84: {  	[sflag:s15] =	ssyncadd.s32 $0xFFFFFFB0  }
0x85: {  	_ =	swait.ge [sflag:s15], $0x50  }
0x86: {  	[sflag:s15] =	ssyncset.done $0x0  }
0x87: {  	[sflag:s15] =	ssyncadd.s32 $0xFFFFFFB0  }
0x88: {  	v2 =	vld [tilespmem:$0x13B00]  }
0x89: {  	v3 =	vld [tilespmem:$0x13900]  }
0x8a: {  	v42 =	vld [tilespmem:$0x13B10]  }
0x8b: {  	v43 =	vld [tilespmem:$0x13910]  }
0x8c: {  	v44 =	vld [tilespmem:$0x13B20]  }
0x8d: {  	v45 =	vld [tilespmem:$0x13920]  }
0x8e: {  	v46 =	vld [tilespmem:$0x13B30]  }
0x8f: {  	v47 =	vld [tilespmem:$0x13930]  }
0x90: {  	v48 =	vld [tilespmem:$0x13B40]  }
0x91: {  	v49 =	vld [tilespmem:$0x13940];
	v2 =	vmul.u32 $0x2710, v2  }
0x92: {  	v3 =	vadd.s32 v0, v3;
	v4 =	vmul.u32 $0x2710, v42  }
0x93: {  	v50 =	vmul.u32 $0x2710, v44;
	v2 =	vadd.s32 v2, v3;
	v3 =	vadd.s32 v0, v43  }
0x94: {  	v51 =	vmul.u32 $0x2710, v46;
	[tilespmem:$0x13F00] =	vst v2;
	v2 =	vadd.s32 v4, v3;
	v3 =	vadd.s32 v0, v45  }
0x95: {  	v52 =	vmul.u32 $0x2710, v48;
	[tilespmem:$0x13F10] =	vst v2;
	v2 =	vadd.s32 v50, v3;
	v3 =	vadd.s32 v0, v47  }
0x96: {  	[tilespmem:$0x13F20] =	vst v2;
	v2 =	vadd.s32 v51, v3;
	v3 =	vadd.s32 v0, v49  }
0x97: {  	[tilespmem:$0x13F30] =	vst v2;
	v2 =	vadd.s32 v52, v3  }
0x98: {  	[tilespmem:$0x13F40] =	vst v2  }
0x99: {  	[tilespmem:s28], [sflag:$0x2] =	stream.indirect.gather [hbm4b:s23+s16], $0x80, s26, s16, $0xb8;
	[tilespmem:$0x1E080] =	vst v63  }
0x9a: {  	_ =	swait.ge [sflag:s29], $0x2800  }
0x9b: {  	[sflag:s29] =	ssyncset.done $0x0  }
0x9c: {  	s22 =	rddreg [dreg:$0xb];
	[sflag:s29] =	ssyncadd.s32 $0xFFFFD800  }
0x9d: {  	[spmem:s2] =	stream.indirect.scatter.add.f32 [tilespmem:s7], [sflag:$0x3], $0x80, s11, s16, $0xb8;
	[tilespmem:$0x1E080] =	vst v63  }
0x9e: {  	s24 =	rddreg [dreg:$0xc]  }
0x9f: {  	[tilespmem:s30], [sflag:$0x1] =	stream.linear.gather [hbm4b:s22+s25], $0x50, $0x38;
	[tilespmem:$0x1E080] =	vst v63  }
0xa0: {  	s26 =	sld [smem:$0x7F8]  }
0xa1: {  	[tilespmem:s1], [sflag:$0x1] =	stream.linear.gather [hbm4b:s24+s25], $0x50, $0x38;
	[tilespmem:$0x1E080] =	vst v63  }
0xa2: {  	_ = 	snop  }
0xa3: {  	[tilespmem:s0], [sflag:$0x1] =	stream.linear.gather [hbm4b:s26+s25], $0x50, $0x38;
	[tilespmem:$0x1E080] =	vst v63  }
0xa4: {  	_ =	swait.ge [sflag:s15], $0x50  }
0xa5: {  	[sflag:s15] =	ssyncset.done $0x0  }
0xa6: {  	[sflag:s15] =	ssyncadd.s32 $0xFFFFFFB0  }
0xa7: {  	_ =	swait.ge [sflag:s15], $0x50  }
0xa8: {  	[sflag:s15] =	ssyncset.done $0x0  }
0xa9: {  	[sflag:s15] =	ssyncadd.s32 $0xFFFFFFB0  }
0xaa: {  	_ =	swait.ge [sflag:s15], $0x50  }
0xab: {  	[sflag:s15] =	ssyncset.done $0x0  }
0xac: {  	[sflag:s15] =	ssyncadd.s32 $0xFFFFFFB0  }
0xad: {  	v2 =	vld [tilespmem:$0x13B80]  }
0xae: {  	v3 =	vld [tilespmem:$0x13980]  }
0xaf: {  	v53 =	vld [tilespmem:$0x13B90]  }
0xb0: {  	v54 =	vld [tilespmem:$0x13990]  }
0xb1: {  	v55 =	vld [tilespmem:$0x13BA0]  }
0xb2: {  	v56 =	vld [tilespmem:$0x139A0]  }
0xb3: {  	v57 =	vld [tilespmem:$0x13BB0]  }
0xb4: {  	v58 =	vld [tilespmem:$0x139B0]  }
0xb5: {  	v59 =	vld [tilespmem:$0x13BC0]  }
0xb6: {  	v60 =	vld [tilespmem:$0x139C0];
	v2 =	vmul.u32 $0x2710, v2  }
0xb7: {  	v3 =	vadd.s32 v0, v3;
	v4 =	vmul.u32 $0x2710, v53  }
0xb8: {  	v61 =	vmul.u32 $0x2710, v55;
	v2 =	vadd.s32 v2, v3;
	v3 =	vadd.s32 v0, v54  }
0xb9: {  	v62 =	vmul.u32 $0x2710, v57;
	[tilespmem:$0x13F80] =	vst v2;
	v2 =	vadd.s32 v4, v3;
	v3 =	vadd.s32 v0, v56  }
0xba: {  	v63 =	vmul.u32 $0x2710, v59;
	[tilespmem:$0x13F90] =	vst v2;
	v2 =	vadd.s32 v61, v3;
	v3 =	vadd.s32 v0, v58  }
0xbb: {  	[tilespmem:$0x13FA0] =	vst v2;
	v2 =	vadd.s32 v62, v3;
	v3 =	vadd.s32 v0, v60  }
0xbc: {  	s9 =	simm.s32 $0x13E80;
	[tilespmem:$0x13FB0] =	vst v2;
	v2 =	vadd.s32 v63, v3  }
0xbd: {  	s10 =	simm.s32 $0x13880;
	s13 =	simm.s32 $0x13900;
	s17 =	simm.s32 $0x13A80;
	[tilespmem:$0x13FC0] =	vst v2  }
0xbe: {  	[tilespmem:s4], [sflag:$0x2] =	stream.indirect.gather [hbm4b:s23+s16], $0x80, s5, s16, $0xb8;
	[tilespmem:$0x1E080] =	vst v63  }
0xbf: {  	s19 =	simm.s32 $0x13B00;
	s20 =	simm.s32 $0x13980;
	_ =	swait.ge [sflag:s29], $0x2800  }
0xc0: {  	s30 =	simm.s32 $0x13F00;
	s24 =	simm.s32 $0x13B80;
	[sflag:s29] =	ssyncset.done $0x0  }
0xc1: {  	s1 =	simm.s32 $0x13C00;
	s5 =	simm.s32 $0x14000;
	[sflag:s29] =	ssyncadd.s32 $0xFFFFD800  }
0xc2: {  	[spmem:s2] =	stream.indirect.scatter.add.f32 [tilespmem:s28], [sflag:$0x3], $0x80, s14, s16, $0xb8;
	[tilespmem:$0x1E080] =	vst v63  }
.LBB2_8:
0xc3: {  	_ =	swait.ge [sflag:s8], $0x2800  }
0xc4: {  	s22 =	rddreg [dreg:$0x6]  }
0xc5: {  	[sflag:s8] =	ssyncset.done $0x0;
	s26 =	sadd.s32 s25, s22;
	s22 =	rddreg [dreg:$0x5]  }
0xc6: {  	[sflag:s8] =	ssyncadd.s32 $0xFFFFD800;
	s12 =	sadd.s32 $0x28, s26;
	s22 =	sadd.s32 s25, s22  }
0xc7: {  	[tilespmem:s10], [sflag:$0x1] =	stream.linear.gather [hbm4b:s12+s3], $0x50, $0x38;
	[tilespmem:$0x1E080] =	vst v63  }
0xc8: {  	s12 =	sadd.s32 $0x28, s22  }
0xc9: {  	[tilespmem:s17], [sflag:$0x1] =	stream.linear.gather [hbm4b:s12+s3], $0x50, $0x38;
	[tilespmem:$0x1E080] =	vst v63  }
0xca: {  	s12 =	sadd.s32 $0x4E48, s26  }
0xcb: {  	[tilespmem:s11], [sflag:$0x1] =	stream.linear.gather [hbm4b:s12+s3], $0x50, $0x38;
	[tilespmem:$0x1E080] =	vst v63  }
0xcc: {  	_ =	swait.ge [sflag:s15], $0x50  }
0xcd: {  	[sflag:s15] =	ssyncset.done $0x0  }
0xce: {  	[sflag:s15] =	ssyncadd.s32 $0xFFFFFFB0  }
0xcf: {  	_ =	swait.ge [sflag:s15], $0x50  }
0xd0: {  	[sflag:s15] =	ssyncset.done $0x0  }
0xd1: {  	[sflag:s15] =	ssyncadd.s32 $0xFFFFFFB0  }
0xd2: {  	_ =	swait.ge [sflag:s15], $0x50  }
0xd3: {  	[sflag:s15] =	ssyncset.done $0x0  }
0xd4: {  	[sflag:s15] =	ssyncadd.s32 $0xFFFFFFB0  }
0xd5: {  	v2 =	vld [tilespmem:$0x13C00]  }
0xd6: {  	v3 =	vld [tilespmem:$0x13A00]  }
0xd7: {  	v4 =	vld [tilespmem:$0x13C10]  }
0xd8: {  	v5 =	vld [tilespmem:$0x13A10]  }
0xd9: {  	v6 =	vld [tilespmem:$0x13C20]  }
0xda: {  	v7 =	vld [tilespmem:$0x13A20]  }
0xdb: {  	v8 =	vld [tilespmem:$0x13C30]  }
0xdc: {  	v9 =	vld [tilespmem:$0x13A30]  }
0xdd: {  	v10 =	vld [tilespmem:$0x13C40]  }
0xde: {  	v11 =	vld [tilespmem:$0x13A40];
	v2 =	vmul.u32 $0x2710, v2  }
0xdf: {  	v3 =	vadd.s32 v0, v3;
	v4 =	vmul.u32 $0x2710, v4  }
0xe0: {  	v28 =	vmul.u32 $0x2710, v6;
	v2 =	vadd.s32 v2, v3;
	v3 =	vadd.s32 v0, v5  }
0xe1: {  	v29 =	vmul.u32 $0x2710, v8;
	[tilespmem:$0x14000] =	vst v2;
	v2 =	vadd.s32 v4, v3;
	v3 =	vadd.s32 v0, v7  }
0xe2: {  	v30 =	vmul.u32 $0x2710, v10;
	[tilespmem:$0x14010] =	vst v2;
	v2 =	vadd.s32 v28, v3;
	v3 =	vadd.s32 v0, v9  }
0xe3: {  	[tilespmem:$0x14020] =	vst v2;
	v2 =	vadd.s32 v29, v3;
	v3 =	vadd.s32 v0, v11  }
0xe4: {  	[tilespmem:$0x14030] =	vst v2;
	v2 =	vadd.s32 v30, v3  }
0xe5: {  	[tilespmem:$0x14040] =	vst v2  }
0xe6: {  	[tilespmem:s6], [sflag:$0x2] =	stream.indirect.gather [hbm4b:s23+s16], $0x80, s5, s16, $0xb8;
	[tilespmem:$0x1E080] =	vst v63  }
0xe7: {  	_ =	swait.ge [sflag:s29], $0x2800  }
0xe8: {  	[sflag:s29] =	ssyncset.done $0x0  }
0xe9: {  	[sflag:s29] =	ssyncadd.s32 $0xFFFFD800  }
0xea: {  	[spmem:s2] =	stream.indirect.scatter.add.f32 [tilespmem:s4], [sflag:$0x3], $0x80, s21, s16, $0xb8;
	[tilespmem:$0x1E080] =	vst v63  }
0xeb: {  	_ =	swait.ge [sflag:s8], $0x2800  }
0xec: {  	[sflag:s8] =	ssyncset.done $0x0  }
0xed: {  	s12 =	sadd.s32 $0x32, s26;
	[sflag:s8] =	ssyncadd.s32 $0xFFFFD800  }
0xee: {  	[tilespmem:s13], [sflag:$0x1] =	stream.linear.gather [hbm4b:s12+s3], $0x50, $0x38;
	[tilespmem:$0x1E080] =	vst v63  }
0xef: {  	s12 =	sadd.s32 $0x32, s22  }
0xf0: {  	[tilespmem:s19], [sflag:$0x1] =	stream.linear.gather [hbm4b:s12+s3], $0x50, $0x38;
	[tilespmem:$0x1E080] =	vst v63  }
0xf1: {  	s12 =	sadd.s32 $0x4E52, s26  }
0xf2: {  	[tilespmem:s14], [sflag:$0x1] =	stream.linear.gather [hbm4b:s12+s3], $0x50, $0x38;
	[tilespmem:$0x1E080] =	vst v63  }
0xf3: {  	_ =	swait.ge [sflag:s15], $0x50  }
0xf4: {  	[sflag:s15] =	ssyncset.done $0x0  }
0xf5: {  	[sflag:s15] =	ssyncadd.s32 $0xFFFFFFB0  }
0xf6: {  	_ =	swait.ge [sflag:s15], $0x50  }
0xf7: {  	[sflag:s15] =	ssyncset.done $0x0  }
0xf8: {  	[sflag:s15] =	ssyncadd.s32 $0xFFFFFFB0  }
0xf9: {  	_ =	swait.ge [sflag:s15], $0x50  }
0xfa: {  	[sflag:s15] =	ssyncset.done $0x0  }
0xfb: {  	[sflag:s15] =	ssyncadd.s32 $0xFFFFFFB0  }
0xfc: {  	v2 =	vld [tilespmem:$0x13A80]  }
0xfd: {  	v3 =	vld [tilespmem:$0x13880]  }
0xfe: {  	v31 =	vld [tilespmem:$0x13A90]  }
0xff: {  	v32 =	vld [tilespmem:$0x13890]  }
0x100: {  	v33 =	vld [tilespmem:$0x13AA0]  }
0x101: {  	v34 =	vld [tilespmem:$0x138A0]  }
0x102: {  	v35 =	vld [tilespmem:$0x13AB0]  }
0x103: {  	v36 =	vld [tilespmem:$0x138B0]  }
0x104: {  	v37 =	vld [tilespmem:$0x13AC0]  }
0x105: {  	v38 =	vld [tilespmem:$0x138C0];
	v2 =	vmul.u32 $0x2710, v2  }
0x106: {  	v3 =	vadd.s32 v0, v3;
	v4 =	vmul.u32 $0x2710, v31  }
0x107: {  	v39 =	vmul.u32 $0x2710, v33;
	v2 =	vadd.s32 v2, v3;
	v3 =	vadd.s32 v0, v32  }
0x108: {  	v40 =	vmul.u32 $0x2710, v35;
	[tilespmem:$0x13E80] =	vst v2;
	v2 =	vadd.s32 v4, v3;
	v3 =	vadd.s32 v0, v34  }
0x109: {  	v41 =	vmul.u32 $0x2710, v37;
	[tilespmem:$0x13E90] =	vst v2;
	v2 =	vadd.s32 v39, v3;
	v3 =	vadd.s32 v0, v36  }
0x10a: {  	[tilespmem:$0x13EA0] =	vst v2;
	v2 =	vadd.s32 v40, v3;
	v3 =	vadd.s32 v0, v38  }
0x10b: {  	[tilespmem:$0x13EB0] =	vst v2;
	v2 =	vadd.s32 v41, v3  }
0x10c: {  	[tilespmem:$0x13EC0] =	vst v2  }
0x10d: {  	[tilespmem:s7], [sflag:$0x2] =	stream.indirect.gather [hbm4b:s23+s16], $0x80, s9, s16, $0xb8;
	[tilespmem:$0x1E080] =	vst v63  }
0x10e: {  	_ =	swait.ge [sflag:s29], $0x2800  }
0x10f: {  	[sflag:s29] =	ssyncset.done $0x0  }
0x110: {  	[sflag:s29] =	ssyncadd.s32 $0xFFFFD800  }
0x111: {  	[spmem:s2] =	stream.indirect.scatter.add.f32 [tilespmem:s6], [sflag:$0x3], $0x80, s0, s16, $0xb8;
	[tilespmem:$0x1E080] =	vst v63  }
0x112: {  	_ =	swait.ge [sflag:s8], $0x2800  }
0x113: {  	[sflag:s8] =	ssyncset.done $0x0  }
0x114: {  	s12 =	sadd.s32 $0x3C, s26;
	[sflag:s8] =	ssyncadd.s32 $0xFFFFD800  }
0x115: {  	[tilespmem:s20], [sflag:$0x1] =	stream.linear.gather [hbm4b:s12+s3], $0x50, $0x38;
	[tilespmem:$0x1E080] =	vst v63  }
0x116: {  	s12 =	sadd.s32 $0x3C, s22  }
0x117: {  	[tilespmem:s24], [sflag:$0x1] =	stream.linear.gather [hbm4b:s12+s3], $0x50, $0x38;
	[tilespmem:$0x1E080] =	vst v63  }
0x118: {  	s12 =	sadd.s32 $0x4E5C, s26  }
0x119: {  	[tilespmem:s21], [sflag:$0x1] =	stream.linear.gather [hbm4b:s12+s3], $0x50, $0x38;
	[tilespmem:$0x1E080] =	vst v63  }
0x11a: {  	_ =	swait.ge [sflag:s15], $0x50  }
0x11b: {  	[sflag:s15] =	ssyncset.done $0x0  }
0x11c: {  	[sflag:s15] =	ssyncadd.s32 $0xFFFFFFB0  }
0x11d: {  	_ =	swait.ge [sflag:s15], $0x50  }
0x11e: {  	[sflag:s15] =	ssyncset.done $0x0  }
0x11f: {  	[sflag:s15] =	ssyncadd.s32 $0xFFFFFFB0  }
0x120: {  	_ =	swait.ge [sflag:s15], $0x50  }
0x121: {  	[sflag:s15] =	ssyncset.done $0x0  }
0x122: {  	[sflag:s15] =	ssyncadd.s32 $0xFFFFFFB0  }
0x123: {  	v2 =	vld [tilespmem:$0x13B00]  }
0x124: {  	v3 =	vld [tilespmem:$0x13900]  }
0x125: {  	v42 =	vld [tilespmem:$0x13B10]  }
0x126: {  	v43 =	vld [tilespmem:$0x13910]  }
0x127: {  	v44 =	vld [tilespmem:$0x13B20]  }
0x128: {  	v45 =	vld [tilespmem:$0x13920]  }
0x129: {  	v46 =	vld [tilespmem:$0x13B30]  }
0x12a: {  	v47 =	vld [tilespmem:$0x13930]  }
0x12b: {  	v48 =	vld [tilespmem:$0x13B40]  }
0x12c: {  	v49 =	vld [tilespmem:$0x13940];
	v2 =	vmul.u32 $0x2710, v2  }
0x12d: {  	v3 =	vadd.s32 v0, v3;
	v4 =	vmul.u32 $0x2710, v42  }
0x12e: {  	v50 =	vmul.u32 $0x2710, v44;
	v2 =	vadd.s32 v2, v3;
	v3 =	vadd.s32 v0, v43  }
0x12f: {  	v51 =	vmul.u32 $0x2710, v46;
	[tilespmem:$0x13F00] =	vst v2;
	v2 =	vadd.s32 v4, v3;
	v3 =	vadd.s32 v0, v45  }
0x130: {  	v52 =	vmul.u32 $0x2710, v48;
	[tilespmem:$0x13F10] =	vst v2;
	v2 =	vadd.s32 v50, v3;
	v3 =	vadd.s32 v0, v47  }
0x131: {  	[tilespmem:$0x13F20] =	vst v2;
	v2 =	vadd.s32 v51, v3;
	v3 =	vadd.s32 v0, v49  }
0x132: {  	[tilespmem:$0x13F30] =	vst v2;
	v2 =	vadd.s32 v52, v3  }
0x133: {  	[tilespmem:$0x13F40] =	vst v2  }
0x134: {  	[tilespmem:s28], [sflag:$0x2] =	stream.indirect.gather [hbm4b:s23+s16], $0x80, s30, s16, $0xb8;
	[tilespmem:$0x1E080] =	vst v63  }
0x135: {  	_ =	swait.ge [sflag:s29], $0x2800  }
0x136: {  	[sflag:s29] =	ssyncset.done $0x0  }
0x137: {  	[sflag:s29] =	ssyncadd.s32 $0xFFFFD800  }
0x138: {  	[spmem:s2] =	stream.indirect.scatter.add.f32 [tilespmem:s7], [sflag:$0x3], $0x80, s11, s16, $0xb8;
	[tilespmem:$0x1E080] =	vst v63  }
0x139: {  	_ =	swait.ge [sflag:s8], $0x2800  }
0x13a: {  	[sflag:s8] =	ssyncset.done $0x0  }
0x13b: {  	s12 =	sadd.s32 $0x46, s26;
	[sflag:s8] =	ssyncadd.s32 $0xFFFFD800  }
0x13c: {  	[tilespmem:s31], [sflag:$0x1] =	stream.linear.gather [hbm4b:s12+s3], $0x50, $0x38;
	[tilespmem:$0x1E080] =	vst v63  }
0x13d: {  	s22 =	sadd.s32 $0x46, s22  }
0x13e: {  	[tilespmem:s1], [sflag:$0x1] =	stream.linear.gather [hbm4b:s22+s3], $0x50, $0x38;
	[tilespmem:$0x1E080] =	vst v63  }
0x13f: {  	s22 =	sadd.s32 $0x4E66, s26  }
0x140: {  	[tilespmem:s0], [sflag:$0x1] =	stream.linear.gather [hbm4b:s22+s3], $0x50, $0x38;
	[tilespmem:$0x1E080] =	vst v63  }
0x141: {  	_ =	swait.ge [sflag:s15], $0x50  }
0x142: {  	[sflag:s15] =	ssyncset.done $0x0  }
0x143: {  	[sflag:s15] =	ssyncadd.s32 $0xFFFFFFB0  }
0x144: {  	_ =	swait.ge [sflag:s15], $0x50  }
0x145: {  	[sflag:s15] =	ssyncset.done $0x0  }
0x146: {  	[sflag:s15] =	ssyncadd.s32 $0xFFFFFFB0  }
0x147: {  	_ =	swait.ge [sflag:s15], $0x50  }
0x148: {  	[sflag:s15] =	ssyncset.done $0x0  }
0x149: {  	[sflag:s15] =	ssyncadd.s32 $0xFFFFFFB0  }
0x14a: {  	v2 =	vld [tilespmem:$0x13B80]  }
0x14b: {  	v3 =	vld [tilespmem:$0x13980]  }
0x14c: {  	v53 =	vld [tilespmem:$0x13B90]  }
0x14d: {  	v54 =	vld [tilespmem:$0x13990]  }
0x14e: {  	v55 =	vld [tilespmem:$0x13BA0]  }
0x14f: {  	v56 =	vld [tilespmem:$0x139A0]  }
0x150: {  	v57 =	vld [tilespmem:$0x13BB0]  }
0x151: {  	v58 =	vld [tilespmem:$0x139B0]  }
0x152: {  	v59 =	vld [tilespmem:$0x13BC0]  }
0x153: {  	v60 =	vld [tilespmem:$0x139C0];
	v2 =	vmul.u32 $0x2710, v2  }
0x154: {  	v3 =	vadd.s32 v0, v3;
	v4 =	vmul.u32 $0x2710, v53  }
0x155: {  	v61 =	vmul.u32 $0x2710, v55;
	v2 =	vadd.s32 v2, v3;
	v3 =	vadd.s32 v0, v54  }
0x156: {  	v62 =	vmul.u32 $0x2710, v57;
	[tilespmem:$0x13F80] =	vst v2;
	v2 =	vadd.s32 v4, v3;
	v3 =	vadd.s32 v0, v56  }
0x157: {  	v63 =	vmul.u32 $0x2710, v59;
	[tilespmem:$0x13F90] =	vst v2;
	v2 =	vadd.s32 v61, v3;
	v3 =	vadd.s32 v0, v58  }
0x158: {  	[tilespmem:$0x13FA0] =	vst v2;
	v2 =	vadd.s32 v62, v3;
	v3 =	vadd.s32 v0, v60  }
0x159: {  	[tilespmem:$0x13FB0] =	vst v2;
	v2 =	vadd.s32 v63, v3  }
0x15a: {  	p1 =	sne.s32 s25, $0x460;
	s26 =	simm.s32 $0x13F80;
	[tilespmem:$0x13FC0] =	vst v2  }
0x15b: {  	[tilespmem:s4], [sflag:$0x2] =	stream.indirect.gather [hbm4b:s23+s16], $0x80, s26, s16, $0xb8;
	[tilespmem:$0x1E080] =	vst v63  }
.Ltmp5:
0x15c: {  	_ = 	snop;
	(pc) =	sbr.rel @p1 .LBB2_8-.Ltmp5, $4  }
0x15d: {  	_ =	swait.ge [sflag:s29], $0x2800  }
0x15e: {  	[sflag:s29] =	ssyncset.done $0x0  }
0x15f: {  	s25 =	sadd.s32 $0x28, s25;
	[sflag:s29] =	ssyncadd.s32 $0xFFFFD800  }
0x160: {  	[spmem:s2] =	stream.indirect.scatter.add.f32 [tilespmem:s28], [sflag:$0x3], $0x80, s14, s16, $0xb8;
	[tilespmem:$0x1E080] =	vst v63  }
0x161: {  	_ =	swait.ge [sflag:s8], $0x2800  }
0x162: {  	[sflag:s8] =	ssyncset.done $0x0;
	s12 =	rddreg [dreg:$0xd]  }
0x163: {  	s22 =	rddreg [dreg:$0xe];
	[sflag:s8] =	ssyncadd.s32 $0xFFFFD800  }
0x164: {  	[tilespmem:s10], [sflag:$0x1] =	stream.linear.gather [hbm4b:s12+s3], $0x50, $0x38;
	[tilespmem:$0x1E080] =	vst v63  }
0x165: {  	s25 =	sld [smem:$0x7F9]  }
0x166: {  	[tilespmem:s17], [sflag:$0x1] =	stream.linear.gather [hbm4b:s22+s3], $0x50, $0x38;
	[tilespmem:$0x1E080] =	vst v63  }
0x167: {  	_ = 	snop  }
0x168: {  	[tilespmem:s11], [sflag:$0x1] =	stream.linear.gather [hbm4b:s25+s3], $0x50, $0x38;
	[tilespmem:$0x1E080] =	vst v63  }
0x169: {  	_ =	swait.ge [sflag:s15], $0x50  }
0x16a: {  	[sflag:s15] =	ssyncset.done $0x0  }
0x16b: {  	[sflag:s15] =	ssyncadd.s32 $0xFFFFFFB0  }
0x16c: {  	_ =	swait.ge [sflag:s15], $0x50  }
0x16d: {  	[sflag:s15] =	ssyncset.done $0x0  }
0x16e: {  	[sflag:s15] =	ssyncadd.s32 $0xFFFFFFB0  }
0x16f: {  	_ =	swait.ge [sflag:s15], $0x50  }
0x170: {  	[sflag:s15] =	ssyncset.done $0x0  }
0x171: {  	[sflag:s15] =	ssyncadd.s32 $0xFFFFFFB0  }
0x172: {  	v2 =	vld [tilespmem:$0x13C00]  }
0x173: {  	v3 =	vld [tilespmem:$0x13A00]  }
0x174: {  	v4 =	vld [tilespmem:$0x13C10]  }
0x175: {  	v5 =	vld [tilespmem:$0x13A10]  }
0x176: {  	v6 =	vld [tilespmem:$0x13C20]  }
0x177: {  	v7 =	vld [tilespmem:$0x13A20]  }
0x178: {  	v8 =	vld [tilespmem:$0x13C30]  }
0x179: {  	v9 =	vld [tilespmem:$0x13A30]  }
0x17a: {  	v10 =	vld [tilespmem:$0x13C40]  }
0x17b: {  	v11 =	vld [tilespmem:$0x13A40];
	v2 =	vmul.u32 $0x2710, v2  }
0x17c: {  	v3 =	vadd.s32 v0, v3;
	v4 =	vmul.u32 $0x2710, v4  }
0x17d: {  	v58 =	vmul.u32 $0x2710, v6;
	v2 =	vadd.s32 v2, v3;
	v3 =	vadd.s32 v0, v5  }
0x17e: {  	v59 =	vmul.u32 $0x2710, v8;
	[tilespmem:$0x14000] =	vst v2;
	v2 =	vadd.s32 v4, v3;
	v3 =	vadd.s32 v0, v7  }
0x17f: {  	v60 =	vmul.u32 $0x2710, v10;
	[tilespmem:$0x14010] =	vst v2;
	v2 =	vadd.s32 v58, v3;
	v3 =	vadd.s32 v0, v9  }
0x180: {  	[tilespmem:$0x14020] =	vst v2;
	v2 =	vadd.s32 v59, v3;
	v3 =	vadd.s32 v0, v11  }
0x181: {  	[tilespmem:$0x14030] =	vst v2;
	v2 =	vadd.s32 v60, v3  }
0x182: {  	s5 =	simm.s32 $0x14000;
	[tilespmem:$0x14040] =	vst v2  }
0x183: {  	[tilespmem:s6], [sflag:$0x2] =	stream.indirect.gather [hbm4b:s23+s16], $0x80, s5, s16, $0xb8;
	[tilespmem:$0x1E080] =	vst v63  }
0x184: {  	_ =	swait.ge [sflag:s29], $0x2800  }
0x185: {  	[sflag:s29] =	ssyncset.done $0x0  }
0x186: {  	[sflag:s29] =	ssyncadd.s32 $0xFFFFD800  }
0x187: {  	[spmem:s2] =	stream.indirect.scatter.add.f32 [tilespmem:s4], [sflag:$0x3], $0x80, s21, s16, $0xb8;
	[tilespmem:$0x1E080] =	vst v63  }
0x188: {  	_ =	swait.ge [sflag:s8], $0x2800  }
0x189: {  	[sflag:s8] =	ssyncset.done $0x0;
	s26 =	rddreg [dreg:$0xf]  }
0x18a: {  	s9 =	rddreg [dreg:$0x10];
	[sflag:s8] =	ssyncadd.s32 $0xFFFFD800  }
0x18b: {  	[tilespmem:s13], [sflag:$0x1] =	stream.linear.gather [hbm4b:s26+s3], $0x50, $0x38;
	[tilespmem:$0x1E080] =	vst v63  }
0x18c: {  	s13 =	sld [smem:$0x7FA]  }
0x18d: {  	[tilespmem:s19], [sflag:$0x1] =	stream.linear.gather [hbm4b:s9+s3], $0x50, $0x38;
	[tilespmem:$0x1E080] =	vst v63  }
0x18e: {  	_ = 	snop  }
0x18f: {  	[tilespmem:s14], [sflag:$0x1] =	stream.linear.gather [hbm4b:s13+s3], $0x50, $0x38;
	[tilespmem:$0x1E080] =	vst v63  }
0x190: {  	_ =	swait.ge [sflag:s15], $0x50  }
0x191: {  	[sflag:s15] =	ssyncset.done $0x0  }
0x192: {  	[sflag:s15] =	ssyncadd.s32 $0xFFFFFFB0  }
0x193: {  	_ =	swait.ge [sflag:s15], $0x50  }
0x194: {  	[sflag:s15] =	ssyncset.done $0x0  }
0x195: {  	[sflag:s15] =	ssyncadd.s32 $0xFFFFFFB0  }
0x196: {  	_ =	swait.ge [sflag:s15], $0x50  }
0x197: {  	[sflag:s15] =	ssyncset.done $0x0  }
0x198: {  	[sflag:s15] =	ssyncadd.s32 $0xFFFFFFB0  }
0x199: {  	v2 =	vld [tilespmem:$0x13A80]  }
0x19a: {  	v3 =	vld [tilespmem:$0x13880]  }
0x19b: {  	v61 =	vld [tilespmem:$0x13A90]  }
0x19c: {  	v62 =	vld [tilespmem:$0x13890]  }
0x19d: {  	v63 =	vld [tilespmem:$0x13AA0]  }
0x19e: {  	v12 =	vld [tilespmem:$0x138A0]  }
0x19f: {  	v13 =	vld [tilespmem:$0x13AB0]  }
0x1a0: {  	v14 =	vld [tilespmem:$0x138B0]  }
0x1a1: {  	v15 =	vld [tilespmem:$0x13AC0]  }
0x1a2: {  	v16 =	vld [tilespmem:$0x138C0];
	v2 =	vmul.u32 $0x2710, v2  }
0x1a3: {  	v3 =	vadd.s32 v0, v3;
	v4 =	vmul.u32 $0x2710, v61  }
0x1a4: {  	v17 =	vmul.u32 $0x2710, v63;
	v2 =	vadd.s32 v2, v3;
	v3 =	vadd.s32 v0, v62  }
0x1a5: {  	v18 =	vmul.u32 $0x2710, v13;
	[tilespmem:$0x13E80] =	vst v2;
	v2 =	vadd.s32 v4, v3;
	v3 =	vadd.s32 v0, v12  }
0x1a6: {  	v19 =	vmul.u32 $0x2710, v15;
	[tilespmem:$0x13E90] =	vst v2;
	v2 =	vadd.s32 v17, v3;
	v3 =	vadd.s32 v0, v14  }
0x1a7: {  	[tilespmem:$0x13EA0] =	vst v2;
	v2 =	vadd.s32 v18, v3;
	v3 =	vadd.s32 v0, v16  }
0x1a8: {  	[tilespmem:$0x13EB0] =	vst v2;
	v2 =	vadd.s32 v19, v3  }
0x1a9: {  	s9 =	simm.s32 $0x13E80;
	[tilespmem:$0x13EC0] =	vst v2  }
0x1aa: {  	[tilespmem:s7], [sflag:$0x2] =	stream.indirect.gather [hbm4b:s23+s16], $0x80, s9, s16, $0xb8;
	[tilespmem:$0x1E080] =	vst v63  }
0x1ab: {  	_ =	swait.ge [sflag:s29], $0x2800  }
0x1ac: {  	[sflag:s29] =	ssyncset.done $0x0  }
0x1ad: {  	[sflag:s29] =	ssyncadd.s32 $0xFFFFD800  }
0x1ae: {  	[spmem:s2] =	stream.indirect.scatter.add.f32 [tilespmem:s6], [sflag:$0x3], $0x80, s0, s16, $0xb8;
	[tilespmem:$0x1E080] =	vst v63  }
0x1af: {  	_ =	swait.ge [sflag:s8], $0x2800  }
0x1b0: {  	[sflag:s8] =	ssyncset.done $0x0  }
0x1b1: {  	s19 =	rddreg [dreg:$0x11];
	[sflag:s8] =	ssyncadd.s32 $0xFFFFD800  }
0x1b2: {  	[tilespmem:s20], [sflag:$0x1] =	stream.linear.gather [hbm4b:s19+s3], $0x50, $0x38;
	[tilespmem:$0x1E080] =	vst v63  }
0x1b3: {  	s22 =	rddreg [dreg:$0x12]  }
0x1b4: {  	[tilespmem:s24], [sflag:$0x1] =	stream.linear.gather [hbm4b:s22+s3], $0x50, $0x38;
	[tilespmem:$0x1E080] =	vst v63  }
0x1b5: {  	s24 =	sld [smem:$0x7FB];
	_ =	sdelay $0x2  }
0x1b6: {  	[tilespmem:s21], [sflag:$0x1] =	stream.linear.gather [hbm4b:s24+s3], $0x50, $0x38;
	[tilespmem:$0x1E080] =	vst v63  }
0x1b7: {  	_ =	swait.ge [sflag:s15], $0x50  }
0x1b8: {  	[sflag:s15] =	ssyncset.done $0x0  }
0x1b9: {  	[sflag:s15] =	ssyncadd.s32 $0xFFFFFFB0  }
0x1ba: {  	_ =	swait.ge [sflag:s15], $0x50  }
0x1bb: {  	[sflag:s15] =	ssyncset.done $0x0  }
0x1bc: {  	[sflag:s15] =	ssyncadd.s32 $0xFFFFFFB0  }
0x1bd: {  	_ =	swait.ge [sflag:s15], $0x50  }
0x1be: {  	[sflag:s15] =	ssyncset.done $0x0  }
0x1bf: {  	[sflag:s15] =	ssyncadd.s32 $0xFFFFFFB0  }
0x1c0: {  	v2 =	vld [tilespmem:$0x13B00]  }
0x1c1: {  	v3 =	vld [tilespmem:$0x13900]  }
0x1c2: {  	v20 =	vld [tilespmem:$0x13B10]  }
0x1c3: {  	v21 =	vld [tilespmem:$0x13910]  }
0x1c4: {  	v22 =	vld [tilespmem:$0x13B20]  }
0x1c5: {  	v23 =	vld [tilespmem:$0x13920]  }
0x1c6: {  	v24 =	vld [tilespmem:$0x13B30]  }
0x1c7: {  	v25 =	vld [tilespmem:$0x13930]  }
0x1c8: {  	v26 =	vld [tilespmem:$0x13B40]  }
0x1c9: {  	v27 =	vld [tilespmem:$0x13940];
	v2 =	vmul.u32 $0x2710, v2  }
0x1ca: {  	v3 =	vadd.s32 v0, v3;
	v4 =	vmul.u32 $0x2710, v20  }
0x1cb: {  	v28 =	vmul.u32 $0x2710, v22;
	v2 =	vadd.s32 v2, v3;
	v3 =	vadd.s32 v0, v21  }
0x1cc: {  	v29 =	vmul.u32 $0x2710, v24;
	[tilespmem:$0x13F00] =	vst v2;
	v2 =	vadd.s32 v4, v3;
	v3 =	vadd.s32 v0, v23  }
0x1cd: {  	v30 =	vmul.u32 $0x2710, v26;
	[tilespmem:$0x13F10] =	vst v2;
	v2 =	vadd.s32 v28, v3;
	v3 =	vadd.s32 v0, v25  }
0x1ce: {  	[tilespmem:$0x13F20] =	vst v2;
	v2 =	vadd.s32 v29, v3;
	v3 =	vadd.s32 v0, v27  }
0x1cf: {  	[tilespmem:$0x13F30] =	vst v2;
	v2 =	vadd.s32 v30, v3  }
0x1d0: {  	[tilespmem:$0x13F40] =	vst v2  }
0x1d1: {  	[tilespmem:s28], [sflag:$0x2] =	stream.indirect.gather [hbm4b:s23+s16], $0x80, s30, s16, $0xb8;
	[tilespmem:$0x1E080] =	vst v63  }
0x1d2: {  	_ =	swait.ge [sflag:s29], $0x2800  }
0x1d3: {  	[sflag:s29] =	ssyncset.done $0x0  }
0x1d4: {  	[sflag:s29] =	ssyncadd.s32 $0xFFFFD800  }
0x1d5: {  	[spmem:s2] =	stream.indirect.scatter.add.f32 [tilespmem:s7], [sflag:$0x3], $0x80, s11, s16, $0xb8;
	[tilespmem:$0x1E080] =	vst v63  }
0x1d6: {  	_ =	swait.ge [sflag:s8], $0x2800  }
0x1d7: {  	[sflag:s8] =	ssyncset.done $0x0  }
0x1d8: {  	s25 =	rddreg [dreg:$0x13];
	[sflag:s8] =	ssyncadd.s32 $0xFFFFD800  }
0x1d9: {  	[tilespmem:s31], [sflag:$0x1] =	stream.linear.gather [hbm4b:s25+s3], $0x50, $0x38;
	[tilespmem:$0x1E080] =	vst v63  }
0x1da: {  	s26 =	rddreg [dreg:$0x14]  }
0x1db: {  	[tilespmem:s1], [sflag:$0x1] =	stream.linear.gather [hbm4b:s26+s3], $0x50, $0x38;
	[tilespmem:$0x1E080] =	vst v63  }
0x1dc: {  	s1 =	sld [smem:$0x7FC];
	_ =	sdelay $0x2  }
0x1dd: {  	[tilespmem:s0], [sflag:$0x1] =	stream.linear.gather [hbm4b:s1+s3], $0x50, $0x38;
	[tilespmem:$0x1E080] =	vst v63  }
0x1de: {  	_ =	swait.ge [sflag:s15], $0x50  }
0x1df: {  	[sflag:s15] =	ssyncset.done $0x0  }
0x1e0: {  	[sflag:s15] =	ssyncadd.s32 $0xFFFFFFB0  }
0x1e1: {  	_ =	swait.ge [sflag:s15], $0x50  }
0x1e2: {  	[sflag:s15] =	ssyncset.done $0x0  }
0x1e3: {  	[sflag:s15] =	ssyncadd.s32 $0xFFFFFFB0  }
0x1e4: {  	_ =	swait.ge [sflag:s15], $0x50  }
0x1e5: {  	[sflag:s15] =	ssyncset.done $0x0  }
0x1e6: {  	[sflag:s15] =	ssyncadd.s32 $0xFFFFFFB0  }
0x1e7: {  	v2 =	vld [tilespmem:$0x13B80]  }
0x1e8: {  	v3 =	vld [tilespmem:$0x13980]  }
0x1e9: {  	v31 =	vld [tilespmem:$0x13B90]  }
0x1ea: {  	v32 =	vld [tilespmem:$0x13990]  }
0x1eb: {  	v33 =	vld [tilespmem:$0x13BA0]  }
0x1ec: {  	v34 =	vld [tilespmem:$0x139A0]  }
0x1ed: {  	v35 =	vld [tilespmem:$0x13BB0]  }
0x1ee: {  	v36 =	vld [tilespmem:$0x139B0]  }
0x1ef: {  	v37 =	vld [tilespmem:$0x13BC0]  }
0x1f0: {  	v38 =	vld [tilespmem:$0x139C0];
	v2 =	vmul.u32 $0x2710, v2  }
0x1f1: {  	v3 =	vadd.s32 v0, v3;
	v4 =	vmul.u32 $0x2710, v31  }
0x1f2: {  	v39 =	vmul.u32 $0x2710, v33;
	v2 =	vadd.s32 v2, v3;
	v3 =	vadd.s32 v0, v32  }
0x1f3: {  	v40 =	vmul.u32 $0x2710, v35;
	[tilespmem:$0x13F80] =	vst v2;
	v2 =	vadd.s32 v4, v3;
	v3 =	vadd.s32 v0, v34  }
0x1f4: {  	v41 =	vmul.u32 $0x2710, v37;
	[tilespmem:$0x13F90] =	vst v2;
	v2 =	vadd.s32 v39, v3;
	v3 =	vadd.s32 v0, v36  }
0x1f5: {  	[tilespmem:$0x13FA0] =	vst v2;
	v2 =	vadd.s32 v40, v3;
	v3 =	vadd.s32 v0, v38  }
0x1f6: {  	[tilespmem:$0x13FB0] =	vst v2;
	v2 =	vadd.s32 v41, v3  }
0x1f7: {  	s13 =	simm.s32 $0x13F80;
	[tilespmem:$0x13FC0] =	vst v2  }
0x1f8: {  	[tilespmem:s4], [sflag:$0x2] =	stream.indirect.gather [hbm4b:s23+s16], $0x80, s13, s16, $0xb8;
	[tilespmem:$0x1E080] =	vst v63  }
0x1f9: {  	_ =	swait.ge [sflag:s29], $0x2800  }
0x1fa: {  	[sflag:s29] =	ssyncset.done $0x0  }
0x1fb: {  	[sflag:s29] =	ssyncadd.s32 $0xFFFFD800  }
0x1fc: {  	[spmem:s2] =	stream.indirect.scatter.add.f32 [tilespmem:s28], [sflag:$0x3], $0x80, s14, s16, $0xb8;
	[tilespmem:$0x1E080] =	vst v63  }
0x1fd: {  	_ =	swait.ge [sflag:s8], $0x2800  }
0x1fe: {  	[sflag:s8] =	ssyncset.done $0x0;
	s19 =	rddreg [dreg:$0x17]  }
0x1ff: {  	s20 =	rddreg [dreg:$0x18];
	[sflag:s8] =	ssyncadd.s32 $0xFFFFD800  }
0x200: {  	[tilespmem:s10], [sflag:$0x1] =	stream.linear.gather [hbm4b:s19+s3], $0x50, $0x38;
	[tilespmem:$0x1E080] =	vst v63  }
0x201: {  	s22 =	sld [smem:$0x7FD]  }
0x202: {  	[tilespmem:s17], [sflag:$0x1] =	stream.linear.gather [hbm4b:s20+s3], $0x50, $0x38;
	[tilespmem:$0x1E080] =	vst v63  }
0x203: {  	_ = 	snop  }
0x204: {  	[tilespmem:s11], [sflag:$0x1] =	stream.linear.gather [hbm4b:s22+s3], $0x50, $0x38;
	[tilespmem:$0x1E080] =	vst v63  }
0x205: {  	_ =	swait.ge [sflag:s15], $0x50  }
0x206: {  	[sflag:s15] =	ssyncset.done $0x0  }
0x207: {  	[sflag:s15] =	ssyncadd.s32 $0xFFFFFFB0  }
0x208: {  	_ =	swait.ge [sflag:s15], $0x50  }
0x209: {  	[sflag:s15] =	ssyncset.done $0x0  }
0x20a: {  	[sflag:s15] =	ssyncadd.s32 $0xFFFFFFB0  }
0x20b: {  	_ =	swait.ge [sflag:s15], $0x50  }
0x20c: {  	[sflag:s15] =	ssyncset.done $0x0  }
0x20d: {  	[sflag:s15] =	ssyncadd.s32 $0xFFFFFFB0  }
0x20e: {  	v2 =	vld [tilespmem:$0x13C00]  }
0x20f: {  	v3 =	vld [tilespmem:$0x13A00]  }
0x210: {  	v42 =	vld [tilespmem:$0x13C10]  }
0x211: {  	v43 =	vld [tilespmem:$0x13A10]  }
0x212: {  	v44 =	vld [tilespmem:$0x13C20]  }
0x213: {  	v45 =	vld [tilespmem:$0x13A20]  }
0x214: {  	v46 =	vld [tilespmem:$0x13C30]  }
0x215: {  	v47 =	vld [tilespmem:$0x13A30]  }
0x216: {  	v48 =	vld [tilespmem:$0x13C40]  }
0x217: {  	v49 =	vld [tilespmem:$0x13A40];
	v2 =	vmul.u32 $0x2710, v2  }
0x218: {  	v3 =	vadd.s32 v0, v3;
	v4 =	vmul.u32 $0x2710, v42  }
0x219: {  	v50 =	vmul.u32 $0x2710, v44;
	v2 =	vadd.s32 v2, v3;
	v3 =	vadd.s32 v0, v43  }
0x21a: {  	v51 =	vmul.u32 $0x2710, v46;
	[tilespmem:$0x14000] =	vst v2;
	v2 =	vadd.s32 v4, v3;
	v3 =	vadd.s32 v0, v45  }
0x21b: {  	v52 =	vmul.u32 $0x2710, v48;
	[tilespmem:$0x14010] =	vst v2;
	v2 =	vadd.s32 v50, v3;
	v3 =	vadd.s32 v0, v47  }
0x21c: {  	[tilespmem:$0x14020] =	vst v2;
	v2 =	vadd.s32 v51, v3;
	v3 =	vadd.s32 v0, v49  }
0x21d: {  	[tilespmem:$0x14030] =	vst v2;
	v2 =	vadd.s32 v52, v3  }
0x21e: {  	[tilespmem:$0x14040] =	vst v2  }
0x21f: {  	[tilespmem:s6], [sflag:$0x2] =	stream.indirect.gather [hbm4b:s23+s16], $0x80, s5, s16, $0xb8;
	[tilespmem:$0x1E080] =	vst v63  }
0x220: {  	_ =	swait.ge [sflag:s29], $0x2800  }
0x221: {  	[sflag:s29] =	ssyncset.done $0x0  }
0x222: {  	[sflag:s29] =	ssyncadd.s32 $0xFFFFD800  }
0x223: {  	[spmem:s2] =	stream.indirect.scatter.add.f32 [tilespmem:s4], [sflag:$0x3], $0x80, s21, s16, $0xb8;
	[tilespmem:$0x1E080] =	vst v63  }
0x224: {  	_ =	swait.ge [sflag:s8], $0x2800  }
0x225: {  	[sflag:s8] =	ssyncset.done $0x0  }
0x226: {  	[sflag:s8] =	ssyncadd.s32 $0xFFFFD800  }
0x227: {  	_ =	swait.ge [sflag:s15], $0x50  }
0x228: {  	[sflag:s15] =	ssyncset.done $0x0  }
0x229: {  	[sflag:s15] =	ssyncadd.s32 $0xFFFFFFB0  }
0x22a: {  	_ =	swait.ge [sflag:s15], $0x50  }
0x22b: {  	[sflag:s15] =	ssyncset.done $0x0  }
0x22c: {  	[sflag:s15] =	ssyncadd.s32 $0xFFFFFFB0  }
0x22d: {  	_ =	swait.ge [sflag:s15], $0x50  }
0x22e: {  	[sflag:s15] =	ssyncset.done $0x0  }
0x22f: {  	[sflag:s15] =	ssyncadd.s32 $0xFFFFFFB0  }
0x230: {  	v2 =	vld [tilespmem:$0x13A80]  }
0x231: {  	v3 =	vld [tilespmem:$0x13880]  }
0x232: {  	v53 =	vld [tilespmem:$0x13A90]  }
0x233: {  	v54 =	vld [tilespmem:$0x13890]  }
0x234: {  	v55 =	vld [tilespmem:$0x13AA0]  }
0x235: {  	v56 =	vld [tilespmem:$0x138A0]  }
0x236: {  	v57 =	vld [tilespmem:$0x13AB0]  }
0x237: {  	v58 =	vld [tilespmem:$0x138B0]  }
0x238: {  	v59 =	vld [tilespmem:$0x13AC0]  }
0x239: {  	v60 =	vld [tilespmem:$0x138C0];
	v2 =	vmul.u32 $0x2710, v2  }
0x23a: {  	v3 =	vadd.s32 v0, v3;
	v4 =	vmul.u32 $0x2710, v53  }
0x23b: {  	v61 =	vmul.u32 $0x2710, v55;
	v2 =	vadd.s32 v2, v3;
	v3 =	vadd.s32 v0, v54  }
0x23c: {  	v62 =	vmul.u32 $0x2710, v57;
	[tilespmem:$0x13E80] =	vst v2;
	v2 =	vadd.s32 v4, v3;
	v3 =	vadd.s32 v0, v56  }
0x23d: {  	v63 =	vmul.u32 $0x2710, v59;
	[tilespmem:$0x13E90] =	vst v2;
	v2 =	vadd.s32 v61, v3;
	v3 =	vadd.s32 v0, v58  }
0x23e: {  	[tilespmem:$0x13EA0] =	vst v2;
	v2 =	vadd.s32 v62, v3;
	v3 =	vadd.s32 v0, v60  }
0x23f: {  	[tilespmem:$0x13EB0] =	vst v2;
	v2 =	vadd.s32 v63, v3  }
0x240: {  	[tilespmem:$0x13EC0] =	vst v2  }
0x241: {  	[tilespmem:s7], [sflag:$0x2] =	stream.indirect.gather [hbm4b:s23+s16], $0x80, s9, s16, $0xb8;
	[tilespmem:$0x1E080] =	vst v63  }
0x242: {  	_ =	swait.ge [sflag:s29], $0x2800  }
0x243: {  	[sflag:s29] =	ssyncset.done $0x0  }
0x244: {  	[sflag:s29] =	ssyncadd.s32 $0xFFFFD800  }
0x245: {  	[spmem:s2] =	stream.indirect.scatter.add.f32 [tilespmem:s6], [sflag:$0x3], $0x80, s0, s16, $0xb8;
	[tilespmem:$0x1E080] =	vst v63  }
0x246: {  	_ =	swait.ge [sflag:s8], $0x2800  }
0x247: {  	[sflag:s8] =	ssyncset.done $0x0  }
0x248: {  	[sflag:s8] =	ssyncadd.s32 $0xFFFFD800  }
0x249: {  	_ =	swait.ge [sflag:s29], $0x2800  }
0x24a: {  	[sflag:s29] =	ssyncset.done $0x0  }
0x24b: {  	[sflag:s29] =	ssyncadd.s32 $0xFFFFD800  }
0x24c: {  	[spmem:s2] =	stream.indirect.scatter.add.f32 [tilespmem:s7], [sflag:$0x3], $0x80, s11, s16, $0xb8;
	[tilespmem:$0x1E080] =	vst v63  }
0x24d: {  	_ =	swait.ge [sflag:s8], $0x2800  }
0x24e: {  	[sflag:s8] =	ssyncset.done $0x0  }
0x24f: {  	[sflag:s8] =	ssyncadd.s32 $0xFFFFD800  }
0x250: {  	_ =	swait.ge [sflag:s8], $0x2800  }
0x251: {  	[sflag:s8] =	ssyncset.done $0x0  }
0x252: {  	[sflag:s8] =	ssyncadd.s32 $0xFFFFD800  }
0x253: {  	[bflag:$0x0] =	sbarrier.arrive $0xFFFF  }
0x254: {  	s25 =	rddreg [dreg:$0x1c]  }
0x255: {  	[tilespmem:s7], [sflag:$0x4] =	stream.linear.gather [spmem:s25], $0x2800, $0x38;
	[tilespmem:$0x1E080] =	vst v63  }
0x256: {  	_ =	swait.ge [sflag:s18], $0x2800  }
0x257: {  	s30 =	simm.s32 $0x13A00;
	[sflag:s18] =	ssyncset.done $0x0  }
.Ltmp6:
0x258: {  	s26 =	rddreg [dreg:$0x19];
	[sflag:s18] =	ssyncadd.s32 $0xFFFFD800;
	(pc) =	sbr.rel @!p0 .LBB2_11-.Ltmp6, $4  }
0x259: {  	[hbm4b:s26+s3] =	stream.linear.scatter [tilespmem:s7], [sflag:$0x4], $0x2800, $0x38;
	[tilespmem:$0x1E080] =	vst v63  }
0x25a: {  	s1 =	simm.s32 $0x13C00;
	s10 =	simm.s32 $0x13A80;
	_ =	swait.ge [sflag:s18], $0x2800  }
0x25b: {  	s17 =	simm.s32 $0x13E80;
	s5 =	simm.s32 $0x13F80;
	s24 =	rddreg [dreg:$0x1b]  }
0x25c: {  	s9 =	simm.s32 $0x13880;
	[sflag:s18] =	ssyncset.done $0x0;
	s22 =	sadd.s32 $0xFFFFFFFF, s24  }
.LBB2_10:
0x25d: {  	[sflag:s18] =	ssyncadd.s32 $0xFFFFD800;
	s25 =	sadd.s32 $0x28000, s25;
	s26 =	sadd.s32 $0x5000, s26  }
0x25e: {  	[tilespmem:s7], [sflag:$0x4] =	stream.linear.gather [spmem:s25], $0x2800, $0x38;
	[tilespmem:$0x1E080] =	vst v63  }
0x25f: {  	p0 =	sne.s32 s22, $0x1;
	s22 =	sadd.s32 $0xFFFFFFFF, s22;
	_ =	swait.ge [sflag:s18], $0x2800  }
.Ltmp7:
0x260: {  	[sflag:s18] =	ssyncset.done $0x0;
	(pc) =	sbr.rel @p0 .LBB2_10-.Ltmp7, $4  }
0x261: {  	[sflag:s18] =	ssyncadd.s32 $0xFFFFD800  }
0x262: {  	[hbm4b:s26+s3] =	stream.linear.scatter [tilespmem:s7], [sflag:$0x4], $0x2800, $0x38;
	[tilespmem:$0x1E080] =	vst v63  }
0x263: {  	_ =	swait.ge [sflag:s18], $0x2800  }
0x264: {  	[sflag:s18] =	ssyncset.done $0x0  }
.LBB2_11:
0x265: {  	s22 =	sld [smem:$0x7F7];
	_ =	sdelay $0x2  }
0x266: {  	s12 =	rddreg [dreg:$0x1a];
	s22 =	sadd.s32 $0x1, s22  }
0x267: {  	p0 =	sne.s32 s22, s12  }
.Ltmp8:
0x268: {  	_ = 	snop;
	(pc) =	sbr.rel @p0 .LBB2_1-.Ltmp8, $3  }
0x269: {  	_ =	sdelay $0x1  }
0x26a: {  	[sflag:s18] =	ssyncadd.s32 $0xFFFFD800;
	s13 =	simm.s32 $0x13900;
	s19 =	simm.s32 $0x13B00  }
0x26b: {  	s20 =	simm.s32 $0x13980;
	s24 =	simm.s32 $0x13B80;
	s26 =	simm.s32 $0x13F00  }
0x26c: {  	_ =	sfence.sel $0x180000  }
0x26d: {  	[bflag:$0x0] =	sbarrier.arrive $0xFFFF  }
0x26e: {  	_ =	strace $0x90000047  }
0x26f: {  	s0 =	stileid.u32;
	[bflag:$0x2] =	sbarrier.arrive $0xFFFF  }
0x270: {  	p0 =	sne.s32 s0, $0x0;
	s0 =	rddreg [dreg:$0x4]  }
0x271: {  	s0 =	sadd.s32 @!p0 $0x100000, s0  }
0x272: {  	[sflag:s0] =	ssyncadd.tile.s32 @!p0 $0x1;
	_ =	shalt  }
.Lfunc_end2:
_tile_overlayer_lowered:
.L_overlay_start_2:
0x273: {  	(tag) =	ssettag $0x2  }
0x274: {  	s0 =	rddreg [dreg:$0x0];
	s2 =	stileid.u32  }
0x275: {  	s1 =	rddreg [dreg:$0x1];
	p0 =	sne.s32 s2, $0x0  }
0x276: {  	s3 =	rddreg [dreg:$0x2];
	[bflag:$0x3] =	sbarrier.arrive $0xFFFF;
	s2 =	simm.s32 @!p0 $0x1C04  }
0x277: {  	[timem:s3], [sflag:s2] =	dma.local @!p0 [hbm:s0], s1  }
0x278: {  	s0 =	simm.s32 @!p0 $0x4  }
0x279: {  	_ =	swait.ge @!p0 [sflag:s0], s1  }
0x27a: {  	s1 =	ssub.s32 @!p0 $0x0, s1;
	[sflag:s0] =	ssyncset.done @!p0 $0x0  }
0x27b: {  	[sflag:s0] =	ssyncadd.s32 @!p0 s1  }
0x27c: {  	[bflag:$0x3] =	sbarrier.arrive $0xFFFF  }
0x27d: {  	_ =	shalt  }

</sc_bundles>
